<compile_context>
chip_gen: v7x
topology: tpu7x:2x2x1
jax: 0.10.2.dev20260603
libtpu: 0.0.44.dev20260713+nightly
codegen_flags: <defaults>
</compile_context>

<pallas_src>
import jax
import jax.numpy as jnp
from jax import lax
from jax.experimental import pallas as pl
from jax.experimental.pallas import tpu as pltpu
from jax.experimental.pallas import tpu_sc as plsc

N = 10000
E = 320000
D = 128

NC = 2
NS = 16
NW = NC * NS
EPW = E // NW
K = 80
NCHUNK = EPW // K
ZCH = 80
NZC = N // ZCH
MAXM = -(-NZC // NS)


def _chunked(s, fn):
  for m in range(MAXM):
    cid = m * NS + s

    @pl.when(cid < NZC)
    def _():
      fn(cid * ZCH)


def _seg_pass_body(table, src, dst, zeros, out, acc,
                   idx_s0, idx_s1, idx_d0, idx_d1, rows0, rows1,
                   sem_i0, sem_i1, sem_g0, sem_g1):
  c = lax.axis_index("c")
  s = lax.axis_index("s")
  wid = c * NS + s

  _chunked(s, lambda r0: pltpu.sync_copy(zeros.at[pl.ds(r0, ZCH)],
                                         acc.at[pl.ds(r0, ZCH)]))
  plsc.subcore_barrier()

  base = wid * EPW
  idx_s = (idx_s0, idx_s1)
  idx_d = (idx_d0, idx_d1)
  rows = (rows0, rows1)
  sem_i = (sem_i0, sem_i1)
  sem_g = (sem_g0, sem_g1)

  def issue_idx(g, p):
    off = base + g * K
    pltpu.async_copy(src.at[pl.ds(off, K)], idx_s[p], sem_i[p])
    pltpu.async_copy(dst.at[pl.ds(off, K)], idx_d[p], sem_i[p])

  def wait_idx(g, p):
    off = base + g * K
    pltpu.make_async_copy(src.at[pl.ds(off, K)], idx_s[p], sem_i[p]).wait()
    pltpu.make_async_copy(dst.at[pl.ds(off, K)], idx_d[p], sem_i[p]).wait()

  def start_gather(p):
    pltpu.async_copy(table.at[idx_s[p]], rows[p], sem_g[p])

  def wait_gather(p):
    pltpu.make_async_copy(table.at[idx_s[p]], rows[p], sem_g[p]).wait()

  def scatter(p):
    pltpu.sync_copy(rows[p], acc.at[idx_d[p]], add=True)

  issue_idx(0, 0)
  wait_idx(0, 0)
  start_gather(0)
  issue_idx(1, 1)

  def body(b, carry):
    g1 = 2 * b + 1
    g2 = 2 * b + 2
    g3 = 2 * b + 3

    @pl.when(g1 < NCHUNK)
    def _():
      wait_idx(g1, 1)
      start_gather(1)
    wait_gather(0)
    scatter(0)

    @pl.when(g2 < NCHUNK)
    def _():
      issue_idx(g2, 0)

    @pl.when(g1 < NCHUNK)
    def _():
      @pl.when(g2 < NCHUNK)
      def _():
        wait_idx(g2, 0)
        start_gather(0)
      wait_gather(1)
      scatter(1)

      @pl.when(g3 < NCHUNK)
      def _():
        issue_idx(g3, 1)
    return carry

  lax.fori_loop(0, (NCHUNK + 1) // 2, body, 0)
  plsc.subcore_barrier()

  _chunked(s, lambda r0: pltpu.sync_copy(acc.at[pl.ds(r0, ZCH)],
                                         out.at[c, pl.ds(r0, ZCH)]))


def _deg_pass_body(dst, zeros, ones80, out, dacc, idx_d0, idx_d1, ones_v,
                   sem_i0, sem_i1):
  c = lax.axis_index("c")
  s = lax.axis_index("s")
  wid = c * NS + s

  pltpu.sync_copy(ones80, ones_v)
  _chunked(s, lambda r0: pltpu.sync_copy(zeros.at[pl.ds(r0, ZCH)],
                                         dacc.at[pl.ds(r0, ZCH)]))
  plsc.subcore_barrier()

  base = wid * EPW
  idx_d = (idx_d0, idx_d1)
  sem_i = (sem_i0, sem_i1)

  def issue_idx(g, p):
    pltpu.async_copy(dst.at[pl.ds(base + g * K, K)], idx_d[p], sem_i[p])

  def wait_idx(g, p):
    pltpu.make_async_copy(dst.at[pl.ds(base + g * K, K)], idx_d[p],
                          sem_i[p]).wait()

  def scatter(p):
    pltpu.sync_copy(ones_v, dacc.at[idx_d[p]], add=True)

  issue_idx(0, 0)
  issue_idx(1, 1)

  def body(b, carry):
    g1 = 2 * b + 1
    g2 = 2 * b + 2
    g3 = 2 * b + 3
    wait_idx(2 * b, 0)
    scatter(0)

    @pl.when(g2 < NCHUNK)
    def _():
      issue_idx(g2, 0)

    @pl.when(g1 < NCHUNK)
    def _():
      wait_idx(g1, 1)
      scatter(1)

      @pl.when(g3 < NCHUNK)
      def _():
        issue_idx(g3, 1)
    return carry

  lax.fori_loop(0, (NCHUNK + 1) // 2, body, 0)
  plsc.subcore_barrier()

  _chunked(s, lambda r0: pltpu.sync_copy(dacc.at[pl.ds(r0, ZCH)],
                                         out.at[c, pl.ds(r0, ZCH)]))


_SC_MESH = plsc.VectorSubcoreMesh(core_axis_name="c", subcore_axis_name="s")

_seg_pass = pl.kernel(
    _seg_pass_body,
    out_type=jax.ShapeDtypeStruct((NC, N, D), jnp.float32),
    mesh=_SC_MESH,
    scratch_types=(
        [pltpu.VMEM_SHARED((N, D), jnp.float32)]
        + [pltpu.VMEM((K,), jnp.int32)] * 4
        + [pltpu.VMEM((K, D), jnp.float32)] * 2
        + [pltpu.SemaphoreType.DMA] * 4
    ),
)

_deg_pass = pl.kernel(
    _deg_pass_body,
    out_type=jax.ShapeDtypeStruct((NC, N, D), jnp.float32),
    mesh=_SC_MESH,
    scratch_types=(
        [pltpu.VMEM_SHARED((N, D), jnp.float32)]
        + [pltpu.VMEM((K,), jnp.int32)] * 2
        + [pltpu.VMEM((K, D), jnp.float32)]
        + [pltpu.SemaphoreType.DMA] * 2
    ),
)



B1 = 1000
BD = 400


def _layer1_body(f_ref, agg_ref, deg_ref, w_ref, b_ref, h_ref):
  agg = agg_ref[0] + agg_ref[1]
  deg = deg_ref[0, :, 0:1] + deg_ref[1, :, 0:1]
  x = f_ref[...] + agg / jnp.maximum(deg, 1.0)
  y = jnp.dot(x, w_ref[...], preferred_element_type=jnp.float32) + b_ref[...]
  h_ref[...] = jnp.maximum(y, 0.0)


def _layer2_body(h_ref, agg_ref, w_ref, b_ref, z_ref):
  x = h_ref[...] + agg_ref[0] + agg_ref[1]
  y = jnp.dot(x, w_ref[...], preferred_element_type=jnp.float32) + b_ref[...]
  z_ref[...] = jnp.maximum(y, 0.0)


def _decoder_body(zi_ref, zj_ref, o_ref):
  t = lax.dot_general(zi_ref[...], zj_ref[...], (((1,), (1,)), ((), ())),
                      preferred_element_type=jnp.float32)
  o_ref[...] = 1.0 / (1.0 + jnp.exp(-t))


def _layer1(features, agg, deg, w1, b1):
  return pl.pallas_call(
      _layer1_body,
      grid=(N // B1,),
      in_specs=[
          pl.BlockSpec((B1, D), lambda i: (i, 0)),
          pl.BlockSpec((NC, B1, D), lambda i: (0, i, 0)),
          pl.BlockSpec((NC, B1, D), lambda i: (0, i, 0)),
          pl.BlockSpec((D, D), lambda i: (0, 0)),
          pl.BlockSpec((1, D), lambda i: (0, 0)),
      ],
      out_specs=pl.BlockSpec((B1, D), lambda i: (i, 0)),
      out_shape=jax.ShapeDtypeStruct((N, D), jnp.float32),
  )(features, agg, deg, w1, b1)


def _layer2(h, agg, w2p, b2p):
  return pl.pallas_call(
      _layer2_body,
      grid=(N // B1,),
      in_specs=[
          pl.BlockSpec((B1, D), lambda i: (i, 0)),
          pl.BlockSpec((NC, B1, D), lambda i: (0, i, 0)),
          pl.BlockSpec((D, D), lambda i: (0, 0)),
          pl.BlockSpec((1, D), lambda i: (0, 0)),
      ],
      out_specs=pl.BlockSpec((B1, D), lambda i: (i, 0)),
      out_shape=jax.ShapeDtypeStruct((N, D), jnp.float32),
  )(h, agg, w2p, b2p)


def _decoder(z):
  return pl.pallas_call(
      _decoder_body,
      grid=(N // BD,),
      in_specs=[
          pl.BlockSpec((BD, D), lambda i: (i, 0)),
          pl.BlockSpec((N, D), lambda i: (0, 0)),
      ],
      out_specs=pl.BlockSpec((BD, N), lambda i: (i, 0)),
      out_shape=jax.ShapeDtypeStruct((N, N), jnp.float32),
  )(z, z)


@jax.jit
def kernel(features, edge_index, W1, b1, W2, b2):
  src = edge_index[0].astype(jnp.int32)
  dst = edge_index[1].astype(jnp.int32)
  zeros = jnp.zeros((N, D), jnp.float32)
  ones80 = jnp.ones((K, D), jnp.float32)

  agg1 = _seg_pass(features, src, dst, zeros)
  deg = _deg_pass(dst, zeros, ones80)
  h = _layer1(features, agg1, deg, W1, b1.reshape(1, D))

  agg2 = _seg_pass(h, src, dst, zeros)
  w2p = jnp.zeros((D, D), jnp.float32).at[:, :64].set(W2)
  b2p = jnp.zeros((1, D), jnp.float32).at[0, :64].set(b2)
  z = _layer2(h, agg2, w2p, b2p)

  return _decoder(z)

# --- scband reference (transcript-rebuilt; emitter-appended) ---
"""Pipeline reference for scband-gin-73237782331504 (READ-ONLY COPY).

The authoritative reference and input builder live on the scoring server;
editing this copy changes nothing except your own understanding.
"""

import jax, jax.numpy as jnp
import numpy as np

N = 10000
E = 320000
D = 128
H1 = 128
H2 = 64


def setup_inputs(seed: int = 0) -> dict:
    key = jax.random.key(seed)
    ks = jax.random.split(key, 6)
    features = jax.random.normal(ks[0], (N, D), dtype=jnp.float32)
    edge_index = jax.random.randint(ks[1], (2, E), 0, N)
    W1 = jax.random.normal(ks[2], (D, H1), dtype=jnp.float32) * (1.0 / np.sqrt(D))
    b1 = jnp.zeros((H1,), dtype=jnp.float32)
    W2 = jax.random.normal(ks[3], (H1, H2), dtype=jnp.float32) * (1.0 / np.sqrt(H1))
    b2 = jnp.zeros((H2,), dtype=jnp.float32)
    return {"features": features, "edge_index": edge_index, "W1": W1, "b1": b1, "W2": W2, "b2": b2}


def reference(features, edge_index, W1, b1, W2, b2):
    src = edge_index[0]
    dst = edge_index[1]
    # Layer 1: GINConv with mean aggregator, eps=0 -> (1+eps)*h + mean(neighbors)
    msg = features[src]
    agg = jax.ops.segment_sum(msg, dst, num_segments=N)
    deg = jax.ops.segment_sum(jnp.ones((E, 1), dtype=jnp.float32), dst, num_segments=N)
    mean_agg = agg / jnp.maximum(deg, 1.0)
    h = jax.nn.relu((features + mean_agg) @ W1 + b1)
    # dropout p=0.0 -> identity
    # Layer 2: GINConv with sum aggregator
    msg2 = h[src]
    agg2 = jax.ops.segment_sum(msg2, dst, num_segments=N)
    z = jax.nn.relu((h + agg2) @ W2 + b2)
    # Decoder: sigmoid(z @ z.T)
    adj_rec = jax.nn.sigmoid(z @ z.T)
    return adj_rec

if __name__ == "__main__":
    import jax
    _d = setup_inputs()
    print(jax.jit(kernel)(*tuple(_d.values())))

</pallas_src>

<mosaic_0001>
#map = affine_map<(d0, d1) -> (0, 0)>
#map1 = affine_map<(d0, d1) -> (0)>
#map2 = affine_map<(d0, d1) -> (0, 0, 0)>
module attributes {stable_mosaic.version = 14 : i64} {
  func.func @_seg_pass_body(%arg0: i32, %arg1: i32, %arg2: memref<10000x128xf32, #tpu.memory_space<hbm>>, %arg3: memref<320000xi32, #tpu.memory_space<hbm>>, %arg4: memref<320000xi32, #tpu.memory_space<hbm>>, %arg5: memref<10000x128xf32, #tpu.memory_space<hbm>>, %arg6: memref<2x10000x128xf32, #tpu.memory_space<hbm>>, %arg7: memref<10000x128xf32, #tpu.memory_space<vmem_shared>>, %arg8: memref<80xi32, #tpu.memory_space<vmem>>, %arg9: memref<80xi32, #tpu.memory_space<vmem>>, %arg10: memref<80xi32, #tpu.memory_space<vmem>>, %arg11: memref<80xi32, #tpu.memory_space<vmem>>, %arg12: memref<80x128xf32, #tpu.memory_space<vmem>>, %arg13: memref<80x128xf32, #tpu.memory_space<vmem>>, %arg14: memref<!tpu.dma_semaphore, #tpu.memory_space<semaphore_mem>>, %arg15: memref<!tpu.dma_semaphore, #tpu.memory_space<semaphore_mem>>, %arg16: memref<!tpu.dma_semaphore, #tpu.memory_space<semaphore_mem>>, %arg17: memref<!tpu.dma_semaphore, #tpu.memory_space<semaphore_mem>>) attributes {dimension_semantics = [#tpu.dimension_semantics<core_parallel>, #tpu.dimension_semantics<subcore_parallel>], iteration_bounds = array<i64: 2, 16>, scalar_prefetch = 0 : i64, scratch_operands = 11 : i64, tpu.core_type = #tpu.core_type<sc_vector_subcore>, window_params = [{transform_indices = #map}, {transform_indices = #map1}, {transform_indices = #map1}, {transform_indices = #map}, {transform_indices = #map2}]} {
    %mul3A = arith.constant 16 : i32
    %mul3A_0 = arith.muli %arg0, %mul3A : i32
    %add3A = arith.addi %mul3A_0, %arg1 : i32
    %add3A_1 = arith.constant 0 : i32
    %add3A_2 = arith.addi %add3A_1, %arg1 : i32
    %lt3A = arith.constant 125 : i32
    %lt3A_3 = arith.cmpi slt, %add3A_2, %lt3A : i32
    %convert_element_type3A = arith.extui %lt3A_3 : i1 to i32
    %cond3A = arith.constant 0 : i32
    %cond3A_4 = arith.cmpi ne, %convert_element_type3A, %cond3A : i32
    scf.if %cond3A_4 {
      %mul3A_137 = arith.constant 80 : i32
      %mul3A_138 = arith.muli %add3A_2, %mul3A_137 : i32
      "tpu.region"() ({
        %run_scoped3A = tpu.sem_alloc : memref<!tpu.dma_semaphore, #tpu.memory_space<semaphore_mem>>
        %dma_start3A_139 = arith.constant 0 : i32
        %dma_start3A_140 = tpu.memref_slice %arg7[%mul3A_138, %dma_start3A_139] : memref<10000x128xf32, #tpu.memory_space<vmem_shared>> -> memref<80x128xf32, #tpu.memory_space<vmem_shared>>
        %dma_start3A_141 = arith.constant 0 : i32
        %dma_start3A_142 = tpu.memref_slice %arg5[%mul3A_138, %dma_start3A_141] : memref<10000x128xf32, #tpu.memory_space<hbm>> -> memref<80x128xf32, #tpu.memory_space<hbm>>
        tpu.enqueue_dma source(%dma_start3A_142 : memref<80x128xf32, #tpu.memory_space<hbm>>) target(%dma_start3A_140 : memref<80x128xf32, #tpu.memory_space<vmem_shared>>) target_semaphore(%run_scoped3A : memref<!tpu.dma_semaphore, #tpu.memory_space<semaphore_mem>>)
        %dma_wait3A_143 = arith.constant 0 : i32
        %dma_wait3A_144 = tpu.memref_slice %arg7[%mul3A_138, %dma_wait3A_143] : memref<10000x128xf32, #tpu.memory_space<vmem_shared>> -> memref<80x128xf32, #tpu.memory_space<vmem_shared>>
        %dma_wait3A_145 = arith.constant 0 : i32
        %dma_wait3A_146 = tpu.memref_slice %arg5[%mul3A_138, %dma_wait3A_145] : memref<10000x128xf32, #tpu.memory_space<hbm>> -> memref<80x128xf32, #tpu.memory_space<hbm>>
        tpu.wait_dma2 semaphore(%run_scoped3A : memref<!tpu.dma_semaphore, #tpu.memory_space<semaphore_mem>>) src(%dma_wait3A_146 : memref<80x128xf32, #tpu.memory_space<hbm>>) dst(%dma_wait3A_144 : memref<80x128xf32, #tpu.memory_space<vmem_shared>>)
        tpu.yield
      }) : () -> ()
    } else {
    }
    %add3A_5 = arith.constant 16 : i32
    %add3A_6 = arith.addi %add3A_5, %arg1 : i32
    %lt3A_7 = arith.constant 125 : i32
    %lt3A_8 = arith.cmpi slt, %add3A_6, %lt3A_7 : i32
    %convert_element_type3A_9 = arith.extui %lt3A_8 : i1 to i32
    %cond3A_10 = arith.constant 0 : i32
    %cond3A_11 = arith.cmpi ne, %convert_element_type3A_9, %cond3A_10 : i32
    scf.if %cond3A_11 {
      %mul3A_137 = arith.constant 80 : i32
      %mul3A_138 = arith.muli %add3A_6, %mul3A_137 : i32
      "tpu.region"() ({
        %run_scoped3A = tpu.sem_alloc : memref<!tpu.dma_semaphore, #tpu.memory_space<semaphore_mem>>
        %dma_start3A_139 = arith.constant 0 : i32
        %dma_start3A_140 = tpu.memref_slice %arg7[%mul3A_138, %dma_start3A_139] : memref<10000x128xf32, #tpu.memory_space<vmem_shared>> -> memref<80x128xf32, #tpu.memory_space<vmem_shared>>
        %dma_start3A_141 = arith.constant 0 : i32
        %dma_start3A_142 = tpu.memref_slice %arg5[%mul3A_138, %dma_start3A_141] : memref<10000x128xf32, #tpu.memory_space<hbm>> -> memref<80x128xf32, #tpu.memory_space<hbm>>
        tpu.enqueue_dma source(%dma_start3A_142 : memref<80x128xf32, #tpu.memory_space<hbm>>) target(%dma_start3A_140 : memref<80x128xf32, #tpu.memory_space<vmem_shared>>) target_semaphore(%run_scoped3A : memref<!tpu.dma_semaphore, #tpu.memory_space<semaphore_mem>>)
        %dma_wait3A_143 = arith.constant 0 : i32
        %dma_wait3A_144 = tpu.memref_slice %arg7[%mul3A_138, %dma_wait3A_143] : memref<10000x128xf32, #tpu.memory_space<vmem_shared>> -> memref<80x128xf32, #tpu.memory_space<vmem_shared>>
        %dma_wait3A_145 = arith.constant 0 : i32
        %dma_wait3A_146 = tpu.memref_slice %arg5[%mul3A_138, %dma_wait3A_145] : memref<10000x128xf32, #tpu.memory_space<hbm>> -> memref<80x128xf32, #tpu.memory_space<hbm>>
        tpu.wait_dma2 semaphore(%run_scoped3A : memref<!tpu.dma_semaphore, #tpu.memory_space<semaphore_mem>>) src(%dma_wait3A_146 : memref<80x128xf32, #tpu.memory_space<hbm>>) dst(%dma_wait3A_144 : memref<80x128xf32, #tpu.memory_space<vmem_shared>>)
        tpu.yield
      }) : () -> ()
    } else {
    }
    %add3A_12 = arith.constant 32 : i32
    %add3A_13 = arith.addi %add3A_12, %arg1 : i32
    %lt3A_14 = arith.constant 125 : i32
    %lt3A_15 = arith.cmpi slt, %add3A_13, %lt3A_14 : i32
    %convert_element_type3A_16 = arith.extui %lt3A_15 : i1 to i32
    %cond3A_17 = arith.constant 0 : i32
    %cond3A_18 = arith.cmpi ne, %convert_element_type3A_16, %cond3A_17 : i32
    scf.if %cond3A_18 {
      %mul3A_137 = arith.constant 80 : i32
      %mul3A_138 = arith.muli %add3A_13, %mul3A_137 : i32
      "tpu.region"() ({
        %run_scoped3A = tpu.sem_alloc : memref<!tpu.dma_semaphore, #tpu.memory_space<semaphore_mem>>
        %dma_start3A_139 = arith.constant 0 : i32
        %dma_start3A_140 = tpu.memref_slice %arg7[%mul3A_138, %dma_start3A_139] : memref<10000x128xf32, #tpu.memory_space<vmem_shared>> -> memref<80x128xf32, #tpu.memory_space<vmem_shared>>
        %dma_start3A_141 = arith.constant 0 : i32
        %dma_start3A_142 = tpu.memref_slice %arg5[%mul3A_138, %dma_start3A_141] : memref<10000x128xf32, #tpu.memory_space<hbm>> -> memref<80x128xf32, #tpu.memory_space<hbm>>
        tpu.enqueue_dma source(%dma_start3A_142 : memref<80x128xf32, #tpu.memory_space<hbm>>) target(%dma_start3A_140 : memref<80x128xf32, #tpu.memory_space<vmem_shared>>) target_semaphore(%run_scoped3A : memref<!tpu.dma_semaphore, #tpu.memory_space<semaphore_mem>>)
        %dma_wait3A_143 = arith.constant 0 : i32
        %dma_wait3A_144 = tpu.memref_slice %arg7[%mul3A_138, %dma_wait3A_143] : memref<10000x128xf32, #tpu.memory_space<vmem_shared>> -> memref<80x128xf32, #tpu.memory_space<vmem_shared>>
        %dma_wait3A_145 = arith.constant 0 : i32
        %dma_wait3A_146 = tpu.memref_slice %arg5[%mul3A_138, %dma_wait3A_145] : memref<10000x128xf32, #tpu.memory_space<hbm>> -> memref<80x128xf32, #tpu.memory_space<hbm>>
        tpu.wait_dma2 semaphore(%run_scoped3A : memref<!tpu.dma_semaphore, #tpu.memory_space<semaphore_mem>>) src(%dma_wait3A_146 : memref<80x128xf32, #tpu.memory_space<hbm>>) dst(%dma_wait3A_144 : memref<80x128xf32, #tpu.memory_space<vmem_shared>>)
        tpu.yield
      }) : () -> ()
    } else {
    }
    %add3A_19 = arith.constant 48 : i32
    %add3A_20 = arith.addi %add3A_19, %arg1 : i32
    %lt3A_21 = arith.constant 125 : i32
    %lt3A_22 = arith.cmpi slt, %add3A_20, %lt3A_21 : i32
    %convert_element_type3A_23 = arith.extui %lt3A_22 : i1 to i32
    %cond3A_24 = arith.constant 0 : i32
    %cond3A_25 = arith.cmpi ne, %convert_element_type3A_23, %cond3A_24 : i32
    scf.if %cond3A_25 {
      %mul3A_137 = arith.constant 80 : i32
      %mul3A_138 = arith.muli %add3A_20, %mul3A_137 : i32
      "tpu.region"() ({
        %run_scoped3A = tpu.sem_alloc : memref<!tpu.dma_semaphore, #tpu.memory_space<semaphore_mem>>
        %dma_start3A_139 = arith.constant 0 : i32
        %dma_start3A_140 = tpu.memref_slice %arg7[%mul3A_138, %dma_start3A_139] : memref<10000x128xf32, #tpu.memory_space<vmem_shared>> -> memref<80x128xf32, #tpu.memory_space<vmem_shared>>
        %dma_start3A_141 = arith.constant 0 : i32
        %dma_start3A_142 = tpu.memref_slice %arg5[%mul3A_138, %dma_start3A_141] : memref<10000x128xf32, #tpu.memory_space<hbm>> -> memref<80x128xf32, #tpu.memory_space<hbm>>
        tpu.enqueue_dma source(%dma_start3A_142 : memref<80x128xf32, #tpu.memory_space<hbm>>) target(%dma_start3A_140 : memref<80x128xf32, #tpu.memory_space<vmem_shared>>) target_semaphore(%run_scoped3A : memref<!tpu.dma_semaphore, #tpu.memory_space<semaphore_mem>>)
        %dma_wait3A_143 = arith.constant 0 : i32
        %dma_wait3A_144 = tpu.memref_slice %arg7[%mul3A_138, %dma_wait3A_143] : memref<10000x128xf32, #tpu.memory_space<vmem_shared>> -> memref<80x128xf32, #tpu.memory_space<vmem_shared>>
        %dma_wait3A_145 = arith.constant 0 : i32
        %dma_wait3A_146 = tpu.memref_slice %arg5[%mul3A_138, %dma_wait3A_145] : memref<10000x128xf32, #tpu.memory_space<hbm>> -> memref<80x128xf32, #tpu.memory_space<hbm>>
        tpu.wait_dma2 semaphore(%run_scoped3A : memref<!tpu.dma_semaphore, #tpu.memory_space<semaphore_mem>>) src(%dma_wait3A_146 : memref<80x128xf32, #tpu.memory_space<hbm>>) dst(%dma_wait3A_144 : memref<80x128xf32, #tpu.memory_space<vmem_shared>>)
        tpu.yield
      }) : () -> ()
    } else {
    }
    %add3A_26 = arith.constant 64 : i32
    %add3A_27 = arith.addi %add3A_26, %arg1 : i32
    %lt3A_28 = arith.constant 125 : i32
    %lt3A_29 = arith.cmpi slt, %add3A_27, %lt3A_28 : i32
    %convert_element_type3A_30 = arith.extui %lt3A_29 : i1 to i32
    %cond3A_31 = arith.constant 0 : i32
    %cond3A_32 = arith.cmpi ne, %convert_element_type3A_30, %cond3A_31 : i32
    scf.if %cond3A_32 {
      %mul3A_137 = arith.constant 80 : i32
      %mul3A_138 = arith.muli %add3A_27, %mul3A_137 : i32
      "tpu.region"() ({
        %run_scoped3A = tpu.sem_alloc : memref<!tpu.dma_semaphore, #tpu.memory_space<semaphore_mem>>
        %dma_start3A_139 = arith.constant 0 : i32
        %dma_start3A_140 = tpu.memref_slice %arg7[%mul3A_138, %dma_start3A_139] : memref<10000x128xf32, #tpu.memory_space<vmem_shared>> -> memref<80x128xf32, #tpu.memory_space<vmem_shared>>
        %dma_start3A_141 = arith.constant 0 : i32
        %dma_start3A_142 = tpu.memref_slice %arg5[%mul3A_138, %dma_start3A_141] : memref<10000x128xf32, #tpu.memory_space<hbm>> -> memref<80x128xf32, #tpu.memory_space<hbm>>
        tpu.enqueue_dma source(%dma_start3A_142 : memref<80x128xf32, #tpu.memory_space<hbm>>) target(%dma_start3A_140 : memref<80x128xf32, #tpu.memory_space<vmem_shared>>) target_semaphore(%run_scoped3A : memref<!tpu.dma_semaphore, #tpu.memory_space<semaphore_mem>>)
        %dma_wait3A_143 = arith.constant 0 : i32
        %dma_wait3A_144 = tpu.memref_slice %arg7[%mul3A_138, %dma_wait3A_143] : memref<10000x128xf32, #tpu.memory_space<vmem_shared>> -> memref<80x128xf32, #tpu.memory_space<vmem_shared>>
        %dma_wait3A_145 = arith.constant 0 : i32
        %dma_wait3A_146 = tpu.memref_slice %arg5[%mul3A_138, %dma_wait3A_145] : memref<10000x128xf32, #tpu.memory_space<hbm>> -> memref<80x128xf32, #tpu.memory_space<hbm>>
        tpu.wait_dma2 semaphore(%run_scoped3A : memref<!tpu.dma_semaphore, #tpu.memory_space<semaphore_mem>>) src(%dma_wait3A_146 : memref<80x128xf32, #tpu.memory_space<hbm>>) dst(%dma_wait3A_144 : memref<80x128xf32, #tpu.memory_space<vmem_shared>>)
        tpu.yield
      }) : () -> ()
    } else {
    }
    %add3A_33 = arith.constant 80 : i32
    %add3A_34 = arith.addi %add3A_33, %arg1 : i32
    %lt3A_35 = arith.constant 125 : i32
    %lt3A_36 = arith.cmpi slt, %add3A_34, %lt3A_35 : i32
    %convert_element_type3A_37 = arith.extui %lt3A_36 : i1 to i32
    %cond3A_38 = arith.constant 0 : i32
    %cond3A_39 = arith.cmpi ne, %convert_element_type3A_37, %cond3A_38 : i32
    scf.if %cond3A_39 {
      %mul3A_137 = arith.constant 80 : i32
      %mul3A_138 = arith.muli %add3A_34, %mul3A_137 : i32
      "tpu.region"() ({
        %run_scoped3A = tpu.sem_alloc : memref<!tpu.dma_semaphore, #tpu.memory_space<semaphore_mem>>
        %dma_start3A_139 = arith.constant 0 : i32
        %dma_start3A_140 = tpu.memref_slice %arg7[%mul3A_138, %dma_start3A_139] : memref<10000x128xf32, #tpu.memory_space<vmem_shared>> -> memref<80x128xf32, #tpu.memory_space<vmem_shared>>
        %dma_start3A_141 = arith.constant 0 : i32
        %dma_start3A_142 = tpu.memref_slice %arg5[%mul3A_138, %dma_start3A_141] : memref<10000x128xf32, #tpu.memory_space<hbm>> -> memref<80x128xf32, #tpu.memory_space<hbm>>
        tpu.enqueue_dma source(%dma_start3A_142 : memref<80x128xf32, #tpu.memory_space<hbm>>) target(%dma_start3A_140 : memref<80x128xf32, #tpu.memory_space<vmem_shared>>) target_semaphore(%run_scoped3A : memref<!tpu.dma_semaphore, #tpu.memory_space<semaphore_mem>>)
        %dma_wait3A_143 = arith.constant 0 : i32
        %dma_wait3A_144 = tpu.memref_slice %arg7[%mul3A_138, %dma_wait3A_143] : memref<10000x128xf32, #tpu.memory_space<vmem_shared>> -> memref<80x128xf32, #tpu.memory_space<vmem_shared>>
        %dma_wait3A_145 = arith.constant 0 : i32
        %dma_wait3A_146 = tpu.memref_slice %arg5[%mul3A_138, %dma_wait3A_145] : memref<10000x128xf32, #tpu.memory_space<hbm>> -> memref<80x128xf32, #tpu.memory_space<hbm>>
        tpu.wait_dma2 semaphore(%run_scoped3A : memref<!tpu.dma_semaphore, #tpu.memory_space<semaphore_mem>>) src(%dma_wait3A_146 : memref<80x128xf32, #tpu.memory_space<hbm>>) dst(%dma_wait3A_144 : memref<80x128xf32, #tpu.memory_space<vmem_shared>>)
        tpu.yield
      }) : () -> ()
    } else {
    }
    %add3A_40 = arith.constant 96 : i32
    %add3A_41 = arith.addi %add3A_40, %arg1 : i32
    %lt3A_42 = arith.constant 125 : i32
    %lt3A_43 = arith.cmpi slt, %add3A_41, %lt3A_42 : i32
    %convert_element_type3A_44 = arith.extui %lt3A_43 : i1 to i32
    %cond3A_45 = arith.constant 0 : i32
    %cond3A_46 = arith.cmpi ne, %convert_element_type3A_44, %cond3A_45 : i32
    scf.if %cond3A_46 {
      %mul3A_137 = arith.constant 80 : i32
      %mul3A_138 = arith.muli %add3A_41, %mul3A_137 : i32
      "tpu.region"() ({
        %run_scoped3A = tpu.sem_alloc : memref<!tpu.dma_semaphore, #tpu.memory_space<semaphore_mem>>
        %dma_start3A_139 = arith.constant 0 : i32
        %dma_start3A_140 = tpu.memref_slice %arg7[%mul3A_138, %dma_start3A_139] : memref<10000x128xf32, #tpu.memory_space<vmem_shared>> -> memref<80x128xf32, #tpu.memory_space<vmem_shared>>
        %dma_start3A_141 = arith.constant 0 : i32
        %dma_start3A_142 = tpu.memref_slice %arg5[%mul3A_138, %dma_start3A_141] : memref<10000x128xf32, #tpu.memory_space<hbm>> -> memref<80x128xf32, #tpu.memory_space<hbm>>
        tpu.enqueue_dma source(%dma_start3A_142 : memref<80x128xf32, #tpu.memory_space<hbm>>) target(%dma_start3A_140 : memref<80x128xf32, #tpu.memory_space<vmem_shared>>) target_semaphore(%run_scoped3A : memref<!tpu.dma_semaphore, #tpu.memory_space<semaphore_mem>>)
        %dma_wait3A_143 = arith.constant 0 : i32
        %dma_wait3A_144 = tpu.memref_slice %arg7[%mul3A_138, %dma_wait3A_143] : memref<10000x128xf32, #tpu.memory_space<vmem_shared>> -> memref<80x128xf32, #tpu.memory_space<vmem_shared>>
        %dma_wait3A_145 = arith.constant 0 : i32
        %dma_wait3A_146 = tpu.memref_slice %arg5[%mul3A_138, %dma_wait3A_145] : memref<10000x128xf32, #tpu.memory_space<hbm>> -> memref<80x128xf32, #tpu.memory_space<hbm>>
        tpu.wait_dma2 semaphore(%run_scoped3A : memref<!tpu.dma_semaphore, #tpu.memory_space<semaphore_mem>>) src(%dma_wait3A_146 : memref<80x128xf32, #tpu.memory_space<hbm>>) dst(%dma_wait3A_144 : memref<80x128xf32, #tpu.memory_space<vmem_shared>>)
        tpu.yield
      }) : () -> ()
    } else {
    }
    %add3A_47 = arith.constant 112 : i32
    %add3A_48 = arith.addi %add3A_47, %arg1 : i32
    %lt3A_49 = arith.constant 125 : i32
    %lt3A_50 = arith.cmpi slt, %add3A_48, %lt3A_49 : i32
    %convert_element_type3A_51 = arith.extui %lt3A_50 : i1 to i32
    %cond3A_52 = arith.constant 0 : i32
    %cond3A_53 = arith.cmpi ne, %convert_element_type3A_51, %cond3A_52 : i32
    scf.if %cond3A_53 {
      %mul3A_137 = arith.constant 80 : i32
      %mul3A_138 = arith.muli %add3A_48, %mul3A_137 : i32
      "tpu.region"() ({
        %run_scoped3A = tpu.sem_alloc : memref<!tpu.dma_semaphore, #tpu.memory_space<semaphore_mem>>
        %dma_start3A_139 = arith.constant 0 : i32
        %dma_start3A_140 = tpu.memref_slice %arg7[%mul3A_138, %dma_start3A_139] : memref<10000x128xf32, #tpu.memory_space<vmem_shared>> -> memref<80x128xf32, #tpu.memory_space<vmem_shared>>
        %dma_start3A_141 = arith.constant 0 : i32
        %dma_start3A_142 = tpu.memref_slice %arg5[%mul3A_138, %dma_start3A_141] : memref<10000x128xf32, #tpu.memory_space<hbm>> -> memref<80x128xf32, #tpu.memory_space<hbm>>
        tpu.enqueue_dma source(%dma_start3A_142 : memref<80x128xf32, #tpu.memory_space<hbm>>) target(%dma_start3A_140 : memref<80x128xf32, #tpu.memory_space<vmem_shared>>) target_semaphore(%run_scoped3A : memref<!tpu.dma_semaphore, #tpu.memory_space<semaphore_mem>>)
        %dma_wait3A_143 = arith.constant 0 : i32
        %dma_wait3A_144 = tpu.memref_slice %arg7[%mul3A_138, %dma_wait3A_143] : memref<10000x128xf32, #tpu.memory_space<vmem_shared>> -> memref<80x128xf32, #tpu.memory_space<vmem_shared>>
        %dma_wait3A_145 = arith.constant 0 : i32
        %dma_wait3A_146 = tpu.memref_slice %arg5[%mul3A_138, %dma_wait3A_145] : memref<10000x128xf32, #tpu.memory_space<hbm>> -> memref<80x128xf32, #tpu.memory_space<hbm>>
        tpu.wait_dma2 semaphore(%run_scoped3A : memref<!tpu.dma_semaphore, #tpu.memory_space<semaphore_mem>>) src(%dma_wait3A_146 : memref<80x128xf32, #tpu.memory_space<hbm>>) dst(%dma_wait3A_144 : memref<80x128xf32, #tpu.memory_space<vmem_shared>>)
        tpu.yield
      }) : () -> ()
    } else {
    }
    %barrier3A = arith.constant 0 : index
    tpu.barrier barrier_id(%barrier3A)
    %mul3A_54 = arith.constant 10000 : i32
    %mul3A_55 = arith.muli %add3A, %mul3A_54 : i32
    %add3A_56 = arith.constant 0 : i32
    %add3A_57 = arith.addi %mul3A_55, %add3A_56 : i32
    %dma_start3A = tpu.memref_slice %arg3[%add3A_57] : memref<320000xi32, #tpu.memory_space<hbm>> -> memref<80xi32, #tpu.memory_space<hbm>>
    %dma_start3A_58 = tpu.memref_slice %arg3[%add3A_57] : memref<320000xi32, #tpu.memory_space<hbm>> -> memref<80xi32, #tpu.memory_space<hbm>>
    tpu.enqueue_dma source(%dma_start3A_58 : memref<80xi32, #tpu.memory_space<hbm>>) target(%arg8 : memref<80xi32, #tpu.memory_space<vmem>>) target_semaphore(%arg14 : memref<!tpu.dma_semaphore, #tpu.memory_space<semaphore_mem>>)
    %dma_start3A_59 = tpu.memref_slice %arg4[%add3A_57] : memref<320000xi32, #tpu.memory_space<hbm>> -> memref<80xi32, #tpu.memory_space<hbm>>
    %dma_start3A_60 = tpu.memref_slice %arg4[%add3A_57] : memref<320000xi32, #tpu.memory_space<hbm>> -> memref<80xi32, #tpu.memory_space<hbm>>
    tpu.enqueue_dma source(%dma_start3A_60 : memref<80xi32, #tpu.memory_space<hbm>>) target(%arg10 : memref<80xi32, #tpu.memory_space<vmem>>) target_semaphore(%arg14 : memref<!tpu.dma_semaphore, #tpu.memory_space<semaphore_mem>>)
    %add3A_61 = arith.constant 0 : i32
    %add3A_62 = arith.addi %mul3A_55, %add3A_61 : i32
    %dma_wait3A = tpu.memref_slice %arg3[%add3A_62] : memref<320000xi32, #tpu.memory_space<hbm>> -> memref<80xi32, #tpu.memory_space<hbm>>
    %dma_wait3A_63 = tpu.memref_slice %arg3[%add3A_62] : memref<320000xi32, #tpu.memory_space<hbm>> -> memref<80xi32, #tpu.memory_space<hbm>>
    tpu.wait_dma2 semaphore(%arg14 : memref<!tpu.dma_semaphore, #tpu.memory_space<semaphore_mem>>) src(%dma_wait3A_63 : memref<80xi32, #tpu.memory_space<hbm>>) dst(%arg8 : memref<80xi32, #tpu.memory_space<vmem>>)
    %dma_wait3A_64 = tpu.memref_slice %arg4[%add3A_62] : memref<320000xi32, #tpu.memory_space<hbm>> -> memref<80xi32, #tpu.memory_space<hbm>>
    %dma_wait3A_65 = tpu.memref_slice %arg4[%add3A_62] : memref<320000xi32, #tpu.memory_space<hbm>> -> memref<80xi32, #tpu.memory_space<hbm>>
    tpu.wait_dma2 semaphore(%arg14 : memref<!tpu.dma_semaphore, #tpu.memory_space<semaphore_mem>>) src(%dma_wait3A_65 : memref<80xi32, #tpu.memory_space<hbm>>) dst(%arg10 : memref<80xi32, #tpu.memory_space<vmem>>)
    %dma_start3A_66 = arith.constant 0 : i32
    %dma_start3A_67 = arith.constant 0 : i32
    %dma_start3A_68 = tpu.memref_slice %arg2[%dma_start3A_66, %dma_start3A_67] : memref<10000x128xf32, #tpu.memory_space<hbm>> -> memref<10000x128xf32, #tpu.memory_space<hbm>>
    tpu.enqueue_indirect_dma source(%dma_start3A_68 : memref<10000x128xf32, #tpu.memory_space<hbm>>) target(%arg12 : memref<80x128xf32, #tpu.memory_space<vmem>>) offsets(%arg8 : memref<80xi32, #tpu.memory_space<vmem>>) semaphore(%arg16 : memref<!tpu.dma_semaphore, #tpu.memory_space<semaphore_mem>>)
    %add3A_69 = arith.constant 80 : i32
    %add3A_70 = arith.addi %mul3A_55, %add3A_69 : i32
    %dma_start3A_71 = tpu.memref_slice %arg3[%add3A_70] : memref<320000xi32, #tpu.memory_space<hbm>> -> memref<80xi32, #tpu.memory_space<hbm>>
    %dma_start3A_72 = tpu.memref_slice %arg3[%add3A_70] : memref<320000xi32, #tpu.memory_space<hbm>> -> memref<80xi32, #tpu.memory_space<hbm>>
    tpu.enqueue_dma source(%dma_start3A_72 : memref<80xi32, #tpu.memory_space<hbm>>) target(%arg9 : memref<80xi32, #tpu.memory_space<vmem>>) target_semaphore(%arg15 : memref<!tpu.dma_semaphore, #tpu.memory_space<semaphore_mem>>)
    %dma_start3A_73 = tpu.memref_slice %arg4[%add3A_70] : memref<320000xi32, #tpu.memory_space<hbm>> -> memref<80xi32, #tpu.memory_space<hbm>>
    %dma_start3A_74 = tpu.memref_slice %arg4[%add3A_70] : memref<320000xi32, #tpu.memory_space<hbm>> -> memref<80xi32, #tpu.memory_space<hbm>>
    tpu.enqueue_dma source(%dma_start3A_74 : memref<80xi32, #tpu.memory_space<hbm>>) target(%arg11 : memref<80xi32, #tpu.memory_space<vmem>>) target_semaphore(%arg15 : memref<!tpu.dma_semaphore, #tpu.memory_space<semaphore_mem>>)
    %scan3A = arith.constant 0 : i32
    %scan3A_75 = arith.constant 0 : i32
    %scan3A_76 = arith.constant 63 : i32
    %scan3A_77 = arith.addi %scan3A_75, %scan3A_76 : i32
    %scan3A_78 = arith.constant 1 : i32
    scf.for %scan3A_137 = %scan3A_75 to %scan3A_77 step %scan3A_78  : i32 {
      %mul3A_138 = arith.constant 2 : i32
      %mul3A_139 = arith.muli %mul3A_138, %scan3A_137 : i32
      %add3A_140 = arith.constant 1 : i32
      %add3A_141 = arith.addi %mul3A_139, %add3A_140 : i32
      %mul3A_142 = arith.constant 2 : i32
      %mul3A_143 = arith.muli %mul3A_142, %scan3A_137 : i32
      %add3A_144 = arith.constant 2 : i32
      %add3A_145 = arith.addi %mul3A_143, %add3A_144 : i32
      %mul3A_146 = arith.constant 2 : i32
      %mul3A_147 = arith.muli %mul3A_146, %scan3A_137 : i32
      %add3A_148 = arith.constant 3 : i32
      %add3A_149 = arith.addi %mul3A_147, %add3A_148 : i32
      %lt3A_150 = arith.constant 125 : i32
      %lt3A_151 = arith.cmpi slt, %add3A_141, %lt3A_150 : i32
      %convert_element_type3A_152 = arith.extui %lt3A_151 : i1 to i32
      %cond3A_153 = arith.constant 0 : i32
      %cond3A_154 = arith.cmpi ne, %convert_element_type3A_152, %cond3A_153 : i32
      scf.if %cond3A_154 {
        %mul3A_168 = arith.constant 80 : i32
        %mul3A_169 = arith.muli %add3A_141, %mul3A_168 : i32
        %add3A_170 = arith.addi %mul3A_55, %mul3A_169 : i32
        %dma_wait3A_171 = tpu.memref_slice %arg3[%add3A_170] : memref<320000xi32, #tpu.memory_space<hbm>> -> memref<80xi32, #tpu.memory_space<hbm>>
        %dma_wait3A_172 = tpu.memref_slice %arg3[%add3A_170] : memref<320000xi32, #tpu.memory_space<hbm>> -> memref<80xi32, #tpu.memory_space<hbm>>
        tpu.wait_dma2 semaphore(%arg15 : memref<!tpu.dma_semaphore, #tpu.memory_space<semaphore_mem>>) src(%dma_wait3A_172 : memref<80xi32, #tpu.memory_space<hbm>>) dst(%arg9 : memref<80xi32, #tpu.memory_space<vmem>>)
        %dma_wait3A_173 = tpu.memref_slice %arg4[%add3A_170] : memref<320000xi32, #tpu.memory_space<hbm>> -> memref<80xi32, #tpu.memory_space<hbm>>
        %dma_wait3A_174 = tpu.memref_slice %arg4[%add3A_170] : memref<320000xi32, #tpu.memory_space<hbm>> -> memref<80xi32, #tpu.memory_space<hbm>>
        tpu.wait_dma2 semaphore(%arg15 : memref<!tpu.dma_semaphore, #tpu.memory_space<semaphore_mem>>) src(%dma_wait3A_174 : memref<80xi32, #tpu.memory_space<hbm>>) dst(%arg11 : memref<80xi32, #tpu.memory_space<vmem>>)
        %dma_start3A_175 = arith.constant 0 : i32
        %dma_start3A_176 = arith.constant 0 : i32
        %dma_start3A_177 = tpu.memref_slice %arg2[%dma_start3A_175, %dma_start3A_176] : memref<10000x128xf32, #tpu.memory_space<hbm>> -> memref<10000x128xf32, #tpu.memory_space<hbm>>
        tpu.enqueue_indirect_dma source(%dma_start3A_177 : memref<10000x128xf32, #tpu.memory_space<hbm>>) target(%arg13 : memref<80x128xf32, #tpu.memory_space<vmem>>) offsets(%arg9 : memref<80xi32, #tpu.memory_space<vmem>>) semaphore(%arg17 : memref<!tpu.dma_semaphore, #tpu.memory_space<semaphore_mem>>)
      } else {
      }
      %dma_wait3A_155 = arith.constant 0 : i32
      %dma_wait3A_156 = arith.constant 0 : i32
      %dma_wait3A_157 = tpu.memref_slice %arg2[%dma_wait3A_155, %dma_wait3A_156] : memref<10000x128xf32, #tpu.memory_space<hbm>> -> memref<10000x128xf32, #tpu.memory_space<hbm>>
      tpu.wait_indirect_dma semaphore(%arg16 : memref<!tpu.dma_semaphore, #tpu.memory_space<semaphore_mem>>) src(%dma_wait3A_157 : memref<10000x128xf32, #tpu.memory_space<hbm>>) dst(%arg12 : memref<80x128xf32, #tpu.memory_space<vmem>>)
      "tpu.region"() ({
        %run_scoped3A = tpu.sem_alloc : memref<!tpu.dma_semaphore, #tpu.memory_space<semaphore_mem>>
        %dma_start3A_168 = arith.constant 0 : i32
        %dma_start3A_169 = arith.constant 0 : i32
        %dma_start3A_170 = tpu.memref_slice %arg7[%dma_start3A_168, %dma_start3A_169] : memref<10000x128xf32, #tpu.memory_space<vmem_shared>> -> memref<10000x128xf32, #tpu.memory_space<vmem_shared>>
        tpu.enqueue_indirect_dma source(%arg12 : memref<80x128xf32, #tpu.memory_space<vmem>>) target(%dma_start3A_170 : memref<10000x128xf32, #tpu.memory_space<vmem_shared>>) offsets(%arg10 : memref<80xi32, #tpu.memory_space<vmem>>) semaphore(%run_scoped3A : memref<!tpu.dma_semaphore, #tpu.memory_space<semaphore_mem>>) {add = true}
        %dma_wait3A_171 = arith.constant 0 : i32
        %dma_wait3A_172 = arith.constant 0 : i32
        %dma_wait3A_173 = tpu.memref_slice %arg7[%dma_wait3A_171, %dma_wait3A_172] : memref<10000x128xf32, #tpu.memory_space<vmem_shared>> -> memref<10000x128xf32, #tpu.memory_space<vmem_shared>>
        tpu.wait_indirect_dma semaphore(%run_scoped3A : memref<!tpu.dma_semaphore, #tpu.memory_space<semaphore_mem>>) src(%arg12 : memref<80x128xf32, #tpu.memory_space<vmem>>) dst(%dma_wait3A_173 : memref<10000x128xf32, #tpu.memory_space<vmem_shared>>)
        tpu.yield
      }) : () -> ()
      %lt3A_158 = arith.constant 125 : i32
      %lt3A_159 = arith.cmpi slt, %add3A_145, %lt3A_158 : i32
      %convert_element_type3A_160 = arith.extui %lt3A_159 : i1 to i32
      %cond3A_161 = arith.constant 0 : i32
      %cond3A_162 = arith.cmpi ne, %convert_element_type3A_160, %cond3A_161 : i32
      scf.if %cond3A_162 {
        %mul3A_168 = arith.constant 80 : i32
        %mul3A_169 = arith.muli %add3A_145, %mul3A_168 : i32
        %add3A_170 = arith.addi %mul3A_55, %mul3A_169 : i32
        %dma_start3A_171 = tpu.memref_slice %arg3[%add3A_170] : memref<320000xi32, #tpu.memory_space<hbm>> -> memref<80xi32, #tpu.memory_space<hbm>>
        %dma_start3A_172 = tpu.memref_slice %arg3[%add3A_170] : memref<320000xi32, #tpu.memory_space<hbm>> -> memref<80xi32, #tpu.memory_space<hbm>>
        tpu.enqueue_dma source(%dma_start3A_172 : memref<80xi32, #tpu.memory_space<hbm>>) target(%arg8 : memref<80xi32, #tpu.memory_space<vmem>>) target_semaphore(%arg14 : memref<!tpu.dma_semaphore, #tpu.memory_space<semaphore_mem>>)
        %dma_start3A_173 = tpu.memref_slice %arg4[%add3A_170] : memref<320000xi32, #tpu.memory_space<hbm>> -> memref<80xi32, #tpu.memory_space<hbm>>
        %dma_start3A_174 = tpu.memref_slice %arg4[%add3A_170] : memref<320000xi32, #tpu.memory_space<hbm>> -> memref<80xi32, #tpu.memory_space<hbm>>
        tpu.enqueue_dma source(%dma_start3A_174 : memref<80xi32, #tpu.memory_space<hbm>>) target(%arg10 : memref<80xi32, #tpu.memory_space<vmem>>) target_semaphore(%arg14 : memref<!tpu.dma_semaphore, #tpu.memory_space<semaphore_mem>>)
      } else {
      }
      %lt3A_163 = arith.constant 125 : i32
      %lt3A_164 = arith.cmpi slt, %add3A_141, %lt3A_163 : i32
      %convert_element_type3A_165 = arith.extui %lt3A_164 : i1 to i32
      %cond3A_166 = arith.constant 0 : i32
      %cond3A_167 = arith.cmpi ne, %convert_element_type3A_165, %cond3A_166 : i32
      scf.if %cond3A_167 {
        %lt3A_168 = arith.constant 125 : i32
        %lt3A_169 = arith.cmpi slt, %add3A_145, %lt3A_168 : i32
        %convert_element_type3A_170 = arith.extui %lt3A_169 : i1 to i32
        %cond3A_171 = arith.constant 0 : i32
        %cond3A_172 = arith.cmpi ne, %convert_element_type3A_170, %cond3A_171 : i32
        scf.if %cond3A_172 {
          %mul3A_181 = arith.constant 80 : i32
          %mul3A_182 = arith.muli %add3A_145, %mul3A_181 : i32
          %add3A_183 = arith.addi %mul3A_55, %mul3A_182 : i32
          %dma_wait3A_184 = tpu.memref_slice %arg3[%add3A_183] : memref<320000xi32, #tpu.memory_space<hbm>> -> memref<80xi32, #tpu.memory_space<hbm>>
          %dma_wait3A_185 = tpu.memref_slice %arg3[%add3A_183] : memref<320000xi32, #tpu.memory_space<hbm>> -> memref<80xi32, #tpu.memory_space<hbm>>
          tpu.wait_dma2 semaphore(%arg14 : memref<!tpu.dma_semaphore, #tpu.memory_space<semaphore_mem>>) src(%dma_wait3A_185 : memref<80xi32, #tpu.memory_space<hbm>>) dst(%arg8 : memref<80xi32, #tpu.memory_space<vmem>>)
          %dma_wait3A_186 = tpu.memref_slice %arg4[%add3A_183] : memref<320000xi32, #tpu.memory_space<hbm>> -> memref<80xi32, #tpu.memory_space<hbm>>
          %dma_wait3A_187 = tpu.memref_slice %arg4[%add3A_183] : memref<320000xi32, #tpu.memory_space<hbm>> -> memref<80xi32, #tpu.memory_space<hbm>>
          tpu.wait_dma2 semaphore(%arg14 : memref<!tpu.dma_semaphore, #tpu.memory_space<semaphore_mem>>) src(%dma_wait3A_187 : memref<80xi32, #tpu.memory_space<hbm>>) dst(%arg10 : memref<80xi32, #tpu.memory_space<vmem>>)
          %dma_start3A_188 = arith.constant 0 : i32
          %dma_start3A_189 = arith.constant 0 : i32
          %dma_start3A_190 = tpu.memref_slice %arg2[%dma_start3A_188, %dma_start3A_189] : memref<10000x128xf32, #tpu.memory_space<hbm>> -> memref<10000x128xf32, #tpu.memory_space<hbm>>
          tpu.enqueue_indirect_dma source(%dma_start3A_190 : memref<10000x128xf32, #tpu.memory_space<hbm>>) target(%arg12 : memref<80x128xf32, #tpu.memory_space<vmem>>) offsets(%arg8 : memref<80xi32, #tpu.memory_space<vmem>>) semaphore(%arg16 : memref<!tpu.dma_semaphore, #tpu.memory_space<semaphore_mem>>)
        } else {
        }
        %dma_wait3A_173 = arith.constant 0 : i32
        %dma_wait3A_174 = arith.constant 0 : i32
        %dma_wait3A_175 = tpu.memref_slice %arg2[%dma_wait3A_173, %dma_wait3A_174] : memref<10000x128xf32, #tpu.memory_space<hbm>> -> memref<10000x128xf32, #tpu.memory_space<hbm>>
        tpu.wait_indirect_dma semaphore(%arg17 : memref<!tpu.dma_semaphore, #tpu.memory_space<semaphore_mem>>) src(%dma_wait3A_175 : memref<10000x128xf32, #tpu.memory_space<hbm>>) dst(%arg13 : memref<80x128xf32, #tpu.memory_space<vmem>>)
        "tpu.region"() ({
          %run_scoped3A = tpu.sem_alloc : memref<!tpu.dma_semaphore, #tpu.memory_space<semaphore_mem>>
          %dma_start3A_181 = arith.constant 0 : i32
          %dma_start3A_182 = arith.constant 0 : i32
          %dma_start3A_183 = tpu.memref_slice %arg7[%dma_start3A_181, %dma_start3A_182] : memref<10000x128xf32, #tpu.memory_space<vmem_shared>> -> memref<10000x128xf32, #tpu.memory_space<vmem_shared>>
          tpu.enqueue_indirect_dma source(%arg13 : memref<80x128xf32, #tpu.memory_space<vmem>>) target(%dma_start3A_183 : memref<10000x128xf32, #tpu.memory_space<vmem_shared>>) offsets(%arg11 : memref<80xi32, #tpu.memory_space<vmem>>) semaphore(%run_scoped3A : memref<!tpu.dma_semaphore, #tpu.memory_space<semaphore_mem>>) {add = true}
          %dma_wait3A_184 = arith.constant 0 : i32
          %dma_wait3A_185 = arith.constant 0 : i32
          %dma_wait3A_186 = tpu.memref_slice %arg7[%dma_wait3A_184, %dma_wait3A_185] : memref<10000x128xf32, #tpu.memory_space<vmem_shared>> -> memref<10000x128xf32, #tpu.memory_space<vmem_shared>>
          tpu.wait_indirect_dma semaphore(%run_scoped3A : memref<!tpu.dma_semaphore, #tpu.memory_space<semaphore_mem>>) src(%arg13 : memref<80x128xf32, #tpu.memory_space<vmem>>) dst(%dma_wait3A_186 : memref<10000x128xf32, #tpu.memory_space<vmem_shared>>)
          tpu.yield
        }) : () -> ()
        %lt3A_176 = arith.constant 125 : i32
        %lt3A_177 = arith.cmpi slt, %add3A_149, %lt3A_176 : i32
        %convert_element_type3A_178 = arith.extui %lt3A_177 : i1 to i32
        %cond3A_179 = arith.constant 0 : i32
        %cond3A_180 = arith.cmpi ne, %convert_element_type3A_178, %cond3A_179 : i32
        scf.if %cond3A_180 {
          %mul3A_181 = arith.constant 80 : i32
          %mul3A_182 = arith.muli %add3A_149, %mul3A_181 : i32
          %add3A_183 = arith.addi %mul3A_55, %mul3A_182 : i32
          %dma_start3A_184 = tpu.memref_slice %arg3[%add3A_183] : memref<320000xi32, #tpu.memory_space<hbm>> -> memref<80xi32, #tpu.memory_space<hbm>>
          %dma_start3A_185 = tpu.memref_slice %arg3[%add3A_183] : memref<320000xi32, #tpu.memory_space<hbm>> -> memref<80xi32, #tpu.memory_space<hbm>>
          tpu.enqueue_dma source(%dma_start3A_185 : memref<80xi32, #tpu.memory_space<hbm>>) target(%arg9 : memref<80xi32, #tpu.memory_space<vmem>>) target_semaphore(%arg15 : memref<!tpu.dma_semaphore, #tpu.memory_space<semaphore_mem>>)
          %dma_start3A_186 = tpu.memref_slice %arg4[%add3A_183] : memref<320000xi32, #tpu.memory_space<hbm>> -> memref<80xi32, #tpu.memory_space<hbm>>
          %dma_start3A_187 = tpu.memref_slice %arg4[%add3A_183] : memref<320000xi32, #tpu.memory_space<hbm>> -> memref<80xi32, #tpu.memory_space<hbm>>
          tpu.enqueue_dma source(%dma_start3A_187 : memref<80xi32, #tpu.memory_space<hbm>>) target(%arg11 : memref<80xi32, #tpu.memory_space<vmem>>) target_semaphore(%arg15 : memref<!tpu.dma_semaphore, #tpu.memory_space<semaphore_mem>>)
        } else {
        }
      } else {
      }
    }
    %scan3A_79 = arith.constant 63 : i32
    %barrier3A_80 = arith.constant 0 : index
    tpu.barrier barrier_id(%barrier3A_80)
    %add3A_81 = arith.constant 0 : i32
    %add3A_82 = arith.addi %add3A_81, %arg1 : i32
    %lt3A_83 = arith.constant 125 : i32
    %lt3A_84 = arith.cmpi slt, %add3A_82, %lt3A_83 : i32
    %convert_element_type3A_85 = arith.extui %lt3A_84 : i1 to i32
    %cond3A_86 = arith.constant 0 : i32
    %cond3A_87 = arith.cmpi ne, %convert_element_type3A_85, %cond3A_86 : i32
    scf.if %cond3A_87 {
      %mul3A_137 = arith.constant 80 : i32
      %mul3A_138 = arith.muli %add3A_82, %mul3A_137 : i32
      "tpu.region"() ({
        %run_scoped3A = tpu.sem_alloc : memref<!tpu.dma_semaphore, #tpu.memory_space<semaphore_mem>>
        %dma_start3A_139 = arith.constant 0 : i32
        %dma_start3A_140 = tpu.memref_slice %arg6[%arg0, %mul3A_138, %dma_start3A_139] : memref<2x10000x128xf32, #tpu.memory_space<hbm>> -> memref<1x80x128xf32, #tpu.memory_space<hbm>>
        %dma_start3A_141 = tpu.memref_squeeze %dma_start3A_140 : memref<1x80x128xf32, #tpu.memory_space<hbm>> -> memref<80x128xf32, #tpu.memory_space<hbm>>
        %dma_start3A_142 = arith.constant 0 : i32
        %dma_start3A_143 = tpu.memref_slice %arg7[%mul3A_138, %dma_start3A_142] : memref<10000x128xf32, #tpu.memory_space<vmem_shared>> -> memref<80x128xf32, #tpu.memory_space<vmem_shared>>
        tpu.enqueue_dma source(%dma_start3A_143 : memref<80x128xf32, #tpu.memory_space<vmem_shared>>) target(%dma_start3A_141 : memref<80x128xf32, #tpu.memory_space<hbm>>) target_semaphore(%run_scoped3A : memref<!tpu.dma_semaphore, #tpu.memory_space<semaphore_mem>>)
        %dma_wait3A_144 = arith.constant 0 : i32
        %dma_wait3A_145 = tpu.memref_slice %arg6[%arg0, %mul3A_138, %dma_wait3A_144] : memref<2x10000x128xf32, #tpu.memory_space<hbm>> -> memref<1x80x128xf32, #tpu.memory_space<hbm>>
        %dma_wait3A_146 = tpu.memref_squeeze %dma_wait3A_145 : memref<1x80x128xf32, #tpu.memory_space<hbm>> -> memref<80x128xf32, #tpu.memory_space<hbm>>
        %dma_wait3A_147 = arith.constant 0 : i32
        %dma_wait3A_148 = tpu.memref_slice %arg7[%mul3A_138, %dma_wait3A_147] : memref<10000x128xf32, #tpu.memory_space<vmem_shared>> -> memref<80x128xf32, #tpu.memory_space<vmem_shared>>
        tpu.wait_dma2 semaphore(%run_scoped3A : memref<!tpu.dma_semaphore, #tpu.memory_space<semaphore_mem>>) src(%dma_wait3A_148 : memref<80x128xf32, #tpu.memory_space<vmem_shared>>) dst(%dma_wait3A_146 : memref<80x128xf32, #tpu.memory_space<hbm>>)
        tpu.yield
      }) : () -> ()
    } else {
    }
    %add3A_88 = arith.constant 16 : i32
    %add3A_89 = arith.addi %add3A_88, %arg1 : i32
    %lt3A_90 = arith.constant 125 : i32
    %lt3A_91 = arith.cmpi slt, %add3A_89, %lt3A_90 : i32
    %convert_element_type3A_92 = arith.extui %lt3A_91 : i1 to i32
    %cond3A_93 = arith.constant 0 : i32
    %cond3A_94 = arith.cmpi ne, %convert_element_type3A_92, %cond3A_93 : i32
    scf.if %cond3A_94 {
      %mul3A_137 = arith.constant 80 : i32
      %mul3A_138 = arith.muli %add3A_89, %mul3A_137 : i32
      "tpu.region"() ({
        %run_scoped3A = tpu.sem_alloc : memref<!tpu.dma_semaphore, #tpu.memory_space<semaphore_mem>>
        %dma_start3A_139 = arith.constant 0 : i32
        %dma_start3A_140 = tpu.memref_slice %arg6[%arg0, %mul3A_138, %dma_start3A_139] : memref<2x10000x128xf32, #tpu.memory_space<hbm>> -> memref<1x80x128xf32, #tpu.memory_space<hbm>>
        %dma_start3A_141 = tpu.memref_squeeze %dma_start3A_140 : memref<1x80x128xf32, #tpu.memory_space<hbm>> -> memref<80x128xf32, #tpu.memory_space<hbm>>
        %dma_start3A_142 = arith.constant 0 : i32
        %dma_start3A_143 = tpu.memref_slice %arg7[%mul3A_138, %dma_start3A_142] : memref<10000x128xf32, #tpu.memory_space<vmem_shared>> -> memref<80x128xf32, #tpu.memory_space<vmem_shared>>
        tpu.enqueue_dma source(%dma_start3A_143 : memref<80x128xf32, #tpu.memory_space<vmem_shared>>) target(%dma_start3A_141 : memref<80x128xf32, #tpu.memory_space<hbm>>) target_semaphore(%run_scoped3A : memref<!tpu.dma_semaphore, #tpu.memory_space<semaphore_mem>>)
        %dma_wait3A_144 = arith.constant 0 : i32
        %dma_wait3A_145 = tpu.memref_slice %arg6[%arg0, %mul3A_138, %dma_wait3A_144] : memref<2x10000x128xf32, #tpu.memory_space<hbm>> -> memref<1x80x128xf32, #tpu.memory_space<hbm>>
        %dma_wait3A_146 = tpu.memref_squeeze %dma_wait3A_145 : memref<1x80x128xf32, #tpu.memory_space<hbm>> -> memref<80x128xf32, #tpu.memory_space<hbm>>
        %dma_wait3A_147 = arith.constant 0 : i32
        %dma_wait3A_148 = tpu.memref_slice %arg7[%mul3A_138, %dma_wait3A_147] : memref<10000x128xf32, #tpu.memory_space<vmem_shared>> -> memref<80x128xf32, #tpu.memory_space<vmem_shared>>
        tpu.wait_dma2 semaphore(%run_scoped3A : memref<!tpu.dma_semaphore, #tpu.memory_space<semaphore_mem>>) src(%dma_wait3A_148 : memref<80x128xf32, #tpu.memory_space<vmem_shared>>) dst(%dma_wait3A_146 : memref<80x128xf32, #tpu.memory_space<hbm>>)
        tpu.yield
      }) : () -> ()
    } else {
    }
    %add3A_95 = arith.constant 32 : i32
    %add3A_96 = arith.addi %add3A_95, %arg1 : i32
    %lt3A_97 = arith.constant 125 : i32
    %lt3A_98 = arith.cmpi slt, %add3A_96, %lt3A_97 : i32
    %convert_element_type3A_99 = arith.extui %lt3A_98 : i1 to i32
    %cond3A_100 = arith.constant 0 : i32
    %cond3A_101 = arith.cmpi ne, %convert_element_type3A_99, %cond3A_100 : i32
    scf.if %cond3A_101 {
      %mul3A_137 = arith.constant 80 : i32
      %mul3A_138 = arith.muli %add3A_96, %mul3A_137 : i32
      "tpu.region"() ({
        %run_scoped3A = tpu.sem_alloc : memref<!tpu.dma_semaphore, #tpu.memory_space<semaphore_mem>>
        %dma_start3A_139 = arith.constant 0 : i32
        %dma_start3A_140 = tpu.memref_slice %arg6[%arg0, %mul3A_138, %dma_start3A_139] : memref<2x10000x128xf32, #tpu.memory_space<hbm>> -> memref<1x80x128xf32, #tpu.memory_space<hbm>>
        %dma_start3A_141 = tpu.memref_squeeze %dma_start3A_140 : memref<1x80x128xf32, #tpu.memory_space<hbm>> -> memref<80x128xf32, #tpu.memory_space<hbm>>
        %dma_start3A_142 = arith.constant 0 : i32
        %dma_start3A_143 = tpu.memref_slice %arg7[%mul3A_138, %dma_start3A_142] : memref<10000x128xf32, #tpu.memory_space<vmem_shared>> -> memref<80x128xf32, #tpu.memory_space<vmem_shared>>
        tpu.enqueue_dma source(%dma_start3A_143 : memref<80x128xf32, #tpu.memory_space<vmem_shared>>) target(%dma_start3A_141 : memref<80x128xf32, #tpu.memory_space<hbm>>) target_semaphore(%run_scoped3A : memref<!tpu.dma_semaphore, #tpu.memory_space<semaphore_mem>>)
        %dma_wait3A_144 = arith.constant 0 : i32
        %dma_wait3A_145 = tpu.memref_slice %arg6[%arg0, %mul3A_138, %dma_wait3A_144] : memref<2x10000x128xf32, #tpu.memory_space<hbm>> -> memref<1x80x128xf32, #tpu.memory_space<hbm>>
        %dma_wait3A_146 = tpu.memref_squeeze %dma_wait3A_145 : memref<1x80x128xf32, #tpu.memory_space<hbm>> -> memref<80x128xf32, #tpu.memory_space<hbm>>
        %dma_wait3A_147 = arith.constant 0 : i32
        %dma_wait3A_148 = tpu.memref_slice %arg7[%mul3A_138, %dma_wait3A_147] : memref<10000x128xf32, #tpu.memory_space<vmem_shared>> -> memref<80x128xf32, #tpu.memory_space<vmem_shared>>
        tpu.wait_dma2 semaphore(%run_scoped3A : memref<!tpu.dma_semaphore, #tpu.memory_space<semaphore_mem>>) src(%dma_wait3A_148 : memref<80x128xf32, #tpu.memory_space<vmem_shared>>) dst(%dma_wait3A_146 : memref<80x128xf32, #tpu.memory_space<hbm>>)
        tpu.yield
      }) : () -> ()
    } else {
    }
    %add3A_102 = arith.constant 48 : i32
    %add3A_103 = arith.addi %add3A_102, %arg1 : i32
    %lt3A_104 = arith.constant 125 : i32
    %lt3A_105 = arith.cmpi slt, %add3A_103, %lt3A_104 : i32
    %convert_element_type3A_106 = arith.extui %lt3A_105 : i1 to i32
    %cond3A_107 = arith.constant 0 : i32
    %cond3A_108 = arith.cmpi ne, %convert_element_type3A_106, %cond3A_107 : i32
    scf.if %cond3A_108 {
      %mul3A_137 = arith.constant 80 : i32
      %mul3A_138 = arith.muli %add3A_103, %mul3A_137 : i32
      "tpu.region"() ({
        %run_scoped3A = tpu.sem_alloc : memref<!tpu.dma_semaphore, #tpu.memory_space<semaphore_mem>>
        %dma_start3A_139 = arith.constant 0 : i32
        %dma_start3A_140 = tpu.memref_slice %arg6[%arg0, %mul3A_138, %dma_start3A_139] : memref<2x10000x128xf32, #tpu.memory_space<hbm>> -> memref<1x80x128xf32, #tpu.memory_space<hbm>>
        %dma_start3A_141 = tpu.memref_squeeze %dma_start3A_140 : memref<1x80x128xf32, #tpu.memory_space<hbm>> -> memref<80x128xf32, #tpu.memory_space<hbm>>
        %dma_start3A_142 = arith.constant 0 : i32
        %dma_start3A_143 = tpu.memref_slice %arg7[%mul3A_138, %dma_start3A_142] : memref<10000x128xf32, #tpu.memory_space<vmem_shared>> -> memref<80x128xf32, #tpu.memory_space<vmem_shared>>
        tpu.enqueue_dma source(%dma_start3A_143 : memref<80x128xf32, #tpu.memory_space<vmem_shared>>) target(%dma_start3A_141 : memref<80x128xf32, #tpu.memory_space<hbm>>) target_semaphore(%run_scoped3A : memref<!tpu.dma_semaphore, #tpu.memory_space<semaphore_mem>>)
        %dma_wait3A_144 = arith.constant 0 : i32
        %dma_wait3A_145 = tpu.memref_slice %arg6[%arg0, %mul3A_138, %dma_wait3A_144] : memref<2x10000x128xf32, #tpu.memory_space<hbm>> -> memref<1x80x128xf32, #tpu.memory_space<hbm>>
        %dma_wait3A_146 = tpu.memref_squeeze %dma_wait3A_145 : memref<1x80x128xf32, #tpu.memory_space<hbm>> -> memref<80x128xf32, #tpu.memory_space<hbm>>
        %dma_wait3A_147 = arith.constant 0 : i32
        %dma_wait3A_148 = tpu.memref_slice %arg7[%mul3A_138, %dma_wait3A_147] : memref<10000x128xf32, #tpu.memory_space<vmem_shared>> -> memref<80x128xf32, #tpu.memory_space<vmem_shared>>
        tpu.wait_dma2 semaphore(%run_scoped3A : memref<!tpu.dma_semaphore, #tpu.memory_space<semaphore_mem>>) src(%dma_wait3A_148 : memref<80x128xf32, #tpu.memory_space<vmem_shared>>) dst(%dma_wait3A_146 : memref<80x128xf32, #tpu.memory_space<hbm>>)
        tpu.yield
      }) : () -> ()
    } else {
    }
    %add3A_109 = arith.constant 64 : i32
    %add3A_110 = arith.addi %add3A_109, %arg1 : i32
    %lt3A_111 = arith.constant 125 : i32
    %lt3A_112 = arith.cmpi slt, %add3A_110, %lt3A_111 : i32
    %convert_element_type3A_113 = arith.extui %lt3A_112 : i1 to i32
    %cond3A_114 = arith.constant 0 : i32
    %cond3A_115 = arith.cmpi ne, %convert_element_type3A_113, %cond3A_114 : i32
    scf.if %cond3A_115 {
      %mul3A_137 = arith.constant 80 : i32
      %mul3A_138 = arith.muli %add3A_110, %mul3A_137 : i32
      "tpu.region"() ({
        %run_scoped3A = tpu.sem_alloc : memref<!tpu.dma_semaphore, #tpu.memory_space<semaphore_mem>>
        %dma_start3A_139 = arith.constant 0 : i32
        %dma_start3A_140 = tpu.memref_slice %arg6[%arg0, %mul3A_138, %dma_start3A_139] : memref<2x10000x128xf32, #tpu.memory_space<hbm>> -> memref<1x80x128xf32, #tpu.memory_space<hbm>>
        %dma_start3A_141 = tpu.memref_squeeze %dma_start3A_140 : memref<1x80x128xf32, #tpu.memory_space<hbm>> -> memref<80x128xf32, #tpu.memory_space<hbm>>
        %dma_start3A_142 = arith.constant 0 : i32
        %dma_start3A_143 = tpu.memref_slice %arg7[%mul3A_138, %dma_start3A_142] : memref<10000x128xf32, #tpu.memory_space<vmem_shared>> -> memref<80x128xf32, #tpu.memory_space<vmem_shared>>
        tpu.enqueue_dma source(%dma_start3A_143 : memref<80x128xf32, #tpu.memory_space<vmem_shared>>) target(%dma_start3A_141 : memref<80x128xf32, #tpu.memory_space<hbm>>) target_semaphore(%run_scoped3A : memref<!tpu.dma_semaphore, #tpu.memory_space<semaphore_mem>>)
        %dma_wait3A_144 = arith.constant 0 : i32
        %dma_wait3A_145 = tpu.memref_slice %arg6[%arg0, %mul3A_138, %dma_wait3A_144] : memref<2x10000x128xf32, #tpu.memory_space<hbm>> -> memref<1x80x128xf32, #tpu.memory_space<hbm>>
        %dma_wait3A_146 = tpu.memref_squeeze %dma_wait3A_145 : memref<1x80x128xf32, #tpu.memory_space<hbm>> -> memref<80x128xf32, #tpu.memory_space<hbm>>
        %dma_wait3A_147 = arith.constant 0 : i32
        %dma_wait3A_148 = tpu.memref_slice %arg7[%mul3A_138, %dma_wait3A_147] : memref<10000x128xf32, #tpu.memory_space<vmem_shared>> -> memref<80x128xf32, #tpu.memory_space<vmem_shared>>
        tpu.wait_dma2 semaphore(%run_scoped3A : memref<!tpu.dma_semaphore, #tpu.memory_space<semaphore_mem>>) src(%dma_wait3A_148 : memref<80x128xf32, #tpu.memory_space<vmem_shared>>) dst(%dma_wait3A_146 : memref<80x128xf32, #tpu.memory_space<hbm>>)
        tpu.yield
      }) : () -> ()
    } else {
    }
    %add3A_116 = arith.constant 80 : i32
    %add3A_117 = arith.addi %add3A_116, %arg1 : i32
    %lt3A_118 = arith.constant 125 : i32
    %lt3A_119 = arith.cmpi slt, %add3A_117, %lt3A_118 : i32
    %convert_element_type3A_120 = arith.extui %lt3A_119 : i1 to i32
    %cond3A_121 = arith.constant 0 : i32
    %cond3A_122 = arith.cmpi ne, %convert_element_type3A_120, %cond3A_121 : i32
    scf.if %cond3A_122 {
      %mul3A_137 = arith.constant 80 : i32
      %mul3A_138 = arith.muli %add3A_117, %mul3A_137 : i32
      "tpu.region"() ({
        %run_scoped3A = tpu.sem_alloc : memref<!tpu.dma_semaphore, #tpu.memory_space<semaphore_mem>>
        %dma_start3A_139 = arith.constant 0 : i32
        %dma_start3A_140 = tpu.memref_slice %arg6[%arg0, %mul3A_138, %dma_start3A_139] : memref<2x10000x128xf32, #tpu.memory_space<hbm>> -> memref<1x80x128xf32, #tpu.memory_space<hbm>>
        %dma_start3A_141 = tpu.memref_squeeze %dma_start3A_140 : memref<1x80x128xf32, #tpu.memory_space<hbm>> -> memref<80x128xf32, #tpu.memory_space<hbm>>
        %dma_start3A_142 = arith.constant 0 : i32
        %dma_start3A_143 = tpu.memref_slice %arg7[%mul3A_138, %dma_start3A_142] : memref<10000x128xf32, #tpu.memory_space<vmem_shared>> -> memref<80x128xf32, #tpu.memory_space<vmem_shared>>
        tpu.enqueue_dma source(%dma_start3A_143 : memref<80x128xf32, #tpu.memory_space<vmem_shared>>) target(%dma_start3A_141 : memref<80x128xf32, #tpu.memory_space<hbm>>) target_semaphore(%run_scoped3A : memref<!tpu.dma_semaphore, #tpu.memory_space<semaphore_mem>>)
        %dma_wait3A_144 = arith.constant 0 : i32
        %dma_wait3A_145 = tpu.memref_slice %arg6[%arg0, %mul3A_138, %dma_wait3A_144] : memref<2x10000x128xf32, #tpu.memory_space<hbm>> -> memref<1x80x128xf32, #tpu.memory_space<hbm>>
        %dma_wait3A_146 = tpu.memref_squeeze %dma_wait3A_145 : memref<1x80x128xf32, #tpu.memory_space<hbm>> -> memref<80x128xf32, #tpu.memory_space<hbm>>
        %dma_wait3A_147 = arith.constant 0 : i32
        %dma_wait3A_148 = tpu.memref_slice %arg7[%mul3A_138, %dma_wait3A_147] : memref<10000x128xf32, #tpu.memory_space<vmem_shared>> -> memref<80x128xf32, #tpu.memory_space<vmem_shared>>
        tpu.wait_dma2 semaphore(%run_scoped3A : memref<!tpu.dma_semaphore, #tpu.memory_space<semaphore_mem>>) src(%dma_wait3A_148 : memref<80x128xf32, #tpu.memory_space<vmem_shared>>) dst(%dma_wait3A_146 : memref<80x128xf32, #tpu.memory_space<hbm>>)
        tpu.yield
      }) : () -> ()
    } else {
    }
    %add3A_123 = arith.constant 96 : i32
    %add3A_124 = arith.addi %add3A_123, %arg1 : i32
    %lt3A_125 = arith.constant 125 : i32
    %lt3A_126 = arith.cmpi slt, %add3A_124, %lt3A_125 : i32
    %convert_element_type3A_127 = arith.extui %lt3A_126 : i1 to i32
    %cond3A_128 = arith.constant 0 : i32
    %cond3A_129 = arith.cmpi ne, %convert_element_type3A_127, %cond3A_128 : i32
    scf.if %cond3A_129 {
      %mul3A_137 = arith.constant 80 : i32
      %mul3A_138 = arith.muli %add3A_124, %mul3A_137 : i32
      "tpu.region"() ({
        %run_scoped3A = tpu.sem_alloc : memref<!tpu.dma_semaphore, #tpu.memory_space<semaphore_mem>>
        %dma_start3A_139 = arith.constant 0 : i32
        %dma_start3A_140 = tpu.memref_slice %arg6[%arg0, %mul3A_138, %dma_start3A_139] : memref<2x10000x128xf32, #tpu.memory_space<hbm>> -> memref<1x80x128xf32, #tpu.memory_space<hbm>>
        %dma_start3A_141 = tpu.memref_squeeze %dma_start3A_140 : memref<1x80x128xf32, #tpu.memory_space<hbm>> -> memref<80x128xf32, #tpu.memory_space<hbm>>
        %dma_start3A_142 = arith.constant 0 : i32
        %dma_start3A_143 = tpu.memref_slice %arg7[%mul3A_138, %dma_start3A_142] : memref<10000x128xf32, #tpu.memory_space<vmem_shared>> -> memref<80x128xf32, #tpu.memory_space<vmem_shared>>
        tpu.enqueue_dma source(%dma_start3A_143 : memref<80x128xf32, #tpu.memory_space<vmem_shared>>) target(%dma_start3A_141 : memref<80x128xf32, #tpu.memory_space<hbm>>) target_semaphore(%run_scoped3A : memref<!tpu.dma_semaphore, #tpu.memory_space<semaphore_mem>>)
        %dma_wait3A_144 = arith.constant 0 : i32
        %dma_wait3A_145 = tpu.memref_slice %arg6[%arg0, %mul3A_138, %dma_wait3A_144] : memref<2x10000x128xf32, #tpu.memory_space<hbm>> -> memref<1x80x128xf32, #tpu.memory_space<hbm>>
        %dma_wait3A_146 = tpu.memref_squeeze %dma_wait3A_145 : memref<1x80x128xf32, #tpu.memory_space<hbm>> -> memref<80x128xf32, #tpu.memory_space<hbm>>
        %dma_wait3A_147 = arith.constant 0 : i32
        %dma_wait3A_148 = tpu.memref_slice %arg7[%mul3A_138, %dma_wait3A_147] : memref<10000x128xf32, #tpu.memory_space<vmem_shared>> -> memref<80x128xf32, #tpu.memory_space<vmem_shared>>
        tpu.wait_dma2 semaphore(%run_scoped3A : memref<!tpu.dma_semaphore, #tpu.memory_space<semaphore_mem>>) src(%dma_wait3A_148 : memref<80x128xf32, #tpu.memory_space<vmem_shared>>) dst(%dma_wait3A_146 : memref<80x128xf32, #tpu.memory_space<hbm>>)
        tpu.yield
      }) : () -> ()
    } else {
    }
    %add3A_130 = arith.constant 112 : i32
    %add3A_131 = arith.addi %add3A_130, %arg1 : i32
    %lt3A_132 = arith.constant 125 : i32
    %lt3A_133 = arith.cmpi slt, %add3A_131, %lt3A_132 : i32
    %convert_element_type3A_134 = arith.extui %lt3A_133 : i1 to i32
    %cond3A_135 = arith.constant 0 : i32
    %cond3A_136 = arith.cmpi ne, %convert_element_type3A_134, %cond3A_135 : i32
    scf.if %cond3A_136 {
      %mul3A_137 = arith.constant 80 : i32
      %mul3A_138 = arith.muli %add3A_131, %mul3A_137 : i32
      "tpu.region"() ({
        %run_scoped3A = tpu.sem_alloc : memref<!tpu.dma_semaphore, #tpu.memory_space<semaphore_mem>>
        %dma_start3A_139 = arith.constant 0 : i32
        %dma_start3A_140 = tpu.memref_slice %arg6[%arg0, %mul3A_138, %dma_start3A_139] : memref<2x10000x128xf32, #tpu.memory_space<hbm>> -> memref<1x80x128xf32, #tpu.memory_space<hbm>>
        %dma_start3A_141 = tpu.memref_squeeze %dma_start3A_140 : memref<1x80x128xf32, #tpu.memory_space<hbm>> -> memref<80x128xf32, #tpu.memory_space<hbm>>
        %dma_start3A_142 = arith.constant 0 : i32
        %dma_start3A_143 = tpu.memref_slice %arg7[%mul3A_138, %dma_start3A_142] : memref<10000x128xf32, #tpu.memory_space<vmem_shared>> -> memref<80x128xf32, #tpu.memory_space<vmem_shared>>
        tpu.enqueue_dma source(%dma_start3A_143 : memref<80x128xf32, #tpu.memory_space<vmem_shared>>) target(%dma_start3A_141 : memref<80x128xf32, #tpu.memory_space<hbm>>) target_semaphore(%run_scoped3A : memref<!tpu.dma_semaphore, #tpu.memory_space<semaphore_mem>>)
        %dma_wait3A_144 = arith.constant 0 : i32
        %dma_wait3A_145 = tpu.memref_slice %arg6[%arg0, %mul3A_138, %dma_wait3A_144] : memref<2x10000x128xf32, #tpu.memory_space<hbm>> -> memref<1x80x128xf32, #tpu.memory_space<hbm>>
        %dma_wait3A_146 = tpu.memref_squeeze %dma_wait3A_145 : memref<1x80x128xf32, #tpu.memory_space<hbm>> -> memref<80x128xf32, #tpu.memory_space<hbm>>
        %dma_wait3A_147 = arith.constant 0 : i32
        %dma_wait3A_148 = tpu.memref_slice %arg7[%mul3A_138, %dma_wait3A_147] : memref<10000x128xf32, #tpu.memory_space<vmem_shared>> -> memref<80x128xf32, #tpu.memory_space<vmem_shared>>
        tpu.wait_dma2 semaphore(%run_scoped3A : memref<!tpu.dma_semaphore, #tpu.memory_space<semaphore_mem>>) src(%dma_wait3A_148 : memref<80x128xf32, #tpu.memory_space<vmem_shared>>) dst(%dma_wait3A_146 : memref<80x128xf32, #tpu.memory_space<hbm>>)
        tpu.yield
      }) : () -> ()
    } else {
    }
    return
  }
}

#map = affine_map<(d0, d1) -> (0)>
#map1 = affine_map<(d0, d1) -> (0, 0)>
#map2 = affine_map<(d0, d1) -> (0, 0, 0)>
module attributes {stable_mosaic.version = 14 : i64} {
  func.func @_deg_pass_body(%arg0: i32, %arg1: i32, %arg2: memref<320000xi32, #tpu.memory_space<hbm>>, %arg3: memref<10000x128xf32, #tpu.memory_space<hbm>>, %arg4: memref<80x128xf32, #tpu.memory_space<hbm>>, %arg5: memref<2x10000x128xf32, #tpu.memory_space<hbm>>, %arg6: memref<10000x128xf32, #tpu.memory_space<vmem_shared>>, %arg7: memref<80xi32, #tpu.memory_space<vmem>>, %arg8: memref<80xi32, #tpu.memory_space<vmem>>, %arg9: memref<80x128xf32, #tpu.memory_space<vmem>>, %arg10: memref<!tpu.dma_semaphore, #tpu.memory_space<semaphore_mem>>, %arg11: memref<!tpu.dma_semaphore, #tpu.memory_space<semaphore_mem>>) attributes {dimension_semantics = [#tpu.dimension_semantics<core_parallel>, #tpu.dimension_semantics<subcore_parallel>], iteration_bounds = array<i64: 2, 16>, scalar_prefetch = 0 : i64, scratch_operands = 6 : i64, tpu.core_type = #tpu.core_type<sc_vector_subcore>, window_params = [{transform_indices = #map}, {transform_indices = #map1}, {transform_indices = #map1}, {transform_indices = #map2}]} {
    %mul3A = arith.constant 16 : i32
    %mul3A_0 = arith.muli %arg0, %mul3A : i32
    %add3A = arith.addi %mul3A_0, %arg1 : i32
    "tpu.region"() ({
      %run_scoped3A = tpu.sem_alloc : memref<!tpu.dma_semaphore, #tpu.memory_space<semaphore_mem>>
      tpu.enqueue_dma source(%arg4 : memref<80x128xf32, #tpu.memory_space<hbm>>) target(%arg9 : memref<80x128xf32, #tpu.memory_space<vmem>>) target_semaphore(%run_scoped3A : memref<!tpu.dma_semaphore, #tpu.memory_space<semaphore_mem>>)
      tpu.wait_dma2 semaphore(%run_scoped3A : memref<!tpu.dma_semaphore, #tpu.memory_space<semaphore_mem>>) src(%arg4 : memref<80x128xf32, #tpu.memory_space<hbm>>) dst(%arg9 : memref<80x128xf32, #tpu.memory_space<vmem>>)
      tpu.yield
    }) : () -> ()
    %add3A_1 = arith.constant 0 : i32
    %add3A_2 = arith.addi %add3A_1, %arg1 : i32
    %lt3A = arith.constant 125 : i32
    %lt3A_3 = arith.cmpi slt, %add3A_2, %lt3A : i32
    %convert_element_type3A = arith.extui %lt3A_3 : i1 to i32
    %cond3A = arith.constant 0 : i32
    %cond3A_4 = arith.cmpi ne, %convert_element_type3A, %cond3A : i32
    scf.if %cond3A_4 {
      %mul3A_125 = arith.constant 80 : i32
      %mul3A_126 = arith.muli %add3A_2, %mul3A_125 : i32
      "tpu.region"() ({
        %run_scoped3A = tpu.sem_alloc : memref<!tpu.dma_semaphore, #tpu.memory_space<semaphore_mem>>
        %dma_start3A_127 = arith.constant 0 : i32
        %dma_start3A_128 = tpu.memref_slice %arg6[%mul3A_126, %dma_start3A_127] : memref<10000x128xf32, #tpu.memory_space<vmem_shared>> -> memref<80x128xf32, #tpu.memory_space<vmem_shared>>
        %dma_start3A_129 = arith.constant 0 : i32
        %dma_start3A_130 = tpu.memref_slice %arg3[%mul3A_126, %dma_start3A_129] : memref<10000x128xf32, #tpu.memory_space<hbm>> -> memref<80x128xf32, #tpu.memory_space<hbm>>
        tpu.enqueue_dma source(%dma_start3A_130 : memref<80x128xf32, #tpu.memory_space<hbm>>) target(%dma_start3A_128 : memref<80x128xf32, #tpu.memory_space<vmem_shared>>) target_semaphore(%run_scoped3A : memref<!tpu.dma_semaphore, #tpu.memory_space<semaphore_mem>>)
        %dma_wait3A = arith.constant 0 : i32
        %dma_wait3A_131 = tpu.memref_slice %arg6[%mul3A_126, %dma_wait3A] : memref<10000x128xf32, #tpu.memory_space<vmem_shared>> -> memref<80x128xf32, #tpu.memory_space<vmem_shared>>
        %dma_wait3A_132 = arith.constant 0 : i32
        %dma_wait3A_133 = tpu.memref_slice %arg3[%mul3A_126, %dma_wait3A_132] : memref<10000x128xf32, #tpu.memory_space<hbm>> -> memref<80x128xf32, #tpu.memory_space<hbm>>
        tpu.wait_dma2 semaphore(%run_scoped3A : memref<!tpu.dma_semaphore, #tpu.memory_space<semaphore_mem>>) src(%dma_wait3A_133 : memref<80x128xf32, #tpu.memory_space<hbm>>) dst(%dma_wait3A_131 : memref<80x128xf32, #tpu.memory_space<vmem_shared>>)
        tpu.yield
      }) : () -> ()
    } else {
    }
    %add3A_5 = arith.constant 16 : i32
    %add3A_6 = arith.addi %add3A_5, %arg1 : i32
    %lt3A_7 = arith.constant 125 : i32
    %lt3A_8 = arith.cmpi slt, %add3A_6, %lt3A_7 : i32
    %convert_element_type3A_9 = arith.extui %lt3A_8 : i1 to i32
    %cond3A_10 = arith.constant 0 : i32
    %cond3A_11 = arith.cmpi ne, %convert_element_type3A_9, %cond3A_10 : i32
    scf.if %cond3A_11 {
      %mul3A_125 = arith.constant 80 : i32
      %mul3A_126 = arith.muli %add3A_6, %mul3A_125 : i32
      "tpu.region"() ({
        %run_scoped3A = tpu.sem_alloc : memref<!tpu.dma_semaphore, #tpu.memory_space<semaphore_mem>>
        %dma_start3A_127 = arith.constant 0 : i32
        %dma_start3A_128 = tpu.memref_slice %arg6[%mul3A_126, %dma_start3A_127] : memref<10000x128xf32, #tpu.memory_space<vmem_shared>> -> memref<80x128xf32, #tpu.memory_space<vmem_shared>>
        %dma_start3A_129 = arith.constant 0 : i32
        %dma_start3A_130 = tpu.memref_slice %arg3[%mul3A_126, %dma_start3A_129] : memref<10000x128xf32, #tpu.memory_space<hbm>> -> memref<80x128xf32, #tpu.memory_space<hbm>>
        tpu.enqueue_dma source(%dma_start3A_130 : memref<80x128xf32, #tpu.memory_space<hbm>>) target(%dma_start3A_128 : memref<80x128xf32, #tpu.memory_space<vmem_shared>>) target_semaphore(%run_scoped3A : memref<!tpu.dma_semaphore, #tpu.memory_space<semaphore_mem>>)
        %dma_wait3A = arith.constant 0 : i32
        %dma_wait3A_131 = tpu.memref_slice %arg6[%mul3A_126, %dma_wait3A] : memref<10000x128xf32, #tpu.memory_space<vmem_shared>> -> memref<80x128xf32, #tpu.memory_space<vmem_shared>>
        %dma_wait3A_132 = arith.constant 0 : i32
        %dma_wait3A_133 = tpu.memref_slice %arg3[%mul3A_126, %dma_wait3A_132] : memref<10000x128xf32, #tpu.memory_space<hbm>> -> memref<80x128xf32, #tpu.memory_space<hbm>>
        tpu.wait_dma2 semaphore(%run_scoped3A : memref<!tpu.dma_semaphore, #tpu.memory_space<semaphore_mem>>) src(%dma_wait3A_133 : memref<80x128xf32, #tpu.memory_space<hbm>>) dst(%dma_wait3A_131 : memref<80x128xf32, #tpu.memory_space<vmem_shared>>)
        tpu.yield
      }) : () -> ()
    } else {
    }
    %add3A_12 = arith.constant 32 : i32
    %add3A_13 = arith.addi %add3A_12, %arg1 : i32
    %lt3A_14 = arith.constant 125 : i32
    %lt3A_15 = arith.cmpi slt, %add3A_13, %lt3A_14 : i32
    %convert_element_type3A_16 = arith.extui %lt3A_15 : i1 to i32
    %cond3A_17 = arith.constant 0 : i32
    %cond3A_18 = arith.cmpi ne, %convert_element_type3A_16, %cond3A_17 : i32
    scf.if %cond3A_18 {
      %mul3A_125 = arith.constant 80 : i32
      %mul3A_126 = arith.muli %add3A_13, %mul3A_125 : i32
      "tpu.region"() ({
        %run_scoped3A = tpu.sem_alloc : memref<!tpu.dma_semaphore, #tpu.memory_space<semaphore_mem>>
        %dma_start3A_127 = arith.constant 0 : i32
        %dma_start3A_128 = tpu.memref_slice %arg6[%mul3A_126, %dma_start3A_127] : memref<10000x128xf32, #tpu.memory_space<vmem_shared>> -> memref<80x128xf32, #tpu.memory_space<vmem_shared>>
        %dma_start3A_129 = arith.constant 0 : i32
        %dma_start3A_130 = tpu.memref_slice %arg3[%mul3A_126, %dma_start3A_129] : memref<10000x128xf32, #tpu.memory_space<hbm>> -> memref<80x128xf32, #tpu.memory_space<hbm>>
        tpu.enqueue_dma source(%dma_start3A_130 : memref<80x128xf32, #tpu.memory_space<hbm>>) target(%dma_start3A_128 : memref<80x128xf32, #tpu.memory_space<vmem_shared>>) target_semaphore(%run_scoped3A : memref<!tpu.dma_semaphore, #tpu.memory_space<semaphore_mem>>)
        %dma_wait3A = arith.constant 0 : i32
        %dma_wait3A_131 = tpu.memref_slice %arg6[%mul3A_126, %dma_wait3A] : memref<10000x128xf32, #tpu.memory_space<vmem_shared>> -> memref<80x128xf32, #tpu.memory_space<vmem_shared>>
        %dma_wait3A_132 = arith.constant 0 : i32
        %dma_wait3A_133 = tpu.memref_slice %arg3[%mul3A_126, %dma_wait3A_132] : memref<10000x128xf32, #tpu.memory_space<hbm>> -> memref<80x128xf32, #tpu.memory_space<hbm>>
        tpu.wait_dma2 semaphore(%run_scoped3A : memref<!tpu.dma_semaphore, #tpu.memory_space<semaphore_mem>>) src(%dma_wait3A_133 : memref<80x128xf32, #tpu.memory_space<hbm>>) dst(%dma_wait3A_131 : memref<80x128xf32, #tpu.memory_space<vmem_shared>>)
        tpu.yield
      }) : () -> ()
    } else {
    }
    %add3A_19 = arith.constant 48 : i32
    %add3A_20 = arith.addi %add3A_19, %arg1 : i32
    %lt3A_21 = arith.constant 125 : i32
    %lt3A_22 = arith.cmpi slt, %add3A_20, %lt3A_21 : i32
    %convert_element_type3A_23 = arith.extui %lt3A_22 : i1 to i32
    %cond3A_24 = arith.constant 0 : i32
    %cond3A_25 = arith.cmpi ne, %convert_element_type3A_23, %cond3A_24 : i32
    scf.if %cond3A_25 {
      %mul3A_125 = arith.constant 80 : i32
      %mul3A_126 = arith.muli %add3A_20, %mul3A_125 : i32
      "tpu.region"() ({
        %run_scoped3A = tpu.sem_alloc : memref<!tpu.dma_semaphore, #tpu.memory_space<semaphore_mem>>
        %dma_start3A_127 = arith.constant 0 : i32
        %dma_start3A_128 = tpu.memref_slice %arg6[%mul3A_126, %dma_start3A_127] : memref<10000x128xf32, #tpu.memory_space<vmem_shared>> -> memref<80x128xf32, #tpu.memory_space<vmem_shared>>
        %dma_start3A_129 = arith.constant 0 : i32
        %dma_start3A_130 = tpu.memref_slice %arg3[%mul3A_126, %dma_start3A_129] : memref<10000x128xf32, #tpu.memory_space<hbm>> -> memref<80x128xf32, #tpu.memory_space<hbm>>
        tpu.enqueue_dma source(%dma_start3A_130 : memref<80x128xf32, #tpu.memory_space<hbm>>) target(%dma_start3A_128 : memref<80x128xf32, #tpu.memory_space<vmem_shared>>) target_semaphore(%run_scoped3A : memref<!tpu.dma_semaphore, #tpu.memory_space<semaphore_mem>>)
        %dma_wait3A = arith.constant 0 : i32
        %dma_wait3A_131 = tpu.memref_slice %arg6[%mul3A_126, %dma_wait3A] : memref<10000x128xf32, #tpu.memory_space<vmem_shared>> -> memref<80x128xf32, #tpu.memory_space<vmem_shared>>
        %dma_wait3A_132 = arith.constant 0 : i32
        %dma_wait3A_133 = tpu.memref_slice %arg3[%mul3A_126, %dma_wait3A_132] : memref<10000x128xf32, #tpu.memory_space<hbm>> -> memref<80x128xf32, #tpu.memory_space<hbm>>
        tpu.wait_dma2 semaphore(%run_scoped3A : memref<!tpu.dma_semaphore, #tpu.memory_space<semaphore_mem>>) src(%dma_wait3A_133 : memref<80x128xf32, #tpu.memory_space<hbm>>) dst(%dma_wait3A_131 : memref<80x128xf32, #tpu.memory_space<vmem_shared>>)
        tpu.yield
      }) : () -> ()
    } else {
    }
    %add3A_26 = arith.constant 64 : i32
    %add3A_27 = arith.addi %add3A_26, %arg1 : i32
    %lt3A_28 = arith.constant 125 : i32
    %lt3A_29 = arith.cmpi slt, %add3A_27, %lt3A_28 : i32
    %convert_element_type3A_30 = arith.extui %lt3A_29 : i1 to i32
    %cond3A_31 = arith.constant 0 : i32
    %cond3A_32 = arith.cmpi ne, %convert_element_type3A_30, %cond3A_31 : i32
    scf.if %cond3A_32 {
      %mul3A_125 = arith.constant 80 : i32
      %mul3A_126 = arith.muli %add3A_27, %mul3A_125 : i32
      "tpu.region"() ({
        %run_scoped3A = tpu.sem_alloc : memref<!tpu.dma_semaphore, #tpu.memory_space<semaphore_mem>>
        %dma_start3A_127 = arith.constant 0 : i32
        %dma_start3A_128 = tpu.memref_slice %arg6[%mul3A_126, %dma_start3A_127] : memref<10000x128xf32, #tpu.memory_space<vmem_shared>> -> memref<80x128xf32, #tpu.memory_space<vmem_shared>>
        %dma_start3A_129 = arith.constant 0 : i32
        %dma_start3A_130 = tpu.memref_slice %arg3[%mul3A_126, %dma_start3A_129] : memref<10000x128xf32, #tpu.memory_space<hbm>> -> memref<80x128xf32, #tpu.memory_space<hbm>>
        tpu.enqueue_dma source(%dma_start3A_130 : memref<80x128xf32, #tpu.memory_space<hbm>>) target(%dma_start3A_128 : memref<80x128xf32, #tpu.memory_space<vmem_shared>>) target_semaphore(%run_scoped3A : memref<!tpu.dma_semaphore, #tpu.memory_space<semaphore_mem>>)
        %dma_wait3A = arith.constant 0 : i32
        %dma_wait3A_131 = tpu.memref_slice %arg6[%mul3A_126, %dma_wait3A] : memref<10000x128xf32, #tpu.memory_space<vmem_shared>> -> memref<80x128xf32, #tpu.memory_space<vmem_shared>>
        %dma_wait3A_132 = arith.constant 0 : i32
        %dma_wait3A_133 = tpu.memref_slice %arg3[%mul3A_126, %dma_wait3A_132] : memref<10000x128xf32, #tpu.memory_space<hbm>> -> memref<80x128xf32, #tpu.memory_space<hbm>>
        tpu.wait_dma2 semaphore(%run_scoped3A : memref<!tpu.dma_semaphore, #tpu.memory_space<semaphore_mem>>) src(%dma_wait3A_133 : memref<80x128xf32, #tpu.memory_space<hbm>>) dst(%dma_wait3A_131 : memref<80x128xf32, #tpu.memory_space<vmem_shared>>)
        tpu.yield
      }) : () -> ()
    } else {
    }
    %add3A_33 = arith.constant 80 : i32
    %add3A_34 = arith.addi %add3A_33, %arg1 : i32
    %lt3A_35 = arith.constant 125 : i32
    %lt3A_36 = arith.cmpi slt, %add3A_34, %lt3A_35 : i32
    %convert_element_type3A_37 = arith.extui %lt3A_36 : i1 to i32
    %cond3A_38 = arith.constant 0 : i32
    %cond3A_39 = arith.cmpi ne, %convert_element_type3A_37, %cond3A_38 : i32
    scf.if %cond3A_39 {
      %mul3A_125 = arith.constant 80 : i32
      %mul3A_126 = arith.muli %add3A_34, %mul3A_125 : i32
      "tpu.region"() ({
        %run_scoped3A = tpu.sem_alloc : memref<!tpu.dma_semaphore, #tpu.memory_space<semaphore_mem>>
        %dma_start3A_127 = arith.constant 0 : i32
        %dma_start3A_128 = tpu.memref_slice %arg6[%mul3A_126, %dma_start3A_127] : memref<10000x128xf32, #tpu.memory_space<vmem_shared>> -> memref<80x128xf32, #tpu.memory_space<vmem_shared>>
        %dma_start3A_129 = arith.constant 0 : i32
        %dma_start3A_130 = tpu.memref_slice %arg3[%mul3A_126, %dma_start3A_129] : memref<10000x128xf32, #tpu.memory_space<hbm>> -> memref<80x128xf32, #tpu.memory_space<hbm>>
        tpu.enqueue_dma source(%dma_start3A_130 : memref<80x128xf32, #tpu.memory_space<hbm>>) target(%dma_start3A_128 : memref<80x128xf32, #tpu.memory_space<vmem_shared>>) target_semaphore(%run_scoped3A : memref<!tpu.dma_semaphore, #tpu.memory_space<semaphore_mem>>)
        %dma_wait3A = arith.constant 0 : i32
        %dma_wait3A_131 = tpu.memref_slice %arg6[%mul3A_126, %dma_wait3A] : memref<10000x128xf32, #tpu.memory_space<vmem_shared>> -> memref<80x128xf32, #tpu.memory_space<vmem_shared>>
        %dma_wait3A_132 = arith.constant 0 : i32
        %dma_wait3A_133 = tpu.memref_slice %arg3[%mul3A_126, %dma_wait3A_132] : memref<10000x128xf32, #tpu.memory_space<hbm>> -> memref<80x128xf32, #tpu.memory_space<hbm>>
        tpu.wait_dma2 semaphore(%run_scoped3A : memref<!tpu.dma_semaphore, #tpu.memory_space<semaphore_mem>>) src(%dma_wait3A_133 : memref<80x128xf32, #tpu.memory_space<hbm>>) dst(%dma_wait3A_131 : memref<80x128xf32, #tpu.memory_space<vmem_shared>>)
        tpu.yield
      }) : () -> ()
    } else {
    }
    %add3A_40 = arith.constant 96 : i32
    %add3A_41 = arith.addi %add3A_40, %arg1 : i32
    %lt3A_42 = arith.constant 125 : i32
    %lt3A_43 = arith.cmpi slt, %add3A_41, %lt3A_42 : i32
    %convert_element_type3A_44 = arith.extui %lt3A_43 : i1 to i32
    %cond3A_45 = arith.constant 0 : i32
    %cond3A_46 = arith.cmpi ne, %convert_element_type3A_44, %cond3A_45 : i32
    scf.if %cond3A_46 {
      %mul3A_125 = arith.constant 80 : i32
      %mul3A_126 = arith.muli %add3A_41, %mul3A_125 : i32
      "tpu.region"() ({
        %run_scoped3A = tpu.sem_alloc : memref<!tpu.dma_semaphore, #tpu.memory_space<semaphore_mem>>
        %dma_start3A_127 = arith.constant 0 : i32
        %dma_start3A_128 = tpu.memref_slice %arg6[%mul3A_126, %dma_start3A_127] : memref<10000x128xf32, #tpu.memory_space<vmem_shared>> -> memref<80x128xf32, #tpu.memory_space<vmem_shared>>
        %dma_start3A_129 = arith.constant 0 : i32
        %dma_start3A_130 = tpu.memref_slice %arg3[%mul3A_126, %dma_start3A_129] : memref<10000x128xf32, #tpu.memory_space<hbm>> -> memref<80x128xf32, #tpu.memory_space<hbm>>
        tpu.enqueue_dma source(%dma_start3A_130 : memref<80x128xf32, #tpu.memory_space<hbm>>) target(%dma_start3A_128 : memref<80x128xf32, #tpu.memory_space<vmem_shared>>) target_semaphore(%run_scoped3A : memref<!tpu.dma_semaphore, #tpu.memory_space<semaphore_mem>>)
        %dma_wait3A = arith.constant 0 : i32
        %dma_wait3A_131 = tpu.memref_slice %arg6[%mul3A_126, %dma_wait3A] : memref<10000x128xf32, #tpu.memory_space<vmem_shared>> -> memref<80x128xf32, #tpu.memory_space<vmem_shared>>
        %dma_wait3A_132 = arith.constant 0 : i32
        %dma_wait3A_133 = tpu.memref_slice %arg3[%mul3A_126, %dma_wait3A_132] : memref<10000x128xf32, #tpu.memory_space<hbm>> -> memref<80x128xf32, #tpu.memory_space<hbm>>
        tpu.wait_dma2 semaphore(%run_scoped3A : memref<!tpu.dma_semaphore, #tpu.memory_space<semaphore_mem>>) src(%dma_wait3A_133 : memref<80x128xf32, #tpu.memory_space<hbm>>) dst(%dma_wait3A_131 : memref<80x128xf32, #tpu.memory_space<vmem_shared>>)
        tpu.yield
      }) : () -> ()
    } else {
    }
    %add3A_47 = arith.constant 112 : i32
    %add3A_48 = arith.addi %add3A_47, %arg1 : i32
    %lt3A_49 = arith.constant 125 : i32
    %lt3A_50 = arith.cmpi slt, %add3A_48, %lt3A_49 : i32
    %convert_element_type3A_51 = arith.extui %lt3A_50 : i1 to i32
    %cond3A_52 = arith.constant 0 : i32
    %cond3A_53 = arith.cmpi ne, %convert_element_type3A_51, %cond3A_52 : i32
    scf.if %cond3A_53 {
      %mul3A_125 = arith.constant 80 : i32
      %mul3A_126 = arith.muli %add3A_48, %mul3A_125 : i32
      "tpu.region"() ({
        %run_scoped3A = tpu.sem_alloc : memref<!tpu.dma_semaphore, #tpu.memory_space<semaphore_mem>>
        %dma_start3A_127 = arith.constant 0 : i32
        %dma_start3A_128 = tpu.memref_slice %arg6[%mul3A_126, %dma_start3A_127] : memref<10000x128xf32, #tpu.memory_space<vmem_shared>> -> memref<80x128xf32, #tpu.memory_space<vmem_shared>>
        %dma_start3A_129 = arith.constant 0 : i32
        %dma_start3A_130 = tpu.memref_slice %arg3[%mul3A_126, %dma_start3A_129] : memref<10000x128xf32, #tpu.memory_space<hbm>> -> memref<80x128xf32, #tpu.memory_space<hbm>>
        tpu.enqueue_dma source(%dma_start3A_130 : memref<80x128xf32, #tpu.memory_space<hbm>>) target(%dma_start3A_128 : memref<80x128xf32, #tpu.memory_space<vmem_shared>>) target_semaphore(%run_scoped3A : memref<!tpu.dma_semaphore, #tpu.memory_space<semaphore_mem>>)
        %dma_wait3A = arith.constant 0 : i32
        %dma_wait3A_131 = tpu.memref_slice %arg6[%mul3A_126, %dma_wait3A] : memref<10000x128xf32, #tpu.memory_space<vmem_shared>> -> memref<80x128xf32, #tpu.memory_space<vmem_shared>>
        %dma_wait3A_132 = arith.constant 0 : i32
        %dma_wait3A_133 = tpu.memref_slice %arg3[%mul3A_126, %dma_wait3A_132] : memref<10000x128xf32, #tpu.memory_space<hbm>> -> memref<80x128xf32, #tpu.memory_space<hbm>>
        tpu.wait_dma2 semaphore(%run_scoped3A : memref<!tpu.dma_semaphore, #tpu.memory_space<semaphore_mem>>) src(%dma_wait3A_133 : memref<80x128xf32, #tpu.memory_space<hbm>>) dst(%dma_wait3A_131 : memref<80x128xf32, #tpu.memory_space<vmem_shared>>)
        tpu.yield
      }) : () -> ()
    } else {
    }
    %barrier3A = arith.constant 0 : index
    tpu.barrier barrier_id(%barrier3A)
    %mul3A_54 = arith.constant 10000 : i32
    %mul3A_55 = arith.muli %add3A, %mul3A_54 : i32
    %add3A_56 = arith.constant 0 : i32
    %add3A_57 = arith.addi %mul3A_55, %add3A_56 : i32
    %dma_start3A = tpu.memref_slice %arg2[%add3A_57] : memref<320000xi32, #tpu.memory_space<hbm>> -> memref<80xi32, #tpu.memory_space<hbm>>
    %dma_start3A_58 = tpu.memref_slice %arg2[%add3A_57] : memref<320000xi32, #tpu.memory_space<hbm>> -> memref<80xi32, #tpu.memory_space<hbm>>
    tpu.enqueue_dma source(%dma_start3A_58 : memref<80xi32, #tpu.memory_space<hbm>>) target(%arg7 : memref<80xi32, #tpu.memory_space<vmem>>) target_semaphore(%arg10 : memref<!tpu.dma_semaphore, #tpu.memory_space<semaphore_mem>>)
    %add3A_59 = arith.constant 80 : i32
    %add3A_60 = arith.addi %mul3A_55, %add3A_59 : i32
    %dma_start3A_61 = tpu.memref_slice %arg2[%add3A_60] : memref<320000xi32, #tpu.memory_space<hbm>> -> memref<80xi32, #tpu.memory_space<hbm>>
    %dma_start3A_62 = tpu.memref_slice %arg2[%add3A_60] : memref<320000xi32, #tpu.memory_space<hbm>> -> memref<80xi32, #tpu.memory_space<hbm>>
    tpu.enqueue_dma source(%dma_start3A_62 : memref<80xi32, #tpu.memory_space<hbm>>) target(%arg8 : memref<80xi32, #tpu.memory_space<vmem>>) target_semaphore(%arg11 : memref<!tpu.dma_semaphore, #tpu.memory_space<semaphore_mem>>)
    %scan3A = arith.constant 0 : i32
    %scan3A_63 = arith.constant 0 : i32
    %scan3A_64 = arith.constant 63 : i32
    %scan3A_65 = arith.addi %scan3A_63, %scan3A_64 : i32
    %scan3A_66 = arith.constant 1 : i32
    scf.for %scan3A_125 = %scan3A_63 to %scan3A_65 step %scan3A_66  : i32 {
      %mul3A_126 = arith.constant 2 : i32
      %mul3A_127 = arith.muli %mul3A_126, %scan3A_125 : i32
      %add3A_128 = arith.constant 1 : i32
      %add3A_129 = arith.addi %mul3A_127, %add3A_128 : i32
      %mul3A_130 = arith.constant 2 : i32
      %mul3A_131 = arith.muli %mul3A_130, %scan3A_125 : i32
      %add3A_132 = arith.constant 2 : i32
      %add3A_133 = arith.addi %mul3A_131, %add3A_132 : i32
      %mul3A_134 = arith.constant 2 : i32
      %mul3A_135 = arith.muli %mul3A_134, %scan3A_125 : i32
      %add3A_136 = arith.constant 3 : i32
      %add3A_137 = arith.addi %mul3A_135, %add3A_136 : i32
      %mul3A_138 = arith.constant 2 : i32
      %mul3A_139 = arith.muli %mul3A_138, %scan3A_125 : i32
      %mul3A_140 = arith.constant 80 : i32
      %mul3A_141 = arith.muli %mul3A_139, %mul3A_140 : i32
      %add3A_142 = arith.addi %mul3A_55, %mul3A_141 : i32
      %dma_wait3A = tpu.memref_slice %arg2[%add3A_142] : memref<320000xi32, #tpu.memory_space<hbm>> -> memref<80xi32, #tpu.memory_space<hbm>>
      %dma_wait3A_143 = tpu.memref_slice %arg2[%add3A_142] : memref<320000xi32, #tpu.memory_space<hbm>> -> memref<80xi32, #tpu.memory_space<hbm>>
      tpu.wait_dma2 semaphore(%arg10 : memref<!tpu.dma_semaphore, #tpu.memory_space<semaphore_mem>>) src(%dma_wait3A_143 : memref<80xi32, #tpu.memory_space<hbm>>) dst(%arg7 : memref<80xi32, #tpu.memory_space<vmem>>)
      "tpu.region"() ({
        %run_scoped3A = tpu.sem_alloc : memref<!tpu.dma_semaphore, #tpu.memory_space<semaphore_mem>>
        %dma_start3A_154 = arith.constant 0 : i32
        %dma_start3A_155 = arith.constant 0 : i32
        %dma_start3A_156 = tpu.memref_slice %arg6[%dma_start3A_154, %dma_start3A_155] : memref<10000x128xf32, #tpu.memory_space<vmem_shared>> -> memref<10000x128xf32, #tpu.memory_space<vmem_shared>>
        tpu.enqueue_indirect_dma source(%arg9 : memref<80x128xf32, #tpu.memory_space<vmem>>) target(%dma_start3A_156 : memref<10000x128xf32, #tpu.memory_space<vmem_shared>>) offsets(%arg7 : memref<80xi32, #tpu.memory_space<vmem>>) semaphore(%run_scoped3A : memref<!tpu.dma_semaphore, #tpu.memory_space<semaphore_mem>>) {add = true}
        %dma_wait3A_157 = arith.constant 0 : i32
        %dma_wait3A_158 = arith.constant 0 : i32
        %dma_wait3A_159 = tpu.memref_slice %arg6[%dma_wait3A_157, %dma_wait3A_158] : memref<10000x128xf32, #tpu.memory_space<vmem_shared>> -> memref<10000x128xf32, #tpu.memory_space<vmem_shared>>
        tpu.wait_indirect_dma semaphore(%run_scoped3A : memref<!tpu.dma_semaphore, #tpu.memory_space<semaphore_mem>>) src(%arg9 : memref<80x128xf32, #tpu.memory_space<vmem>>) dst(%dma_wait3A_159 : memref<10000x128xf32, #tpu.memory_space<vmem_shared>>)
        tpu.yield
      }) : () -> ()
      %lt3A_144 = arith.constant 125 : i32
      %lt3A_145 = arith.cmpi slt, %add3A_133, %lt3A_144 : i32
      %convert_element_type3A_146 = arith.extui %lt3A_145 : i1 to i32
      %cond3A_147 = arith.constant 0 : i32
      %cond3A_148 = arith.cmpi ne, %convert_element_type3A_146, %cond3A_147 : i32
      scf.if %cond3A_148 {
        %mul3A_154 = arith.constant 80 : i32
        %mul3A_155 = arith.muli %add3A_133, %mul3A_154 : i32
        %add3A_156 = arith.addi %mul3A_55, %mul3A_155 : i32
        %dma_start3A_157 = tpu.memref_slice %arg2[%add3A_156] : memref<320000xi32, #tpu.memory_space<hbm>> -> memref<80xi32, #tpu.memory_space<hbm>>
        %dma_start3A_158 = tpu.memref_slice %arg2[%add3A_156] : memref<320000xi32, #tpu.memory_space<hbm>> -> memref<80xi32, #tpu.memory_space<hbm>>
        tpu.enqueue_dma source(%dma_start3A_158 : memref<80xi32, #tpu.memory_space<hbm>>) target(%arg7 : memref<80xi32, #tpu.memory_space<vmem>>) target_semaphore(%arg10 : memref<!tpu.dma_semaphore, #tpu.memory_space<semaphore_mem>>)
      } else {
      }
      %lt3A_149 = arith.constant 125 : i32
      %lt3A_150 = arith.cmpi slt, %add3A_129, %lt3A_149 : i32
      %convert_element_type3A_151 = arith.extui %lt3A_150 : i1 to i32
      %cond3A_152 = arith.constant 0 : i32
      %cond3A_153 = arith.cmpi ne, %convert_element_type3A_151, %cond3A_152 : i32
      scf.if %cond3A_153 {
        %mul3A_154 = arith.constant 80 : i32
        %mul3A_155 = arith.muli %add3A_129, %mul3A_154 : i32
        %add3A_156 = arith.addi %mul3A_55, %mul3A_155 : i32
        %dma_wait3A_157 = tpu.memref_slice %arg2[%add3A_156] : memref<320000xi32, #tpu.memory_space<hbm>> -> memref<80xi32, #tpu.memory_space<hbm>>
        %dma_wait3A_158 = tpu.memref_slice %arg2[%add3A_156] : memref<320000xi32, #tpu.memory_space<hbm>> -> memref<80xi32, #tpu.memory_space<hbm>>
        tpu.wait_dma2 semaphore(%arg11 : memref<!tpu.dma_semaphore, #tpu.memory_space<semaphore_mem>>) src(%dma_wait3A_158 : memref<80xi32, #tpu.memory_space<hbm>>) dst(%arg8 : memref<80xi32, #tpu.memory_space<vmem>>)
        "tpu.region"() ({
          %run_scoped3A = tpu.sem_alloc : memref<!tpu.dma_semaphore, #tpu.memory_space<semaphore_mem>>
          %dma_start3A_164 = arith.constant 0 : i32
          %dma_start3A_165 = arith.constant 0 : i32
          %dma_start3A_166 = tpu.memref_slice %arg6[%dma_start3A_164, %dma_start3A_165] : memref<10000x128xf32, #tpu.memory_space<vmem_shared>> -> memref<10000x128xf32, #tpu.memory_space<vmem_shared>>
          tpu.enqueue_indirect_dma source(%arg9 : memref<80x128xf32, #tpu.memory_space<vmem>>) target(%dma_start3A_166 : memref<10000x128xf32, #tpu.memory_space<vmem_shared>>) offsets(%arg8 : memref<80xi32, #tpu.memory_space<vmem>>) semaphore(%run_scoped3A : memref<!tpu.dma_semaphore, #tpu.memory_space<semaphore_mem>>) {add = true}
          %dma_wait3A_167 = arith.constant 0 : i32
          %dma_wait3A_168 = arith.constant 0 : i32
          %dma_wait3A_169 = tpu.memref_slice %arg6[%dma_wait3A_167, %dma_wait3A_168] : memref<10000x128xf32, #tpu.memory_space<vmem_shared>> -> memref<10000x128xf32, #tpu.memory_space<vmem_shared>>
          tpu.wait_indirect_dma semaphore(%run_scoped3A : memref<!tpu.dma_semaphore, #tpu.memory_space<semaphore_mem>>) src(%arg9 : memref<80x128xf32, #tpu.memory_space<vmem>>) dst(%dma_wait3A_169 : memref<10000x128xf32, #tpu.memory_space<vmem_shared>>)
          tpu.yield
        }) : () -> ()
        %lt3A_159 = arith.constant 125 : i32
        %lt3A_160 = arith.cmpi slt, %add3A_137, %lt3A_159 : i32
        %convert_element_type3A_161 = arith.extui %lt3A_160 : i1 to i32
        %cond3A_162 = arith.constant 0 : i32
        %cond3A_163 = arith.cmpi ne, %convert_element_type3A_161, %cond3A_162 : i32
        scf.if %cond3A_163 {
          %mul3A_164 = arith.constant 80 : i32
          %mul3A_165 = arith.muli %add3A_137, %mul3A_164 : i32
          %add3A_166 = arith.addi %mul3A_55, %mul3A_165 : i32
          %dma_start3A_167 = tpu.memref_slice %arg2[%add3A_166] : memref<320000xi32, #tpu.memory_space<hbm>> -> memref<80xi32, #tpu.memory_space<hbm>>
          %dma_start3A_168 = tpu.memref_slice %arg2[%add3A_166] : memref<320000xi32, #tpu.memory_space<hbm>> -> memref<80xi32, #tpu.memory_space<hbm>>
          tpu.enqueue_dma source(%dma_start3A_168 : memref<80xi32, #tpu.memory_space<hbm>>) target(%arg8 : memref<80xi32, #tpu.memory_space<vmem>>) target_semaphore(%arg11 : memref<!tpu.dma_semaphore, #tpu.memory_space<semaphore_mem>>)
        } else {
        }
      } else {
      }
    }
    %scan3A_67 = arith.constant 63 : i32
    %barrier3A_68 = arith.constant 0 : index
    tpu.barrier barrier_id(%barrier3A_68)
    %add3A_69 = arith.constant 0 : i32
    %add3A_70 = arith.addi %add3A_69, %arg1 : i32
    %lt3A_71 = arith.constant 125 : i32
    %lt3A_72 = arith.cmpi slt, %add3A_70, %lt3A_71 : i32
    %convert_element_type3A_73 = arith.extui %lt3A_72 : i1 to i32
    %cond3A_74 = arith.constant 0 : i32
    %cond3A_75 = arith.cmpi ne, %convert_element_type3A_73, %cond3A_74 : i32
    scf.if %cond3A_75 {
      %mul3A_125 = arith.constant 80 : i32
      %mul3A_126 = arith.muli %add3A_70, %mul3A_125 : i32
      "tpu.region"() ({
        %run_scoped3A = tpu.sem_alloc : memref<!tpu.dma_semaphore, #tpu.memory_space<semaphore_mem>>
        %dma_start3A_127 = arith.constant 0 : i32
        %dma_start3A_128 = tpu.memref_slice %arg5[%arg0, %mul3A_126, %dma_start3A_127] : memref<2x10000x128xf32, #tpu.memory_space<hbm>> -> memref<1x80x128xf32, #tpu.memory_space<hbm>>
        %dma_start3A_129 = tpu.memref_squeeze %dma_start3A_128 : memref<1x80x128xf32, #tpu.memory_space<hbm>> -> memref<80x128xf32, #tpu.memory_space<hbm>>
        %dma_start3A_130 = arith.constant 0 : i32
        %dma_start3A_131 = tpu.memref_slice %arg6[%mul3A_126, %dma_start3A_130] : memref<10000x128xf32, #tpu.memory_space<vmem_shared>> -> memref<80x128xf32, #tpu.memory_space<vmem_shared>>
        tpu.enqueue_dma source(%dma_start3A_131 : memref<80x128xf32, #tpu.memory_space<vmem_shared>>) target(%dma_start3A_129 : memref<80x128xf32, #tpu.memory_space<hbm>>) target_semaphore(%run_scoped3A : memref<!tpu.dma_semaphore, #tpu.memory_space<semaphore_mem>>)
        %dma_wait3A = arith.constant 0 : i32
        %dma_wait3A_132 = tpu.memref_slice %arg5[%arg0, %mul3A_126, %dma_wait3A] : memref<2x10000x128xf32, #tpu.memory_space<hbm>> -> memref<1x80x128xf32, #tpu.memory_space<hbm>>
        %dma_wait3A_133 = tpu.memref_squeeze %dma_wait3A_132 : memref<1x80x128xf32, #tpu.memory_space<hbm>> -> memref<80x128xf32, #tpu.memory_space<hbm>>
        %dma_wait3A_134 = arith.constant 0 : i32
        %dma_wait3A_135 = tpu.memref_slice %arg6[%mul3A_126, %dma_wait3A_134] : memref<10000x128xf32, #tpu.memory_space<vmem_shared>> -> memref<80x128xf32, #tpu.memory_space<vmem_shared>>
        tpu.wait_dma2 semaphore(%run_scoped3A : memref<!tpu.dma_semaphore, #tpu.memory_space<semaphore_mem>>) src(%dma_wait3A_135 : memref<80x128xf32, #tpu.memory_space<vmem_shared>>) dst(%dma_wait3A_133 : memref<80x128xf32, #tpu.memory_space<hbm>>)
        tpu.yield
      }) : () -> ()
    } else {
    }
    %add3A_76 = arith.constant 16 : i32
    %add3A_77 = arith.addi %add3A_76, %arg1 : i32
    %lt3A_78 = arith.constant 125 : i32
    %lt3A_79 = arith.cmpi slt, %add3A_77, %lt3A_78 : i32
    %convert_element_type3A_80 = arith.extui %lt3A_79 : i1 to i32
    %cond3A_81 = arith.constant 0 : i32
    %cond3A_82 = arith.cmpi ne, %convert_element_type3A_80, %cond3A_81 : i32
    scf.if %cond3A_82 {
      %mul3A_125 = arith.constant 80 : i32
      %mul3A_126 = arith.muli %add3A_77, %mul3A_125 : i32
      "tpu.region"() ({
        %run_scoped3A = tpu.sem_alloc : memref<!tpu.dma_semaphore, #tpu.memory_space<semaphore_mem>>
        %dma_start3A_127 = arith.constant 0 : i32
        %dma_start3A_128 = tpu.memref_slice %arg5[%arg0, %mul3A_126, %dma_start3A_127] : memref<2x10000x128xf32, #tpu.memory_space<hbm>> -> memref<1x80x128xf32, #tpu.memory_space<hbm>>
        %dma_start3A_129 = tpu.memref_squeeze %dma_start3A_128 : memref<1x80x128xf32, #tpu.memory_space<hbm>> -> memref<80x128xf32, #tpu.memory_space<hbm>>
        %dma_start3A_130 = arith.constant 0 : i32
        %dma_start3A_131 = tpu.memref_slice %arg6[%mul3A_126, %dma_start3A_130] : memref<10000x128xf32, #tpu.memory_space<vmem_shared>> -> memref<80x128xf32, #tpu.memory_space<vmem_shared>>
        tpu.enqueue_dma source(%dma_start3A_131 : memref<80x128xf32, #tpu.memory_space<vmem_shared>>) target(%dma_start3A_129 : memref<80x128xf32, #tpu.memory_space<hbm>>) target_semaphore(%run_scoped3A : memref<!tpu.dma_semaphore, #tpu.memory_space<semaphore_mem>>)
        %dma_wait3A = arith.constant 0 : i32
        %dma_wait3A_132 = tpu.memref_slice %arg5[%arg0, %mul3A_126, %dma_wait3A] : memref<2x10000x128xf32, #tpu.memory_space<hbm>> -> memref<1x80x128xf32, #tpu.memory_space<hbm>>
        %dma_wait3A_133 = tpu.memref_squeeze %dma_wait3A_132 : memref<1x80x128xf32, #tpu.memory_space<hbm>> -> memref<80x128xf32, #tpu.memory_space<hbm>>
        %dma_wait3A_134 = arith.constant 0 : i32
        %dma_wait3A_135 = tpu.memref_slice %arg6[%mul3A_126, %dma_wait3A_134] : memref<10000x128xf32, #tpu.memory_space<vmem_shared>> -> memref<80x128xf32, #tpu.memory_space<vmem_shared>>
        tpu.wait_dma2 semaphore(%run_scoped3A : memref<!tpu.dma_semaphore, #tpu.memory_space<semaphore_mem>>) src(%dma_wait3A_135 : memref<80x128xf32, #tpu.memory_space<vmem_shared>>) dst(%dma_wait3A_133 : memref<80x128xf32, #tpu.memory_space<hbm>>)
        tpu.yield
      }) : () -> ()
    } else {
    }
    %add3A_83 = arith.constant 32 : i32
    %add3A_84 = arith.addi %add3A_83, %arg1 : i32
    %lt3A_85 = arith.constant 125 : i32
    %lt3A_86 = arith.cmpi slt, %add3A_84, %lt3A_85 : i32
    %convert_element_type3A_87 = arith.extui %lt3A_86 : i1 to i32
    %cond3A_88 = arith.constant 0 : i32
    %cond3A_89 = arith.cmpi ne, %convert_element_type3A_87, %cond3A_88 : i32
    scf.if %cond3A_89 {
      %mul3A_125 = arith.constant 80 : i32
      %mul3A_126 = arith.muli %add3A_84, %mul3A_125 : i32
      "tpu.region"() ({
        %run_scoped3A = tpu.sem_alloc : memref<!tpu.dma_semaphore, #tpu.memory_space<semaphore_mem>>
        %dma_start3A_127 = arith.constant 0 : i32
        %dma_start3A_128 = tpu.memref_slice %arg5[%arg0, %mul3A_126, %dma_start3A_127] : memref<2x10000x128xf32, #tpu.memory_space<hbm>> -> memref<1x80x128xf32, #tpu.memory_space<hbm>>
        %dma_start3A_129 = tpu.memref_squeeze %dma_start3A_128 : memref<1x80x128xf32, #tpu.memory_space<hbm>> -> memref<80x128xf32, #tpu.memory_space<hbm>>
        %dma_start3A_130 = arith.constant 0 : i32
        %dma_start3A_131 = tpu.memref_slice %arg6[%mul3A_126, %dma_start3A_130] : memref<10000x128xf32, #tpu.memory_space<vmem_shared>> -> memref<80x128xf32, #tpu.memory_space<vmem_shared>>
        tpu.enqueue_dma source(%dma_start3A_131 : memref<80x128xf32, #tpu.memory_space<vmem_shared>>) target(%dma_start3A_129 : memref<80x128xf32, #tpu.memory_space<hbm>>) target_semaphore(%run_scoped3A : memref<!tpu.dma_semaphore, #tpu.memory_space<semaphore_mem>>)
        %dma_wait3A = arith.constant 0 : i32
        %dma_wait3A_132 = tpu.memref_slice %arg5[%arg0, %mul3A_126, %dma_wait3A] : memref<2x10000x128xf32, #tpu.memory_space<hbm>> -> memref<1x80x128xf32, #tpu.memory_space<hbm>>
        %dma_wait3A_133 = tpu.memref_squeeze %dma_wait3A_132 : memref<1x80x128xf32, #tpu.memory_space<hbm>> -> memref<80x128xf32, #tpu.memory_space<hbm>>
        %dma_wait3A_134 = arith.constant 0 : i32
        %dma_wait3A_135 = tpu.memref_slice %arg6[%mul3A_126, %dma_wait3A_134] : memref<10000x128xf32, #tpu.memory_space<vmem_shared>> -> memref<80x128xf32, #tpu.memory_space<vmem_shared>>
        tpu.wait_dma2 semaphore(%run_scoped3A : memref<!tpu.dma_semaphore, #tpu.memory_space<semaphore_mem>>) src(%dma_wait3A_135 : memref<80x128xf32, #tpu.memory_space<vmem_shared>>) dst(%dma_wait3A_133 : memref<80x128xf32, #tpu.memory_space<hbm>>)
        tpu.yield
      }) : () -> ()
    } else {
    }
    %add3A_90 = arith.constant 48 : i32
    %add3A_91 = arith.addi %add3A_90, %arg1 : i32
    %lt3A_92 = arith.constant 125 : i32
    %lt3A_93 = arith.cmpi slt, %add3A_91, %lt3A_92 : i32
    %convert_element_type3A_94 = arith.extui %lt3A_93 : i1 to i32
    %cond3A_95 = arith.constant 0 : i32
    %cond3A_96 = arith.cmpi ne, %convert_element_type3A_94, %cond3A_95 : i32
    scf.if %cond3A_96 {
      %mul3A_125 = arith.constant 80 : i32
      %mul3A_126 = arith.muli %add3A_91, %mul3A_125 : i32
      "tpu.region"() ({
        %run_scoped3A = tpu.sem_alloc : memref<!tpu.dma_semaphore, #tpu.memory_space<semaphore_mem>>
        %dma_start3A_127 = arith.constant 0 : i32
        %dma_start3A_128 = tpu.memref_slice %arg5[%arg0, %mul3A_126, %dma_start3A_127] : memref<2x10000x128xf32, #tpu.memory_space<hbm>> -> memref<1x80x128xf32, #tpu.memory_space<hbm>>
        %dma_start3A_129 = tpu.memref_squeeze %dma_start3A_128 : memref<1x80x128xf32, #tpu.memory_space<hbm>> -> memref<80x128xf32, #tpu.memory_space<hbm>>
        %dma_start3A_130 = arith.constant 0 : i32
        %dma_start3A_131 = tpu.memref_slice %arg6[%mul3A_126, %dma_start3A_130] : memref<10000x128xf32, #tpu.memory_space<vmem_shared>> -> memref<80x128xf32, #tpu.memory_space<vmem_shared>>
        tpu.enqueue_dma source(%dma_start3A_131 : memref<80x128xf32, #tpu.memory_space<vmem_shared>>) target(%dma_start3A_129 : memref<80x128xf32, #tpu.memory_space<hbm>>) target_semaphore(%run_scoped3A : memref<!tpu.dma_semaphore, #tpu.memory_space<semaphore_mem>>)
        %dma_wait3A = arith.constant 0 : i32
        %dma_wait3A_132 = tpu.memref_slice %arg5[%arg0, %mul3A_126, %dma_wait3A] : memref<2x10000x128xf32, #tpu.memory_space<hbm>> -> memref<1x80x128xf32, #tpu.memory_space<hbm>>
        %dma_wait3A_133 = tpu.memref_squeeze %dma_wait3A_132 : memref<1x80x128xf32, #tpu.memory_space<hbm>> -> memref<80x128xf32, #tpu.memory_space<hbm>>
        %dma_wait3A_134 = arith.constant 0 : i32
        %dma_wait3A_135 = tpu.memref_slice %arg6[%mul3A_126, %dma_wait3A_134] : memref<10000x128xf32, #tpu.memory_space<vmem_shared>> -> memref<80x128xf32, #tpu.memory_space<vmem_shared>>
        tpu.wait_dma2 semaphore(%run_scoped3A : memref<!tpu.dma_semaphore, #tpu.memory_space<semaphore_mem>>) src(%dma_wait3A_135 : memref<80x128xf32, #tpu.memory_space<vmem_shared>>) dst(%dma_wait3A_133 : memref<80x128xf32, #tpu.memory_space<hbm>>)
        tpu.yield
      }) : () -> ()
    } else {
    }
    %add3A_97 = arith.constant 64 : i32
    %add3A_98 = arith.addi %add3A_97, %arg1 : i32
    %lt3A_99 = arith.constant 125 : i32
    %lt3A_100 = arith.cmpi slt, %add3A_98, %lt3A_99 : i32
    %convert_element_type3A_101 = arith.extui %lt3A_100 : i1 to i32
    %cond3A_102 = arith.constant 0 : i32
    %cond3A_103 = arith.cmpi ne, %convert_element_type3A_101, %cond3A_102 : i32
    scf.if %cond3A_103 {
      %mul3A_125 = arith.constant 80 : i32
      %mul3A_126 = arith.muli %add3A_98, %mul3A_125 : i32
      "tpu.region"() ({
        %run_scoped3A = tpu.sem_alloc : memref<!tpu.dma_semaphore, #tpu.memory_space<semaphore_mem>>
        %dma_start3A_127 = arith.constant 0 : i32
        %dma_start3A_128 = tpu.memref_slice %arg5[%arg0, %mul3A_126, %dma_start3A_127] : memref<2x10000x128xf32, #tpu.memory_space<hbm>> -> memref<1x80x128xf32, #tpu.memory_space<hbm>>
        %dma_start3A_129 = tpu.memref_squeeze %dma_start3A_128 : memref<1x80x128xf32, #tpu.memory_space<hbm>> -> memref<80x128xf32, #tpu.memory_space<hbm>>
        %dma_start3A_130 = arith.constant 0 : i32
        %dma_start3A_131 = tpu.memref_slice %arg6[%mul3A_126, %dma_start3A_130] : memref<10000x128xf32, #tpu.memory_space<vmem_shared>> -> memref<80x128xf32, #tpu.memory_space<vmem_shared>>
        tpu.enqueue_dma source(%dma_start3A_131 : memref<80x128xf32, #tpu.memory_space<vmem_shared>>) target(%dma_start3A_129 : memref<80x128xf32, #tpu.memory_space<hbm>>) target_semaphore(%run_scoped3A : memref<!tpu.dma_semaphore, #tpu.memory_space<semaphore_mem>>)
        %dma_wait3A = arith.constant 0 : i32
        %dma_wait3A_132 = tpu.memref_slice %arg5[%arg0, %mul3A_126, %dma_wait3A] : memref<2x10000x128xf32, #tpu.memory_space<hbm>> -> memref<1x80x128xf32, #tpu.memory_space<hbm>>
        %dma_wait3A_133 = tpu.memref_squeeze %dma_wait3A_132 : memref<1x80x128xf32, #tpu.memory_space<hbm>> -> memref<80x128xf32, #tpu.memory_space<hbm>>
        %dma_wait3A_134 = arith.constant 0 : i32
        %dma_wait3A_135 = tpu.memref_slice %arg6[%mul3A_126, %dma_wait3A_134] : memref<10000x128xf32, #tpu.memory_space<vmem_shared>> -> memref<80x128xf32, #tpu.memory_space<vmem_shared>>
        tpu.wait_dma2 semaphore(%run_scoped3A : memref<!tpu.dma_semaphore, #tpu.memory_space<semaphore_mem>>) src(%dma_wait3A_135 : memref<80x128xf32, #tpu.memory_space<vmem_shared>>) dst(%dma_wait3A_133 : memref<80x128xf32, #tpu.memory_space<hbm>>)
        tpu.yield
      }) : () -> ()
    } else {
    }
    %add3A_104 = arith.constant 80 : i32
    %add3A_105 = arith.addi %add3A_104, %arg1 : i32
    %lt3A_106 = arith.constant 125 : i32
    %lt3A_107 = arith.cmpi slt, %add3A_105, %lt3A_106 : i32
    %convert_element_type3A_108 = arith.extui %lt3A_107 : i1 to i32
    %cond3A_109 = arith.constant 0 : i32
    %cond3A_110 = arith.cmpi ne, %convert_element_type3A_108, %cond3A_109 : i32
    scf.if %cond3A_110 {
      %mul3A_125 = arith.constant 80 : i32
      %mul3A_126 = arith.muli %add3A_105, %mul3A_125 : i32
      "tpu.region"() ({
        %run_scoped3A = tpu.sem_alloc : memref<!tpu.dma_semaphore, #tpu.memory_space<semaphore_mem>>
        %dma_start3A_127 = arith.constant 0 : i32
        %dma_start3A_128 = tpu.memref_slice %arg5[%arg0, %mul3A_126, %dma_start3A_127] : memref<2x10000x128xf32, #tpu.memory_space<hbm>> -> memref<1x80x128xf32, #tpu.memory_space<hbm>>
        %dma_start3A_129 = tpu.memref_squeeze %dma_start3A_128 : memref<1x80x128xf32, #tpu.memory_space<hbm>> -> memref<80x128xf32, #tpu.memory_space<hbm>>
        %dma_start3A_130 = arith.constant 0 : i32
        %dma_start3A_131 = tpu.memref_slice %arg6[%mul3A_126, %dma_start3A_130] : memref<10000x128xf32, #tpu.memory_space<vmem_shared>> -> memref<80x128xf32, #tpu.memory_space<vmem_shared>>
        tpu.enqueue_dma source(%dma_start3A_131 : memref<80x128xf32, #tpu.memory_space<vmem_shared>>) target(%dma_start3A_129 : memref<80x128xf32, #tpu.memory_space<hbm>>) target_semaphore(%run_scoped3A : memref<!tpu.dma_semaphore, #tpu.memory_space<semaphore_mem>>)
        %dma_wait3A = arith.constant 0 : i32
        %dma_wait3A_132 = tpu.memref_slice %arg5[%arg0, %mul3A_126, %dma_wait3A] : memref<2x10000x128xf32, #tpu.memory_space<hbm>> -> memref<1x80x128xf32, #tpu.memory_space<hbm>>
        %dma_wait3A_133 = tpu.memref_squeeze %dma_wait3A_132 : memref<1x80x128xf32, #tpu.memory_space<hbm>> -> memref<80x128xf32, #tpu.memory_space<hbm>>
        %dma_wait3A_134 = arith.constant 0 : i32
        %dma_wait3A_135 = tpu.memref_slice %arg6[%mul3A_126, %dma_wait3A_134] : memref<10000x128xf32, #tpu.memory_space<vmem_shared>> -> memref<80x128xf32, #tpu.memory_space<vmem_shared>>
        tpu.wait_dma2 semaphore(%run_scoped3A : memref<!tpu.dma_semaphore, #tpu.memory_space<semaphore_mem>>) src(%dma_wait3A_135 : memref<80x128xf32, #tpu.memory_space<vmem_shared>>) dst(%dma_wait3A_133 : memref<80x128xf32, #tpu.memory_space<hbm>>)
        tpu.yield
      }) : () -> ()
    } else {
    }
    %add3A_111 = arith.constant 96 : i32
    %add3A_112 = arith.addi %add3A_111, %arg1 : i32
    %lt3A_113 = arith.constant 125 : i32
    %lt3A_114 = arith.cmpi slt, %add3A_112, %lt3A_113 : i32
    %convert_element_type3A_115 = arith.extui %lt3A_114 : i1 to i32
    %cond3A_116 = arith.constant 0 : i32
    %cond3A_117 = arith.cmpi ne, %convert_element_type3A_115, %cond3A_116 : i32
    scf.if %cond3A_117 {
      %mul3A_125 = arith.constant 80 : i32
      %mul3A_126 = arith.muli %add3A_112, %mul3A_125 : i32
      "tpu.region"() ({
        %run_scoped3A = tpu.sem_alloc : memref<!tpu.dma_semaphore, #tpu.memory_space<semaphore_mem>>
        %dma_start3A_127 = arith.constant 0 : i32
        %dma_start3A_128 = tpu.memref_slice %arg5[%arg0, %mul3A_126, %dma_start3A_127] : memref<2x10000x128xf32, #tpu.memory_space<hbm>> -> memref<1x80x128xf32, #tpu.memory_space<hbm>>
        %dma_start3A_129 = tpu.memref_squeeze %dma_start3A_128 : memref<1x80x128xf32, #tpu.memory_space<hbm>> -> memref<80x128xf32, #tpu.memory_space<hbm>>
        %dma_start3A_130 = arith.constant 0 : i32
        %dma_start3A_131 = tpu.memref_slice %arg6[%mul3A_126, %dma_start3A_130] : memref<10000x128xf32, #tpu.memory_space<vmem_shared>> -> memref<80x128xf32, #tpu.memory_space<vmem_shared>>
        tpu.enqueue_dma source(%dma_start3A_131 : memref<80x128xf32, #tpu.memory_space<vmem_shared>>) target(%dma_start3A_129 : memref<80x128xf32, #tpu.memory_space<hbm>>) target_semaphore(%run_scoped3A : memref<!tpu.dma_semaphore, #tpu.memory_space<semaphore_mem>>)
        %dma_wait3A = arith.constant 0 : i32
        %dma_wait3A_132 = tpu.memref_slice %arg5[%arg0, %mul3A_126, %dma_wait3A] : memref<2x10000x128xf32, #tpu.memory_space<hbm>> -> memref<1x80x128xf32, #tpu.memory_space<hbm>>
        %dma_wait3A_133 = tpu.memref_squeeze %dma_wait3A_132 : memref<1x80x128xf32, #tpu.memory_space<hbm>> -> memref<80x128xf32, #tpu.memory_space<hbm>>
        %dma_wait3A_134 = arith.constant 0 : i32
        %dma_wait3A_135 = tpu.memref_slice %arg6[%mul3A_126, %dma_wait3A_134] : memref<10000x128xf32, #tpu.memory_space<vmem_shared>> -> memref<80x128xf32, #tpu.memory_space<vmem_shared>>
        tpu.wait_dma2 semaphore(%run_scoped3A : memref<!tpu.dma_semaphore, #tpu.memory_space<semaphore_mem>>) src(%dma_wait3A_135 : memref<80x128xf32, #tpu.memory_space<vmem_shared>>) dst(%dma_wait3A_133 : memref<80x128xf32, #tpu.memory_space<hbm>>)
        tpu.yield
      }) : () -> ()
    } else {
    }
    %add3A_118 = arith.constant 112 : i32
    %add3A_119 = arith.addi %add3A_118, %arg1 : i32
    %lt3A_120 = arith.constant 125 : i32
    %lt3A_121 = arith.cmpi slt, %add3A_119, %lt3A_120 : i32
    %convert_element_type3A_122 = arith.extui %lt3A_121 : i1 to i32
    %cond3A_123 = arith.constant 0 : i32
    %cond3A_124 = arith.cmpi ne, %convert_element_type3A_122, %cond3A_123 : i32
    scf.if %cond3A_124 {
      %mul3A_125 = arith.constant 80 : i32
      %mul3A_126 = arith.muli %add3A_119, %mul3A_125 : i32
      "tpu.region"() ({
        %run_scoped3A = tpu.sem_alloc : memref<!tpu.dma_semaphore, #tpu.memory_space<semaphore_mem>>
        %dma_start3A_127 = arith.constant 0 : i32
        %dma_start3A_128 = tpu.memref_slice %arg5[%arg0, %mul3A_126, %dma_start3A_127] : memref<2x10000x128xf32, #tpu.memory_space<hbm>> -> memref<1x80x128xf32, #tpu.memory_space<hbm>>
        %dma_start3A_129 = tpu.memref_squeeze %dma_start3A_128 : memref<1x80x128xf32, #tpu.memory_space<hbm>> -> memref<80x128xf32, #tpu.memory_space<hbm>>
        %dma_start3A_130 = arith.constant 0 : i32
        %dma_start3A_131 = tpu.memref_slice %arg6[%mul3A_126, %dma_start3A_130] : memref<10000x128xf32, #tpu.memory_space<vmem_shared>> -> memref<80x128xf32, #tpu.memory_space<vmem_shared>>
        tpu.enqueue_dma source(%dma_start3A_131 : memref<80x128xf32, #tpu.memory_space<vmem_shared>>) target(%dma_start3A_129 : memref<80x128xf32, #tpu.memory_space<hbm>>) target_semaphore(%run_scoped3A : memref<!tpu.dma_semaphore, #tpu.memory_space<semaphore_mem>>)
        %dma_wait3A = arith.constant 0 : i32
        %dma_wait3A_132 = tpu.memref_slice %arg5[%arg0, %mul3A_126, %dma_wait3A] : memref<2x10000x128xf32, #tpu.memory_space<hbm>> -> memref<1x80x128xf32, #tpu.memory_space<hbm>>
        %dma_wait3A_133 = tpu.memref_squeeze %dma_wait3A_132 : memref<1x80x128xf32, #tpu.memory_space<hbm>> -> memref<80x128xf32, #tpu.memory_space<hbm>>
        %dma_wait3A_134 = arith.constant 0 : i32
        %dma_wait3A_135 = tpu.memref_slice %arg6[%mul3A_126, %dma_wait3A_134] : memref<10000x128xf32, #tpu.memory_space<vmem_shared>> -> memref<80x128xf32, #tpu.memory_space<vmem_shared>>
        tpu.wait_dma2 semaphore(%run_scoped3A : memref<!tpu.dma_semaphore, #tpu.memory_space<semaphore_mem>>) src(%dma_wait3A_135 : memref<80x128xf32, #tpu.memory_space<vmem_shared>>) dst(%dma_wait3A_133 : memref<80x128xf32, #tpu.memory_space<hbm>>)
        tpu.yield
      }) : () -> ()
    } else {
    }
    return
  }
}

#map = affine_map<(d0, d1) -> (0, 0)>
#map1 = affine_map<(d0, d1) -> (0)>
#map2 = affine_map<(d0, d1) -> (0, 0, 0)>
module attributes {stable_mosaic.version = 14 : i64} {
  func.func @_seg_pass_body(%arg0: i32, %arg1: i32, %arg2: memref<10000x128xf32, #tpu.memory_space<hbm>>, %arg3: memref<320000xi32, #tpu.memory_space<hbm>>, %arg4: memref<320000xi32, #tpu.memory_space<hbm>>, %arg5: memref<10000x128xf32, #tpu.memory_space<hbm>>, %arg6: memref<2x10000x128xf32, #tpu.memory_space<hbm>>, %arg7: memref<10000x128xf32, #tpu.memory_space<vmem_shared>>, %arg8: memref<80xi32, #tpu.memory_space<vmem>>, %arg9: memref<80xi32, #tpu.memory_space<vmem>>, %arg10: memref<80xi32, #tpu.memory_space<vmem>>, %arg11: memref<80xi32, #tpu.memory_space<vmem>>, %arg12: memref<80x128xf32, #tpu.memory_space<vmem>>, %arg13: memref<80x128xf32, #tpu.memory_space<vmem>>, %arg14: memref<!tpu.dma_semaphore, #tpu.memory_space<semaphore_mem>>, %arg15: memref<!tpu.dma_semaphore, #tpu.memory_space<semaphore_mem>>, %arg16: memref<!tpu.dma_semaphore, #tpu.memory_space<semaphore_mem>>, %arg17: memref<!tpu.dma_semaphore, #tpu.memory_space<semaphore_mem>>) attributes {dimension_semantics = [#tpu.dimension_semantics<core_parallel>, #tpu.dimension_semantics<subcore_parallel>], iteration_bounds = array<i64: 2, 16>, scalar_prefetch = 0 : i64, scratch_operands = 11 : i64, tpu.core_type = #tpu.core_type<sc_vector_subcore>, window_params = [{transform_indices = #map}, {transform_indices = #map1}, {transform_indices = #map1}, {transform_indices = #map}, {transform_indices = #map2}]} {
    %mul3A = arith.constant 16 : i32
    %mul3A_0 = arith.muli %arg0, %mul3A : i32
    %add3A = arith.addi %mul3A_0, %arg1 : i32
    %add3A_1 = arith.constant 0 : i32
    %add3A_2 = arith.addi %add3A_1, %arg1 : i32
    %lt3A = arith.constant 125 : i32
    %lt3A_3 = arith.cmpi slt, %add3A_2, %lt3A : i32
    %convert_element_type3A = arith.extui %lt3A_3 : i1 to i32
    %cond3A = arith.constant 0 : i32
    %cond3A_4 = arith.cmpi ne, %convert_element_type3A, %cond3A : i32
    scf.if %cond3A_4 {
      %mul3A_137 = arith.constant 80 : i32
      %mul3A_138 = arith.muli %add3A_2, %mul3A_137 : i32
      "tpu.region"() ({
        %run_scoped3A = tpu.sem_alloc : memref<!tpu.dma_semaphore, #tpu.memory_space<semaphore_mem>>
        %dma_start3A_139 = arith.constant 0 : i32
        %dma_start3A_140 = tpu.memref_slice %arg7[%mul3A_138, %dma_start3A_139] : memref<10000x128xf32, #tpu.memory_space<vmem_shared>> -> memref<80x128xf32, #tpu.memory_space<vmem_shared>>
        %dma_start3A_141 = arith.constant 0 : i32
        %dma_start3A_142 = tpu.memref_slice %arg5[%mul3A_138, %dma_start3A_141] : memref<10000x128xf32, #tpu.memory_space<hbm>> -> memref<80x128xf32, #tpu.memory_space<hbm>>
        tpu.enqueue_dma source(%dma_start3A_142 : memref<80x128xf32, #tpu.memory_space<hbm>>) target(%dma_start3A_140 : memref<80x128xf32, #tpu.memory_space<vmem_shared>>) target_semaphore(%run_scoped3A : memref<!tpu.dma_semaphore, #tpu.memory_space<semaphore_mem>>)
        %dma_wait3A_143 = arith.constant 0 : i32
        %dma_wait3A_144 = tpu.memref_slice %arg7[%mul3A_138, %dma_wait3A_143] : memref<10000x128xf32, #tpu.memory_space<vmem_shared>> -> memref<80x128xf32, #tpu.memory_space<vmem_shared>>
        %dma_wait3A_145 = arith.constant 0 : i32
        %dma_wait3A_146 = tpu.memref_slice %arg5[%mul3A_138, %dma_wait3A_145] : memref<10000x128xf32, #tpu.memory_space<hbm>> -> memref<80x128xf32, #tpu.memory_space<hbm>>
        tpu.wait_dma2 semaphore(%run_scoped3A : memref<!tpu.dma_semaphore, #tpu.memory_space<semaphore_mem>>) src(%dma_wait3A_146 : memref<80x128xf32, #tpu.memory_space<hbm>>) dst(%dma_wait3A_144 : memref<80x128xf32, #tpu.memory_space<vmem_shared>>)
        tpu.yield
      }) : () -> ()
    } else {
    }
    %add3A_5 = arith.constant 16 : i32
    %add3A_6 = arith.addi %add3A_5, %arg1 : i32
    %lt3A_7 = arith.constant 125 : i32
    %lt3A_8 = arith.cmpi slt, %add3A_6, %lt3A_7 : i32
    %convert_element_type3A_9 = arith.extui %lt3A_8 : i1 to i32
    %cond3A_10 = arith.constant 0 : i32
    %cond3A_11 = arith.cmpi ne, %convert_element_type3A_9, %cond3A_10 : i32
    scf.if %cond3A_11 {
      %mul3A_137 = arith.constant 80 : i32
      %mul3A_138 = arith.muli %add3A_6, %mul3A_137 : i32
      "tpu.region"() ({
        %run_scoped3A = tpu.sem_alloc : memref<!tpu.dma_semaphore, #tpu.memory_space<semaphore_mem>>
        %dma_start3A_139 = arith.constant 0 : i32
        %dma_start3A_140 = tpu.memref_slice %arg7[%mul3A_138, %dma_start3A_139] : memref<10000x128xf32, #tpu.memory_space<vmem_shared>> -> memref<80x128xf32, #tpu.memory_space<vmem_shared>>
        %dma_start3A_141 = arith.constant 0 : i32
        %dma_start3A_142 = tpu.memref_slice %arg5[%mul3A_138, %dma_start3A_141] : memref<10000x128xf32, #tpu.memory_space<hbm>> -> memref<80x128xf32, #tpu.memory_space<hbm>>
        tpu.enqueue_dma source(%dma_start3A_142 : memref<80x128xf32, #tpu.memory_space<hbm>>) target(%dma_start3A_140 : memref<80x128xf32, #tpu.memory_space<vmem_shared>>) target_semaphore(%run_scoped3A : memref<!tpu.dma_semaphore, #tpu.memory_space<semaphore_mem>>)
        %dma_wait3A_143 = arith.constant 0 : i32
        %dma_wait3A_144 = tpu.memref_slice %arg7[%mul3A_138, %dma_wait3A_143] : memref<10000x128xf32, #tpu.memory_space<vmem_shared>> -> memref<80x128xf32, #tpu.memory_space<vmem_shared>>
        %dma_wait3A_145 = arith.constant 0 : i32
        %dma_wait3A_146 = tpu.memref_slice %arg5[%mul3A_138, %dma_wait3A_145] : memref<10000x128xf32, #tpu.memory_space<hbm>> -> memref<80x128xf32, #tpu.memory_space<hbm>>
        tpu.wait_dma2 semaphore(%run_scoped3A : memref<!tpu.dma_semaphore, #tpu.memory_space<semaphore_mem>>) src(%dma_wait3A_146 : memref<80x128xf32, #tpu.memory_space<hbm>>) dst(%dma_wait3A_144 : memref<80x128xf32, #tpu.memory_space<vmem_shared>>)
        tpu.yield
      }) : () -> ()
    } else {
    }
    %add3A_12 = arith.constant 32 : i32
    %add3A_13 = arith.addi %add3A_12, %arg1 : i32
    %lt3A_14 = arith.constant 125 : i32
    %lt3A_15 = arith.cmpi slt, %add3A_13, %lt3A_14 : i32
    %convert_element_type3A_16 = arith.extui %lt3A_15 : i1 to i32
    %cond3A_17 = arith.constant 0 : i32
    %cond3A_18 = arith.cmpi ne, %convert_element_type3A_16, %cond3A_17 : i32
    scf.if %cond3A_18 {
      %mul3A_137 = arith.constant 80 : i32
      %mul3A_138 = arith.muli %add3A_13, %mul3A_137 : i32
      "tpu.region"() ({
        %run_scoped3A = tpu.sem_alloc : memref<!tpu.dma_semaphore, #tpu.memory_space<semaphore_mem>>
        %dma_start3A_139 = arith.constant 0 : i32
        %dma_start3A_140 = tpu.memref_slice %arg7[%mul3A_138, %dma_start3A_139] : memref<10000x128xf32, #tpu.memory_space<vmem_shared>> -> memref<80x128xf32, #tpu.memory_space<vmem_shared>>
        %dma_start3A_141 = arith.constant 0 : i32
        %dma_start3A_142 = tpu.memref_slice %arg5[%mul3A_138, %dma_start3A_141] : memref<10000x128xf32, #tpu.memory_space<hbm>> -> memref<80x128xf32, #tpu.memory_space<hbm>>
        tpu.enqueue_dma source(%dma_start3A_142 : memref<80x128xf32, #tpu.memory_space<hbm>>) target(%dma_start3A_140 : memref<80x128xf32, #tpu.memory_space<vmem_shared>>) target_semaphore(%run_scoped3A : memref<!tpu.dma_semaphore, #tpu.memory_space<semaphore_mem>>)
        %dma_wait3A_143 = arith.constant 0 : i32
        %dma_wait3A_144 = tpu.memref_slice %arg7[%mul3A_138, %dma_wait3A_143] : memref<10000x128xf32, #tpu.memory_space<vmem_shared>> -> memref<80x128xf32, #tpu.memory_space<vmem_shared>>
        %dma_wait3A_145 = arith.constant 0 : i32
        %dma_wait3A_146 = tpu.memref_slice %arg5[%mul3A_138, %dma_wait3A_145] : memref<10000x128xf32, #tpu.memory_space<hbm>> -> memref<80x128xf32, #tpu.memory_space<hbm>>
        tpu.wait_dma2 semaphore(%run_scoped3A : memref<!tpu.dma_semaphore, #tpu.memory_space<semaphore_mem>>) src(%dma_wait3A_146 : memref<80x128xf32, #tpu.memory_space<hbm>>) dst(%dma_wait3A_144 : memref<80x128xf32, #tpu.memory_space<vmem_shared>>)
        tpu.yield
      }) : () -> ()
    } else {
    }
    %add3A_19 = arith.constant 48 : i32
    %add3A_20 = arith.addi %add3A_19, %arg1 : i32
    %lt3A_21 = arith.constant 125 : i32
    %lt3A_22 = arith.cmpi slt, %add3A_20, %lt3A_21 : i32
    %convert_element_type3A_23 = arith.extui %lt3A_22 : i1 to i32
    %cond3A_24 = arith.constant 0 : i32
    %cond3A_25 = arith.cmpi ne, %convert_element_type3A_23, %cond3A_24 : i32
    scf.if %cond3A_25 {
      %mul3A_137 = arith.constant 80 : i32
      %mul3A_138 = arith.muli %add3A_20, %mul3A_137 : i32
      "tpu.region"() ({
        %run_scoped3A = tpu.sem_alloc : memref<!tpu.dma_semaphore, #tpu.memory_space<semaphore_mem>>
        %dma_start3A_139 = arith.constant 0 : i32
        %dma_start3A_140 = tpu.memref_slice %arg7[%mul3A_138, %dma_start3A_139] : memref<10000x128xf32, #tpu.memory_space<vmem_shared>> -> memref<80x128xf32, #tpu.memory_space<vmem_shared>>
        %dma_start3A_141 = arith.constant 0 : i32
        %dma_start3A_142 = tpu.memref_slice %arg5[%mul3A_138, %dma_start3A_141] : memref<10000x128xf32, #tpu.memory_space<hbm>> -> memref<80x128xf32, #tpu.memory_space<hbm>>
        tpu.enqueue_dma source(%dma_start3A_142 : memref<80x128xf32, #tpu.memory_space<hbm>>) target(%dma_start3A_140 : memref<80x128xf32, #tpu.memory_space<vmem_shared>>) target_semaphore(%run_scoped3A : memref<!tpu.dma_semaphore, #tpu.memory_space<semaphore_mem>>)
        %dma_wait3A_143 = arith.constant 0 : i32
        %dma_wait3A_144 = tpu.memref_slice %arg7[%mul3A_138, %dma_wait3A_143] : memref<10000x128xf32, #tpu.memory_space<vmem_shared>> -> memref<80x128xf32, #tpu.memory_space<vmem_shared>>
        %dma_wait3A_145 = arith.constant 0 : i32
        %dma_wait3A_146 = tpu.memref_slice %arg5[%mul3A_138, %dma_wait3A_145] : memref<10000x128xf32, #tpu.memory_space<hbm>> -> memref<80x128xf32, #tpu.memory_space<hbm>>
        tpu.wait_dma2 semaphore(%run_scoped3A : memref<!tpu.dma_semaphore, #tpu.memory_space<semaphore_mem>>) src(%dma_wait3A_146 : memref<80x128xf32, #tpu.memory_space<hbm>>) dst(%dma_wait3A_144 : memref<80x128xf32, #tpu.memory_space<vmem_shared>>)
        tpu.yield
      }) : () -> ()
    } else {
    }
    %add3A_26 = arith.constant 64 : i32
    %add3A_27 = arith.addi %add3A_26, %arg1 : i32
    %lt3A_28 = arith.constant 125 : i32
    %lt3A_29 = arith.cmpi slt, %add3A_27, %lt3A_28 : i32
    %convert_element_type3A_30 = arith.extui %lt3A_29 : i1 to i32
    %cond3A_31 = arith.constant 0 : i32
    %cond3A_32 = arith.cmpi ne, %convert_element_type3A_30, %cond3A_31 : i32
    scf.if %cond3A_32 {
      %mul3A_137 = arith.constant 80 : i32
      %mul3A_138 = arith.muli %add3A_27, %mul3A_137 : i32
      "tpu.region"() ({
        %run_scoped3A = tpu.sem_alloc : memref<!tpu.dma_semaphore, #tpu.memory_space<semaphore_mem>>
        %dma_start3A_139 = arith.constant 0 : i32
        %dma_start3A_140 = tpu.memref_slice %arg7[%mul3A_138, %dma_start3A_139] : memref<10000x128xf32, #tpu.memory_space<vmem_shared>> -> memref<80x128xf32, #tpu.memory_space<vmem_shared>>
        %dma_start3A_141 = arith.constant 0 : i32
        %dma_start3A_142 = tpu.memref_slice %arg5[%mul3A_138, %dma_start3A_141] : memref<10000x128xf32, #tpu.memory_space<hbm>> -> memref<80x128xf32, #tpu.memory_space<hbm>>
        tpu.enqueue_dma source(%dma_start3A_142 : memref<80x128xf32, #tpu.memory_space<hbm>>) target(%dma_start3A_140 : memref<80x128xf32, #tpu.memory_space<vmem_shared>>) target_semaphore(%run_scoped3A : memref<!tpu.dma_semaphore, #tpu.memory_space<semaphore_mem>>)
        %dma_wait3A_143 = arith.constant 0 : i32
        %dma_wait3A_144 = tpu.memref_slice %arg7[%mul3A_138, %dma_wait3A_143] : memref<10000x128xf32, #tpu.memory_space<vmem_shared>> -> memref<80x128xf32, #tpu.memory_space<vmem_shared>>
        %dma_wait3A_145 = arith.constant 0 : i32
        %dma_wait3A_146 = tpu.memref_slice %arg5[%mul3A_138, %dma_wait3A_145] : memref<10000x128xf32, #tpu.memory_space<hbm>> -> memref<80x128xf32, #tpu.memory_space<hbm>>
        tpu.wait_dma2 semaphore(%run_scoped3A : memref<!tpu.dma_semaphore, #tpu.memory_space<semaphore_mem>>) src(%dma_wait3A_146 : memref<80x128xf32, #tpu.memory_space<hbm>>) dst(%dma_wait3A_144 : memref<80x128xf32, #tpu.memory_space<vmem_shared>>)
        tpu.yield
      }) : () -> ()
    } else {
    }
    %add3A_33 = arith.constant 80 : i32
    %add3A_34 = arith.addi %add3A_33, %arg1 : i32
    %lt3A_35 = arith.constant 125 : i32
    %lt3A_36 = arith.cmpi slt, %add3A_34, %lt3A_35 : i32
    %convert_element_type3A_37 = arith.extui %lt3A_36 : i1 to i32
    %cond3A_38 = arith.constant 0 : i32
    %cond3A_39 = arith.cmpi ne, %convert_element_type3A_37, %cond3A_38 : i32
    scf.if %cond3A_39 {
      %mul3A_137 = arith.constant 80 : i32
      %mul3A_138 = arith.muli %add3A_34, %mul3A_137 : i32
      "tpu.region"() ({
        %run_scoped3A = tpu.sem_alloc : memref<!tpu.dma_semaphore, #tpu.memory_space<semaphore_mem>>
        %dma_start3A_139 = arith.constant 0 : i32
        %dma_start3A_140 = tpu.memref_slice %arg7[%mul3A_138, %dma_start3A_139] : memref<10000x128xf32, #tpu.memory_space<vmem_shared>> -> memref<80x128xf32, #tpu.memory_space<vmem_shared>>
        %dma_start3A_141 = arith.constant 0 : i32
        %dma_start3A_142 = tpu.memref_slice %arg5[%mul3A_138, %dma_start3A_141] : memref<10000x128xf32, #tpu.memory_space<hbm>> -> memref<80x128xf32, #tpu.memory_space<hbm>>
        tpu.enqueue_dma source(%dma_start3A_142 : memref<80x128xf32, #tpu.memory_space<hbm>>) target(%dma_start3A_140 : memref<80x128xf32, #tpu.memory_space<vmem_shared>>) target_semaphore(%run_scoped3A : memref<!tpu.dma_semaphore, #tpu.memory_space<semaphore_mem>>)
        %dma_wait3A_143 = arith.constant 0 : i32
        %dma_wait3A_144 = tpu.memref_slice %arg7[%mul3A_138, %dma_wait3A_143] : memref<10000x128xf32, #tpu.memory_space<vmem_shared>> -> memref<80x128xf32, #tpu.memory_space<vmem_shared>>
        %dma_wait3A_145 = arith.constant 0 : i32
        %dma_wait3A_146 = tpu.memref_slice %arg5[%mul3A_138, %dma_wait3A_145] : memref<10000x128xf32, #tpu.memory_space<hbm>> -> memref<80x128xf32, #tpu.memory_space<hbm>>
        tpu.wait_dma2 semaphore(%run_scoped3A : memref<!tpu.dma_semaphore, #tpu.memory_space<semaphore_mem>>) src(%dma_wait3A_146 : memref<80x128xf32, #tpu.memory_space<hbm>>) dst(%dma_wait3A_144 : memref<80x128xf32, #tpu.memory_space<vmem_shared>>)
        tpu.yield
      }) : () -> ()
    } else {
    }
    %add3A_40 = arith.constant 96 : i32
    %add3A_41 = arith.addi %add3A_40, %arg1 : i32
    %lt3A_42 = arith.constant 125 : i32
    %lt3A_43 = arith.cmpi slt, %add3A_41, %lt3A_42 : i32
    %convert_element_type3A_44 = arith.extui %lt3A_43 : i1 to i32
    %cond3A_45 = arith.constant 0 : i32
    %cond3A_46 = arith.cmpi ne, %convert_element_type3A_44, %cond3A_45 : i32
    scf.if %cond3A_46 {
      %mul3A_137 = arith.constant 80 : i32
      %mul3A_138 = arith.muli %add3A_41, %mul3A_137 : i32
      "tpu.region"() ({
        %run_scoped3A = tpu.sem_alloc : memref<!tpu.dma_semaphore, #tpu.memory_space<semaphore_mem>>
        %dma_start3A_139 = arith.constant 0 : i32
        %dma_start3A_140 = tpu.memref_slice %arg7[%mul3A_138, %dma_start3A_139] : memref<10000x128xf32, #tpu.memory_space<vmem_shared>> -> memref<80x128xf32, #tpu.memory_space<vmem_shared>>
        %dma_start3A_141 = arith.constant 0 : i32
        %dma_start3A_142 = tpu.memref_slice %arg5[%mul3A_138, %dma_start3A_141] : memref<10000x128xf32, #tpu.memory_space<hbm>> -> memref<80x128xf32, #tpu.memory_space<hbm>>
        tpu.enqueue_dma source(%dma_start3A_142 : memref<80x128xf32, #tpu.memory_space<hbm>>) target(%dma_start3A_140 : memref<80x128xf32, #tpu.memory_space<vmem_shared>>) target_semaphore(%run_scoped3A : memref<!tpu.dma_semaphore, #tpu.memory_space<semaphore_mem>>)
        %dma_wait3A_143 = arith.constant 0 : i32
        %dma_wait3A_144 = tpu.memref_slice %arg7[%mul3A_138, %dma_wait3A_143] : memref<10000x128xf32, #tpu.memory_space<vmem_shared>> -> memref<80x128xf32, #tpu.memory_space<vmem_shared>>
        %dma_wait3A_145 = arith.constant 0 : i32
        %dma_wait3A_146 = tpu.memref_slice %arg5[%mul3A_138, %dma_wait3A_145] : memref<10000x128xf32, #tpu.memory_space<hbm>> -> memref<80x128xf32, #tpu.memory_space<hbm>>
        tpu.wait_dma2 semaphore(%run_scoped3A : memref<!tpu.dma_semaphore, #tpu.memory_space<semaphore_mem>>) src(%dma_wait3A_146 : memref<80x128xf32, #tpu.memory_space<hbm>>) dst(%dma_wait3A_144 : memref<80x128xf32, #tpu.memory_space<vmem_shared>>)
        tpu.yield
      }) : () -> ()
    } else {
    }
    %add3A_47 = arith.constant 112 : i32
    %add3A_48 = arith.addi %add3A_47, %arg1 : i32
    %lt3A_49 = arith.constant 125 : i32
    %lt3A_50 = arith.cmpi slt, %add3A_48, %lt3A_49 : i32
    %convert_element_type3A_51 = arith.extui %lt3A_50 : i1 to i32
    %cond3A_52 = arith.constant 0 : i32
    %cond3A_53 = arith.cmpi ne, %convert_element_type3A_51, %cond3A_52 : i32
    scf.if %cond3A_53 {
      %mul3A_137 = arith.constant 80 : i32
      %mul3A_138 = arith.muli %add3A_48, %mul3A_137 : i32
      "tpu.region"() ({
        %run_scoped3A = tpu.sem_alloc : memref<!tpu.dma_semaphore, #tpu.memory_space<semaphore_mem>>
        %dma_start3A_139 = arith.constant 0 : i32
        %dma_start3A_140 = tpu.memref_slice %arg7[%mul3A_138, %dma_start3A_139] : memref<10000x128xf32, #tpu.memory_space<vmem_shared>> -> memref<80x128xf32, #tpu.memory_space<vmem_shared>>
        %dma_start3A_141 = arith.constant 0 : i32
        %dma_start3A_142 = tpu.memref_slice %arg5[%mul3A_138, %dma_start3A_141] : memref<10000x128xf32, #tpu.memory_space<hbm>> -> memref<80x128xf32, #tpu.memory_space<hbm>>
        tpu.enqueue_dma source(%dma_start3A_142 : memref<80x128xf32, #tpu.memory_space<hbm>>) target(%dma_start3A_140 : memref<80x128xf32, #tpu.memory_space<vmem_shared>>) target_semaphore(%run_scoped3A : memref<!tpu.dma_semaphore, #tpu.memory_space<semaphore_mem>>)
        %dma_wait3A_143 = arith.constant 0 : i32
        %dma_wait3A_144 = tpu.memref_slice %arg7[%mul3A_138, %dma_wait3A_143] : memref<10000x128xf32, #tpu.memory_space<vmem_shared>> -> memref<80x128xf32, #tpu.memory_space<vmem_shared>>
        %dma_wait3A_145 = arith.constant 0 : i32
        %dma_wait3A_146 = tpu.memref_slice %arg5[%mul3A_138, %dma_wait3A_145] : memref<10000x128xf32, #tpu.memory_space<hbm>> -> memref<80x128xf32, #tpu.memory_space<hbm>>
        tpu.wait_dma2 semaphore(%run_scoped3A : memref<!tpu.dma_semaphore, #tpu.memory_space<semaphore_mem>>) src(%dma_wait3A_146 : memref<80x128xf32, #tpu.memory_space<hbm>>) dst(%dma_wait3A_144 : memref<80x128xf32, #tpu.memory_space<vmem_shared>>)
        tpu.yield
      }) : () -> ()
    } else {
    }
    %barrier3A = arith.constant 0 : index
    tpu.barrier barrier_id(%barrier3A)
    %mul3A_54 = arith.constant 10000 : i32
    %mul3A_55 = arith.muli %add3A, %mul3A_54 : i32
    %add3A_56 = arith.constant 0 : i32
    %add3A_57 = arith.addi %mul3A_55, %add3A_56 : i32
    %dma_start3A = tpu.memref_slice %arg3[%add3A_57] : memref<320000xi32, #tpu.memory_space<hbm>> -> memref<80xi32, #tpu.memory_space<hbm>>
    %dma_start3A_58 = tpu.memref_slice %arg3[%add3A_57] : memref<320000xi32, #tpu.memory_space<hbm>> -> memref<80xi32, #tpu.memory_space<hbm>>
    tpu.enqueue_dma source(%dma_start3A_58 : memref<80xi32, #tpu.memory_space<hbm>>) target(%arg8 : memref<80xi32, #tpu.memory_space<vmem>>) target_semaphore(%arg14 : memref<!tpu.dma_semaphore, #tpu.memory_space<semaphore_mem>>)
    %dma_start3A_59 = tpu.memref_slice %arg4[%add3A_57] : memref<320000xi32, #tpu.memory_space<hbm>> -> memref<80xi32, #tpu.memory_space<hbm>>
    %dma_start3A_60 = tpu.memref_slice %arg4[%add3A_57] : memref<320000xi32, #tpu.memory_space<hbm>> -> memref<80xi32, #tpu.memory_space<hbm>>
    tpu.enqueue_dma source(%dma_start3A_60 : memref<80xi32, #tpu.memory_space<hbm>>) target(%arg10 : memref<80xi32, #tpu.memory_space<vmem>>) target_semaphore(%arg14 : memref<!tpu.dma_semaphore, #tpu.memory_space<semaphore_mem>>)
    %add3A_61 = arith.constant 0 : i32
    %add3A_62 = arith.addi %mul3A_55, %add3A_61 : i32
    %dma_wait3A = tpu.memref_slice %arg3[%add3A_62] : memref<320000xi32, #tpu.memory_space<hbm>> -> memref<80xi32, #tpu.memory_space<hbm>>
    %dma_wait3A_63 = tpu.memref_slice %arg3[%add3A_62] : memref<320000xi32, #tpu.memory_space<hbm>> -> memref<80xi32, #tpu.memory_space<hbm>>
    tpu.wait_dma2 semaphore(%arg14 : memref<!tpu.dma_semaphore, #tpu.memory_space<semaphore_mem>>) src(%dma_wait3A_63 : memref<80xi32, #tpu.memory_space<hbm>>) dst(%arg8 : memref<80xi32, #tpu.memory_space<vmem>>)
    %dma_wait3A_64 = tpu.memref_slice %arg4[%add3A_62] : memref<320000xi32, #tpu.memory_space<hbm>> -> memref<80xi32, #tpu.memory_space<hbm>>
    %dma_wait3A_65 = tpu.memref_slice %arg4[%add3A_62] : memref<320000xi32, #tpu.memory_space<hbm>> -> memref<80xi32, #tpu.memory_space<hbm>>
    tpu.wait_dma2 semaphore(%arg14 : memref<!tpu.dma_semaphore, #tpu.memory_space<semaphore_mem>>) src(%dma_wait3A_65 : memref<80xi32, #tpu.memory_space<hbm>>) dst(%arg10 : memref<80xi32, #tpu.memory_space<vmem>>)
    %dma_start3A_66 = arith.constant 0 : i32
    %dma_start3A_67 = arith.constant 0 : i32
    %dma_start3A_68 = tpu.memref_slice %arg2[%dma_start3A_66, %dma_start3A_67] : memref<10000x128xf32, #tpu.memory_space<hbm>> -> memref<10000x128xf32, #tpu.memory_space<hbm>>
    tpu.enqueue_indirect_dma source(%dma_start3A_68 : memref<10000x128xf32, #tpu.memory_space<hbm>>) target(%arg12 : memref<80x128xf32, #tpu.memory_space<vmem>>) offsets(%arg8 : memref<80xi32, #tpu.memory_space<vmem>>) semaphore(%arg16 : memref<!tpu.dma_semaphore, #tpu.memory_space<semaphore_mem>>)
    %add3A_69 = arith.constant 80 : i32
    %add3A_70 = arith.addi %mul3A_55, %add3A_69 : i32
    %dma_start3A_71 = tpu.memref_slice %arg3[%add3A_70] : memref<320000xi32, #tpu.memory_space<hbm>> -> memref<80xi32, #tpu.memory_space<hbm>>
    %dma_start3A_72 = tpu.memref_slice %arg3[%add3A_70] : memref<320000xi32, #tpu.memory_space<hbm>> -> memref<80xi32, #tpu.memory_space<hbm>>
    tpu.enqueue_dma source(%dma_start3A_72 : memref<80xi32, #tpu.memory_space<hbm>>) target(%arg9 : memref<80xi32, #tpu.memory_space<vmem>>) target_semaphore(%arg15 : memref<!tpu.dma_semaphore, #tpu.memory_space<semaphore_mem>>)
    %dma_start3A_73 = tpu.memref_slice %arg4[%add3A_70] : memref<320000xi32, #tpu.memory_space<hbm>> -> memref<80xi32, #tpu.memory_space<hbm>>
    %dma_start3A_74 = tpu.memref_slice %arg4[%add3A_70] : memref<320000xi32, #tpu.memory_space<hbm>> -> memref<80xi32, #tpu.memory_space<hbm>>
    tpu.enqueue_dma source(%dma_start3A_74 : memref<80xi32, #tpu.memory_space<hbm>>) target(%arg11 : memref<80xi32, #tpu.memory_space<vmem>>) target_semaphore(%arg15 : memref<!tpu.dma_semaphore, #tpu.memory_space<semaphore_mem>>)
    %scan3A = arith.constant 0 : i32
    %scan3A_75 = arith.constant 0 : i32
    %scan3A_76 = arith.constant 63 : i32
    %scan3A_77 = arith.addi %scan3A_75, %scan3A_76 : i32
    %scan3A_78 = arith.constant 1 : i32
    scf.for %scan3A_137 = %scan3A_75 to %scan3A_77 step %scan3A_78  : i32 {
      %mul3A_138 = arith.constant 2 : i32
      %mul3A_139 = arith.muli %mul3A_138, %scan3A_137 : i32
      %add3A_140 = arith.constant 1 : i32
      %add3A_141 = arith.addi %mul3A_139, %add3A_140 : i32
      %mul3A_142 = arith.constant 2 : i32
      %mul3A_143 = arith.muli %mul3A_142, %scan3A_137 : i32
      %add3A_144 = arith.constant 2 : i32
      %add3A_145 = arith.addi %mul3A_143, %add3A_144 : i32
      %mul3A_146 = arith.constant 2 : i32
      %mul3A_147 = arith.muli %mul3A_146, %scan3A_137 : i32
      %add3A_148 = arith.constant 3 : i32
      %add3A_149 = arith.addi %mul3A_147, %add3A_148 : i32
      %lt3A_150 = arith.constant 125 : i32
      %lt3A_151 = arith.cmpi slt, %add3A_141, %lt3A_150 : i32
      %convert_element_type3A_152 = arith.extui %lt3A_151 : i1 to i32
      %cond3A_153 = arith.constant 0 : i32
      %cond3A_154 = arith.cmpi ne, %convert_element_type3A_152, %cond3A_153 : i32
      scf.if %cond3A_154 {
        %mul3A_168 = arith.constant 80 : i32
        %mul3A_169 = arith.muli %add3A_141, %mul3A_168 : i32
        %add3A_170 = arith.addi %mul3A_55, %mul3A_169 : i32
        %dma_wait3A_171 = tpu.memref_slice %arg3[%add3A_170] : memref<320000xi32, #tpu.memory_space<hbm>> -> memref<80xi32, #tpu.memory_space<hbm>>
        %dma_wait3A_172 = tpu.memref_slice %arg3[%add3A_170] : memref<320000xi32, #tpu.memory_space<hbm>> -> memref<80xi32, #tpu.memory_space<hbm>>
        tpu.wait_dma2 semaphore(%arg15 : memref<!tpu.dma_semaphore, #tpu.memory_space<semaphore_mem>>) src(%dma_wait3A_172 : memref<80xi32, #tpu.memory_space<hbm>>) dst(%arg9 : memref<80xi32, #tpu.memory_space<vmem>>)
        %dma_wait3A_173 = tpu.memref_slice %arg4[%add3A_170] : memref<320000xi32, #tpu.memory_space<hbm>> -> memref<80xi32, #tpu.memory_space<hbm>>
        %dma_wait3A_174 = tpu.memref_slice %arg4[%add3A_170] : memref<320000xi32, #tpu.memory_space<hbm>> -> memref<80xi32, #tpu.memory_space<hbm>>
        tpu.wait_dma2 semaphore(%arg15 : memref<!tpu.dma_semaphore, #tpu.memory_space<semaphore_mem>>) src(%dma_wait3A_174 : memref<80xi32, #tpu.memory_space<hbm>>) dst(%arg11 : memref<80xi32, #tpu.memory_space<vmem>>)
        %dma_start3A_175 = arith.constant 0 : i32
        %dma_start3A_176 = arith.constant 0 : i32
        %dma_start3A_177 = tpu.memref_slice %arg2[%dma_start3A_175, %dma_start3A_176] : memref<10000x128xf32, #tpu.memory_space<hbm>> -> memref<10000x128xf32, #tpu.memory_space<hbm>>
        tpu.enqueue_indirect_dma source(%dma_start3A_177 : memref<10000x128xf32, #tpu.memory_space<hbm>>) target(%arg13 : memref<80x128xf32, #tpu.memory_space<vmem>>) offsets(%arg9 : memref<80xi32, #tpu.memory_space<vmem>>) semaphore(%arg17 : memref<!tpu.dma_semaphore, #tpu.memory_space<semaphore_mem>>)
      } else {
      }
      %dma_wait3A_155 = arith.constant 0 : i32
      %dma_wait3A_156 = arith.constant 0 : i32
      %dma_wait3A_157 = tpu.memref_slice %arg2[%dma_wait3A_155, %dma_wait3A_156] : memref<10000x128xf32, #tpu.memory_space<hbm>> -> memref<10000x128xf32, #tpu.memory_space<hbm>>
      tpu.wait_indirect_dma semaphore(%arg16 : memref<!tpu.dma_semaphore, #tpu.memory_space<semaphore_mem>>) src(%dma_wait3A_157 : memref<10000x128xf32, #tpu.memory_space<hbm>>) dst(%arg12 : memref<80x128xf32, #tpu.memory_space<vmem>>)
      "tpu.region"() ({
        %run_scoped3A = tpu.sem_alloc : memref<!tpu.dma_semaphore, #tpu.memory_space<semaphore_mem>>
        %dma_start3A_168 = arith.constant 0 : i32
        %dma_start3A_169 = arith.constant 0 : i32
        %dma_start3A_170 = tpu.memref_slice %arg7[%dma_start3A_168, %dma_start3A_169] : memref<10000x128xf32, #tpu.memory_space<vmem_shared>> -> memref<10000x128xf32, #tpu.memory_space<vmem_shared>>
        tpu.enqueue_indirect_dma source(%arg12 : memref<80x128xf32, #tpu.memory_space<vmem>>) target(%dma_start3A_170 : memref<10000x128xf32, #tpu.memory_space<vmem_shared>>) offsets(%arg10 : memref<80xi32, #tpu.memory_space<vmem>>) semaphore(%run_scoped3A : memref<!tpu.dma_semaphore, #tpu.memory_space<semaphore_mem>>) {add = true}
        %dma_wait3A_171 = arith.constant 0 : i32
        %dma_wait3A_172 = arith.constant 0 : i32
        %dma_wait3A_173 = tpu.memref_slice %arg7[%dma_wait3A_171, %dma_wait3A_172] : memref<10000x128xf32, #tpu.memory_space<vmem_shared>> -> memref<10000x128xf32, #tpu.memory_space<vmem_shared>>
        tpu.wait_indirect_dma semaphore(%run_scoped3A : memref<!tpu.dma_semaphore, #tpu.memory_space<semaphore_mem>>) src(%arg12 : memref<80x128xf32, #tpu.memory_space<vmem>>) dst(%dma_wait3A_173 : memref<10000x128xf32, #tpu.memory_space<vmem_shared>>)
        tpu.yield
      }) : () -> ()
      %lt3A_158 = arith.constant 125 : i32
      %lt3A_159 = arith.cmpi slt, %add3A_145, %lt3A_158 : i32
      %convert_element_type3A_160 = arith.extui %lt3A_159 : i1 to i32
      %cond3A_161 = arith.constant 0 : i32
      %cond3A_162 = arith.cmpi ne, %convert_element_type3A_160, %cond3A_161 : i32
      scf.if %cond3A_162 {
        %mul3A_168 = arith.constant 80 : i32
        %mul3A_169 = arith.muli %add3A_145, %mul3A_168 : i32
        %add3A_170 = arith.addi %mul3A_55, %mul3A_169 : i32
        %dma_start3A_171 = tpu.memref_slice %arg3[%add3A_170] : memref<320000xi32, #tpu.memory_space<hbm>> -> memref<80xi32, #tpu.memory_space<hbm>>
        %dma_start3A_172 = tpu.memref_slice %arg3[%add3A_170] : memref<320000xi32, #tpu.memory_space<hbm>> -> memref<80xi32, #tpu.memory_space<hbm>>
        tpu.enqueue_dma source(%dma_start3A_172 : memref<80xi32, #tpu.memory_space<hbm>>) target(%arg8 : memref<80xi32, #tpu.memory_space<vmem>>) target_semaphore(%arg14 : memref<!tpu.dma_semaphore, #tpu.memory_space<semaphore_mem>>)
        %dma_start3A_173 = tpu.memref_slice %arg4[%add3A_170] : memref<320000xi32, #tpu.memory_space<hbm>> -> memref<80xi32, #tpu.memory_space<hbm>>
        %dma_start3A_174 = tpu.memref_slice %arg4[%add3A_170] : memref<320000xi32, #tpu.memory_space<hbm>> -> memref<80xi32, #tpu.memory_space<hbm>>
        tpu.enqueue_dma source(%dma_start3A_174 : memref<80xi32, #tpu.memory_space<hbm>>) target(%arg10 : memref<80xi32, #tpu.memory_space<vmem>>) target_semaphore(%arg14 : memref<!tpu.dma_semaphore, #tpu.memory_space<semaphore_mem>>)
      } else {
      }
      %lt3A_163 = arith.constant 125 : i32
      %lt3A_164 = arith.cmpi slt, %add3A_141, %lt3A_163 : i32
      %convert_element_type3A_165 = arith.extui %lt3A_164 : i1 to i32
      %cond3A_166 = arith.constant 0 : i32
      %cond3A_167 = arith.cmpi ne, %convert_element_type3A_165, %cond3A_166 : i32
      scf.if %cond3A_167 {
        %lt3A_168 = arith.constant 125 : i32
        %lt3A_169 = arith.cmpi slt, %add3A_145, %lt3A_168 : i32
        %convert_element_type3A_170 = arith.extui %lt3A_169 : i1 to i32
        %cond3A_171 = arith.constant 0 : i32
        %cond3A_172 = arith.cmpi ne, %convert_element_type3A_170, %cond3A_171 : i32
        scf.if %cond3A_172 {
          %mul3A_181 = arith.constant 80 : i32
          %mul3A_182 = arith.muli %add3A_145, %mul3A_181 : i32
          %add3A_183 = arith.addi %mul3A_55, %mul3A_182 : i32
          %dma_wait3A_184 = tpu.memref_slice %arg3[%add3A_183] : memref<320000xi32, #tpu.memory_space<hbm>> -> memref<80xi32, #tpu.memory_space<hbm>>
          %dma_wait3A_185 = tpu.memref_slice %arg3[%add3A_183] : memref<320000xi32, #tpu.memory_space<hbm>> -> memref<80xi32, #tpu.memory_space<hbm>>
          tpu.wait_dma2 semaphore(%arg14 : memref<!tpu.dma_semaphore, #tpu.memory_space<semaphore_mem>>) src(%dma_wait3A_185 : memref<80xi32, #tpu.memory_space<hbm>>) dst(%arg8 : memref<80xi32, #tpu.memory_space<vmem>>)
          %dma_wait3A_186 = tpu.memref_slice %arg4[%add3A_183] : memref<320000xi32, #tpu.memory_space<hbm>> -> memref<80xi32, #tpu.memory_space<hbm>>
          %dma_wait3A_187 = tpu.memref_slice %arg4[%add3A_183] : memref<320000xi32, #tpu.memory_space<hbm>> -> memref<80xi32, #tpu.memory_space<hbm>>
          tpu.wait_dma2 semaphore(%arg14 : memref<!tpu.dma_semaphore, #tpu.memory_space<semaphore_mem>>) src(%dma_wait3A_187 : memref<80xi32, #tpu.memory_space<hbm>>) dst(%arg10 : memref<80xi32, #tpu.memory_space<vmem>>)
          %dma_start3A_188 = arith.constant 0 : i32
          %dma_start3A_189 = arith.constant 0 : i32
          %dma_start3A_190 = tpu.memref_slice %arg2[%dma_start3A_188, %dma_start3A_189] : memref<10000x128xf32, #tpu.memory_space<hbm>> -> memref<10000x128xf32, #tpu.memory_space<hbm>>
          tpu.enqueue_indirect_dma source(%dma_start3A_190 : memref<10000x128xf32, #tpu.memory_space<hbm>>) target(%arg12 : memref<80x128xf32, #tpu.memory_space<vmem>>) offsets(%arg8 : memref<80xi32, #tpu.memory_space<vmem>>) semaphore(%arg16 : memref<!tpu.dma_semaphore, #tpu.memory_space<semaphore_mem>>)
        } else {
        }
        %dma_wait3A_173 = arith.constant 0 : i32
        %dma_wait3A_174 = arith.constant 0 : i32
        %dma_wait3A_175 = tpu.memref_slice %arg2[%dma_wait3A_173, %dma_wait3A_174] : memref<10000x128xf32, #tpu.memory_space<hbm>> -> memref<10000x128xf32, #tpu.memory_space<hbm>>
        tpu.wait_indirect_dma semaphore(%arg17 : memref<!tpu.dma_semaphore, #tpu.memory_space<semaphore_mem>>) src(%dma_wait3A_175 : memref<10000x128xf32, #tpu.memory_space<hbm>>) dst(%arg13 : memref<80x128xf32, #tpu.memory_space<vmem>>)
        "tpu.region"() ({
          %run_scoped3A = tpu.sem_alloc : memref<!tpu.dma_semaphore, #tpu.memory_space<semaphore_mem>>
          %dma_start3A_181 = arith.constant 0 : i32
          %dma_start3A_182 = arith.constant 0 : i32
          %dma_start3A_183 = tpu.memref_slice %arg7[%dma_start3A_181, %dma_start3A_182] : memref<10000x128xf32, #tpu.memory_space<vmem_shared>> -> memref<10000x128xf32, #tpu.memory_space<vmem_shared>>
          tpu.enqueue_indirect_dma source(%arg13 : memref<80x128xf32, #tpu.memory_space<vmem>>) target(%dma_start3A_183 : memref<10000x128xf32, #tpu.memory_space<vmem_shared>>) offsets(%arg11 : memref<80xi32, #tpu.memory_space<vmem>>) semaphore(%run_scoped3A : memref<!tpu.dma_semaphore, #tpu.memory_space<semaphore_mem>>) {add = true}
          %dma_wait3A_184 = arith.constant 0 : i32
          %dma_wait3A_185 = arith.constant 0 : i32
          %dma_wait3A_186 = tpu.memref_slice %arg7[%dma_wait3A_184, %dma_wait3A_185] : memref<10000x128xf32, #tpu.memory_space<vmem_shared>> -> memref<10000x128xf32, #tpu.memory_space<vmem_shared>>
          tpu.wait_indirect_dma semaphore(%run_scoped3A : memref<!tpu.dma_semaphore, #tpu.memory_space<semaphore_mem>>) src(%arg13 : memref<80x128xf32, #tpu.memory_space<vmem>>) dst(%dma_wait3A_186 : memref<10000x128xf32, #tpu.memory_space<vmem_shared>>)
          tpu.yield
        }) : () -> ()
        %lt3A_176 = arith.constant 125 : i32
        %lt3A_177 = arith.cmpi slt, %add3A_149, %lt3A_176 : i32
        %convert_element_type3A_178 = arith.extui %lt3A_177 : i1 to i32
        %cond3A_179 = arith.constant 0 : i32
        %cond3A_180 = arith.cmpi ne, %convert_element_type3A_178, %cond3A_179 : i32
        scf.if %cond3A_180 {
          %mul3A_181 = arith.constant 80 : i32
          %mul3A_182 = arith.muli %add3A_149, %mul3A_181 : i32
          %add3A_183 = arith.addi %mul3A_55, %mul3A_182 : i32
          %dma_start3A_184 = tpu.memref_slice %arg3[%add3A_183] : memref<320000xi32, #tpu.memory_space<hbm>> -> memref<80xi32, #tpu.memory_space<hbm>>
          %dma_start3A_185 = tpu.memref_slice %arg3[%add3A_183] : memref<320000xi32, #tpu.memory_space<hbm>> -> memref<80xi32, #tpu.memory_space<hbm>>
          tpu.enqueue_dma source(%dma_start3A_185 : memref<80xi32, #tpu.memory_space<hbm>>) target(%arg9 : memref<80xi32, #tpu.memory_space<vmem>>) target_semaphore(%arg15 : memref<!tpu.dma_semaphore, #tpu.memory_space<semaphore_mem>>)
          %dma_start3A_186 = tpu.memref_slice %arg4[%add3A_183] : memref<320000xi32, #tpu.memory_space<hbm>> -> memref<80xi32, #tpu.memory_space<hbm>>
          %dma_start3A_187 = tpu.memref_slice %arg4[%add3A_183] : memref<320000xi32, #tpu.memory_space<hbm>> -> memref<80xi32, #tpu.memory_space<hbm>>
          tpu.enqueue_dma source(%dma_start3A_187 : memref<80xi32, #tpu.memory_space<hbm>>) target(%arg11 : memref<80xi32, #tpu.memory_space<vmem>>) target_semaphore(%arg15 : memref<!tpu.dma_semaphore, #tpu.memory_space<semaphore_mem>>)
        } else {
        }
      } else {
      }
    }
    %scan3A_79 = arith.constant 63 : i32
    %barrier3A_80 = arith.constant 0 : index
    tpu.barrier barrier_id(%barrier3A_80)
    %add3A_81 = arith.constant 0 : i32
    %add3A_82 = arith.addi %add3A_81, %arg1 : i32
    %lt3A_83 = arith.constant 125 : i32
    %lt3A_84 = arith.cmpi slt, %add3A_82, %lt3A_83 : i32
    %convert_element_type3A_85 = arith.extui %lt3A_84 : i1 to i32
    %cond3A_86 = arith.constant 0 : i32
    %cond3A_87 = arith.cmpi ne, %convert_element_type3A_85, %cond3A_86 : i32
    scf.if %cond3A_87 {
      %mul3A_137 = arith.constant 80 : i32
      %mul3A_138 = arith.muli %add3A_82, %mul3A_137 : i32
      "tpu.region"() ({
        %run_scoped3A = tpu.sem_alloc : memref<!tpu.dma_semaphore, #tpu.memory_space<semaphore_mem>>
        %dma_start3A_139 = arith.constant 0 : i32
        %dma_start3A_140 = tpu.memref_slice %arg6[%arg0, %mul3A_138, %dma_start3A_139] : memref<2x10000x128xf32, #tpu.memory_space<hbm>> -> memref<1x80x128xf32, #tpu.memory_space<hbm>>
        %dma_start3A_141 = tpu.memref_squeeze %dma_start3A_140 : memref<1x80x128xf32, #tpu.memory_space<hbm>> -> memref<80x128xf32, #tpu.memory_space<hbm>>
        %dma_start3A_142 = arith.constant 0 : i32
        %dma_start3A_143 = tpu.memref_slice %arg7[%mul3A_138, %dma_start3A_142] : memref<10000x128xf32, #tpu.memory_space<vmem_shared>> -> memref<80x128xf32, #tpu.memory_space<vmem_shared>>
        tpu.enqueue_dma source(%dma_start3A_143 : memref<80x128xf32, #tpu.memory_space<vmem_shared>>) target(%dma_start3A_141 : memref<80x128xf32, #tpu.memory_space<hbm>>) target_semaphore(%run_scoped3A : memref<!tpu.dma_semaphore, #tpu.memory_space<semaphore_mem>>)
        %dma_wait3A_144 = arith.constant 0 : i32
        %dma_wait3A_145 = tpu.memref_slice %arg6[%arg0, %mul3A_138, %dma_wait3A_144] : memref<2x10000x128xf32, #tpu.memory_space<hbm>> -> memref<1x80x128xf32, #tpu.memory_space<hbm>>
        %dma_wait3A_146 = tpu.memref_squeeze %dma_wait3A_145 : memref<1x80x128xf32, #tpu.memory_space<hbm>> -> memref<80x128xf32, #tpu.memory_space<hbm>>
        %dma_wait3A_147 = arith.constant 0 : i32
        %dma_wait3A_148 = tpu.memref_slice %arg7[%mul3A_138, %dma_wait3A_147] : memref<10000x128xf32, #tpu.memory_space<vmem_shared>> -> memref<80x128xf32, #tpu.memory_space<vmem_shared>>
        tpu.wait_dma2 semaphore(%run_scoped3A : memref<!tpu.dma_semaphore, #tpu.memory_space<semaphore_mem>>) src(%dma_wait3A_148 : memref<80x128xf32, #tpu.memory_space<vmem_shared>>) dst(%dma_wait3A_146 : memref<80x128xf32, #tpu.memory_space<hbm>>)
        tpu.yield
      }) : () -> ()
    } else {
    }
    %add3A_88 = arith.constant 16 : i32
    %add3A_89 = arith.addi %add3A_88, %arg1 : i32
    %lt3A_90 = arith.constant 125 : i32
    %lt3A_91 = arith.cmpi slt, %add3A_89, %lt3A_90 : i32
    %convert_element_type3A_92 = arith.extui %lt3A_91 : i1 to i32
    %cond3A_93 = arith.constant 0 : i32
    %cond3A_94 = arith.cmpi ne, %convert_element_type3A_92, %cond3A_93 : i32
    scf.if %cond3A_94 {
      %mul3A_137 = arith.constant 80 : i32
      %mul3A_138 = arith.muli %add3A_89, %mul3A_137 : i32
      "tpu.region"() ({
        %run_scoped3A = tpu.sem_alloc : memref<!tpu.dma_semaphore, #tpu.memory_space<semaphore_mem>>
        %dma_start3A_139 = arith.constant 0 : i32
        %dma_start3A_140 = tpu.memref_slice %arg6[%arg0, %mul3A_138, %dma_start3A_139] : memref<2x10000x128xf32, #tpu.memory_space<hbm>> -> memref<1x80x128xf32, #tpu.memory_space<hbm>>
        %dma_start3A_141 = tpu.memref_squeeze %dma_start3A_140 : memref<1x80x128xf32, #tpu.memory_space<hbm>> -> memref<80x128xf32, #tpu.memory_space<hbm>>
        %dma_start3A_142 = arith.constant 0 : i32
        %dma_start3A_143 = tpu.memref_slice %arg7[%mul3A_138, %dma_start3A_142] : memref<10000x128xf32, #tpu.memory_space<vmem_shared>> -> memref<80x128xf32, #tpu.memory_space<vmem_shared>>
        tpu.enqueue_dma source(%dma_start3A_143 : memref<80x128xf32, #tpu.memory_space<vmem_shared>>) target(%dma_start3A_141 : memref<80x128xf32, #tpu.memory_space<hbm>>) target_semaphore(%run_scoped3A : memref<!tpu.dma_semaphore, #tpu.memory_space<semaphore_mem>>)
        %dma_wait3A_144 = arith.constant 0 : i32
        %dma_wait3A_145 = tpu.memref_slice %arg6[%arg0, %mul3A_138, %dma_wait3A_144] : memref<2x10000x128xf32, #tpu.memory_space<hbm>> -> memref<1x80x128xf32, #tpu.memory_space<hbm>>
        %dma_wait3A_146 = tpu.memref_squeeze %dma_wait3A_145 : memref<1x80x128xf32, #tpu.memory_space<hbm>> -> memref<80x128xf32, #tpu.memory_space<hbm>>
        %dma_wait3A_147 = arith.constant 0 : i32
        %dma_wait3A_148 = tpu.memref_slice %arg7[%mul3A_138, %dma_wait3A_147] : memref<10000x128xf32, #tpu.memory_space<vmem_shared>> -> memref<80x128xf32, #tpu.memory_space<vmem_shared>>
        tpu.wait_dma2 semaphore(%run_scoped3A : memref<!tpu.dma_semaphore, #tpu.memory_space<semaphore_mem>>) src(%dma_wait3A_148 : memref<80x128xf32, #tpu.memory_space<vmem_shared>>) dst(%dma_wait3A_146 : memref<80x128xf32, #tpu.memory_space<hbm>>)
        tpu.yield
      }) : () -> ()
    } else {
    }
    %add3A_95 = arith.constant 32 : i32
    %add3A_96 = arith.addi %add3A_95, %arg1 : i32
    %lt3A_97 = arith.constant 125 : i32
    %lt3A_98 = arith.cmpi slt, %add3A_96, %lt3A_97 : i32
    %convert_element_type3A_99 = arith.extui %lt3A_98 : i1 to i32
    %cond3A_100 = arith.constant 0 : i32
    %cond3A_101 = arith.cmpi ne, %convert_element_type3A_99, %cond3A_100 : i32
    scf.if %cond3A_101 {
      %mul3A_137 = arith.constant 80 : i32
      %mul3A_138 = arith.muli %add3A_96, %mul3A_137 : i32
      "tpu.region"() ({
        %run_scoped3A = tpu.sem_alloc : memref<!tpu.dma_semaphore, #tpu.memory_space<semaphore_mem>>
        %dma_start3A_139 = arith.constant 0 : i32
        %dma_start3A_140 = tpu.memref_slice %arg6[%arg0, %mul3A_138, %dma_start3A_139] : memref<2x10000x128xf32, #tpu.memory_space<hbm>> -> memref<1x80x128xf32, #tpu.memory_space<hbm>>
        %dma_start3A_141 = tpu.memref_squeeze %dma_start3A_140 : memref<1x80x128xf32, #tpu.memory_space<hbm>> -> memref<80x128xf32, #tpu.memory_space<hbm>>
        %dma_start3A_142 = arith.constant 0 : i32
        %dma_start3A_143 = tpu.memref_slice %arg7[%mul3A_138, %dma_start3A_142] : memref<10000x128xf32, #tpu.memory_space<vmem_shared>> -> memref<80x128xf32, #tpu.memory_space<vmem_shared>>
        tpu.enqueue_dma source(%dma_start3A_143 : memref<80x128xf32, #tpu.memory_space<vmem_shared>>) target(%dma_start3A_141 : memref<80x128xf32, #tpu.memory_space<hbm>>) target_semaphore(%run_scoped3A : memref<!tpu.dma_semaphore, #tpu.memory_space<semaphore_mem>>)
        %dma_wait3A_144 = arith.constant 0 : i32
        %dma_wait3A_145 = tpu.memref_slice %arg6[%arg0, %mul3A_138, %dma_wait3A_144] : memref<2x10000x128xf32, #tpu.memory_space<hbm>> -> memref<1x80x128xf32, #tpu.memory_space<hbm>>
        %dma_wait3A_146 = tpu.memref_squeeze %dma_wait3A_145 : memref<1x80x128xf32, #tpu.memory_space<hbm>> -> memref<80x128xf32, #tpu.memory_space<hbm>>
        %dma_wait3A_147 = arith.constant 0 : i32
        %dma_wait3A_148 = tpu.memref_slice %arg7[%mul3A_138, %dma_wait3A_147] : memref<10000x128xf32, #tpu.memory_space<vmem_shared>> -> memref<80x128xf32, #tpu.memory_space<vmem_shared>>
        tpu.wait_dma2 semaphore(%run_scoped3A : memref<!tpu.dma_semaphore, #tpu.memory_space<semaphore_mem>>) src(%dma_wait3A_148 : memref<80x128xf32, #tpu.memory_space<vmem_shared>>) dst(%dma_wait3A_146 : memref<80x128xf32, #tpu.memory_space<hbm>>)
        tpu.yield
      }) : () -> ()
    } else {
    }
    %add3A_102 = arith.constant 48 : i32
    %add3A_103 = arith.addi %add3A_102, %arg1 : i32
    %lt3A_104 = arith.constant 125 : i32
    %lt3A_105 = arith.cmpi slt, %add3A_103, %lt3A_104 : i32
    %convert_element_type3A_106 = arith.extui %lt3A_105 : i1 to i32
    %cond3A_107 = arith.constant 0 : i32
    %cond3A_108 = arith.cmpi ne, %convert_element_type3A_106, %cond3A_107 : i32
    scf.if %cond3A_108 {
      %mul3A_137 = arith.constant 80 : i32
      %mul3A_138 = arith.muli %add3A_103, %mul3A_137 : i32
      "tpu.region"() ({
        %run_scoped3A = tpu.sem_alloc : memref<!tpu.dma_semaphore, #tpu.memory_space<semaphore_mem>>
        %dma_start3A_139 = arith.constant 0 : i32
        %dma_start3A_140 = tpu.memref_slice %arg6[%arg0, %mul3A_138, %dma_start3A_139] : memref<2x10000x128xf32, #tpu.memory_space<hbm>> -> memref<1x80x128xf32, #tpu.memory_space<hbm>>
        %dma_start3A_141 = tpu.memref_squeeze %dma_start3A_140 : memref<1x80x128xf32, #tpu.memory_space<hbm>> -> memref<80x128xf32, #tpu.memory_space<hbm>>
        %dma_start3A_142 = arith.constant 0 : i32
        %dma_start3A_143 = tpu.memref_slice %arg7[%mul3A_138, %dma_start3A_142] : memref<10000x128xf32, #tpu.memory_space<vmem_shared>> -> memref<80x128xf32, #tpu.memory_space<vmem_shared>>
        tpu.enqueue_dma source(%dma_start3A_143 : memref<80x128xf32, #tpu.memory_space<vmem_shared>>) target(%dma_start3A_141 : memref<80x128xf32, #tpu.memory_space<hbm>>) target_semaphore(%run_scoped3A : memref<!tpu.dma_semaphore, #tpu.memory_space<semaphore_mem>>)
        %dma_wait3A_144 = arith.constant 0 : i32
        %dma_wait3A_145 = tpu.memref_slice %arg6[%arg0, %mul3A_138, %dma_wait3A_144] : memref<2x10000x128xf32, #tpu.memory_space<hbm>> -> memref<1x80x128xf32, #tpu.memory_space<hbm>>
        %dma_wait3A_146 = tpu.memref_squeeze %dma_wait3A_145 : memref<1x80x128xf32, #tpu.memory_space<hbm>> -> memref<80x128xf32, #tpu.memory_space<hbm>>
        %dma_wait3A_147 = arith.constant 0 : i32
        %dma_wait3A_148 = tpu.memref_slice %arg7[%mul3A_138, %dma_wait3A_147] : memref<10000x128xf32, #tpu.memory_space<vmem_shared>> -> memref<80x128xf32, #tpu.memory_space<vmem_shared>>
        tpu.wait_dma2 semaphore(%run_scoped3A : memref<!tpu.dma_semaphore, #tpu.memory_space<semaphore_mem>>) src(%dma_wait3A_148 : memref<80x128xf32, #tpu.memory_space<vmem_shared>>) dst(%dma_wait3A_146 : memref<80x128xf32, #tpu.memory_space<hbm>>)
        tpu.yield
      }) : () -> ()
    } else {
    }
    %add3A_109 = arith.constant 64 : i32
    %add3A_110 = arith.addi %add3A_109, %arg1 : i32
    %lt3A_111 = arith.constant 125 : i32
    %lt3A_112 = arith.cmpi slt, %add3A_110, %lt3A_111 : i32
    %convert_element_type3A_113 = arith.extui %lt3A_112 : i1 to i32
    %cond3A_114 = arith.constant 0 : i32
    %cond3A_115 = arith.cmpi ne, %convert_element_type3A_113, %cond3A_114 : i32
    scf.if %cond3A_115 {
      %mul3A_137 = arith.constant 80 : i32
      %mul3A_138 = arith.muli %add3A_110, %mul3A_137 : i32
      "tpu.region"() ({
        %run_scoped3A = tpu.sem_alloc : memref<!tpu.dma_semaphore, #tpu.memory_space<semaphore_mem>>
        %dma_start3A_139 = arith.constant 0 : i32
        %dma_start3A_140 = tpu.memref_slice %arg6[%arg0, %mul3A_138, %dma_start3A_139] : memref<2x10000x128xf32, #tpu.memory_space<hbm>> -> memref<1x80x128xf32, #tpu.memory_space<hbm>>
        %dma_start3A_141 = tpu.memref_squeeze %dma_start3A_140 : memref<1x80x128xf32, #tpu.memory_space<hbm>> -> memref<80x128xf32, #tpu.memory_space<hbm>>
        %dma_start3A_142 = arith.constant 0 : i32
        %dma_start3A_143 = tpu.memref_slice %arg7[%mul3A_138, %dma_start3A_142] : memref<10000x128xf32, #tpu.memory_space<vmem_shared>> -> memref<80x128xf32, #tpu.memory_space<vmem_shared>>
        tpu.enqueue_dma source(%dma_start3A_143 : memref<80x128xf32, #tpu.memory_space<vmem_shared>>) target(%dma_start3A_141 : memref<80x128xf32, #tpu.memory_space<hbm>>) target_semaphore(%run_scoped3A : memref<!tpu.dma_semaphore, #tpu.memory_space<semaphore_mem>>)
        %dma_wait3A_144 = arith.constant 0 : i32
        %dma_wait3A_145 = tpu.memref_slice %arg6[%arg0, %mul3A_138, %dma_wait3A_144] : memref<2x10000x128xf32, #tpu.memory_space<hbm>> -> memref<1x80x128xf32, #tpu.memory_space<hbm>>
        %dma_wait3A_146 = tpu.memref_squeeze %dma_wait3A_145 : memref<1x80x128xf32, #tpu.memory_space<hbm>> -> memref<80x128xf32, #tpu.memory_space<hbm>>
        %dma_wait3A_147 = arith.constant 0 : i32
        %dma_wait3A_148 = tpu.memref_slice %arg7[%mul3A_138, %dma_wait3A_147] : memref<10000x128xf32, #tpu.memory_space<vmem_shared>> -> memref<80x128xf32, #tpu.memory_space<vmem_shared>>
        tpu.wait_dma2 semaphore(%run_scoped3A : memref<!tpu.dma_semaphore, #tpu.memory_space<semaphore_mem>>) src(%dma_wait3A_148 : memref<80x128xf32, #tpu.memory_space<vmem_shared>>) dst(%dma_wait3A_146 : memref<80x128xf32, #tpu.memory_space<hbm>>)
        tpu.yield
      }) : () -> ()
    } else {
    }
    %add3A_116 = arith.constant 80 : i32
    %add3A_117 = arith.addi %add3A_116, %arg1 : i32
    %lt3A_118 = arith.constant 125 : i32
    %lt3A_119 = arith.cmpi slt, %add3A_117, %lt3A_118 : i32
    %convert_element_type3A_120 = arith.extui %lt3A_119 : i1 to i32
    %cond3A_121 = arith.constant 0 : i32
    %cond3A_122 = arith.cmpi ne, %convert_element_type3A_120, %cond3A_121 : i32
    scf.if %cond3A_122 {
      %mul3A_137 = arith.constant 80 : i32
      %mul3A_138 = arith.muli %add3A_117, %mul3A_137 : i32
      "tpu.region"() ({
        %run_scoped3A = tpu.sem_alloc : memref<!tpu.dma_semaphore, #tpu.memory_space<semaphore_mem>>
        %dma_start3A_139 = arith.constant 0 : i32
        %dma_start3A_140 = tpu.memref_slice %arg6[%arg0, %mul3A_138, %dma_start3A_139] : memref<2x10000x128xf32, #tpu.memory_space<hbm>> -> memref<1x80x128xf32, #tpu.memory_space<hbm>>
        %dma_start3A_141 = tpu.memref_squeeze %dma_start3A_140 : memref<1x80x128xf32, #tpu.memory_space<hbm>> -> memref<80x128xf32, #tpu.memory_space<hbm>>
        %dma_start3A_142 = arith.constant 0 : i32
        %dma_start3A_143 = tpu.memref_slice %arg7[%mul3A_138, %dma_start3A_142] : memref<10000x128xf32, #tpu.memory_space<vmem_shared>> -> memref<80x128xf32, #tpu.memory_space<vmem_shared>>
        tpu.enqueue_dma source(%dma_start3A_143 : memref<80x128xf32, #tpu.memory_space<vmem_shared>>) target(%dma_start3A_141 : memref<80x128xf32, #tpu.memory_space<hbm>>) target_semaphore(%run_scoped3A : memref<!tpu.dma_semaphore, #tpu.memory_space<semaphore_mem>>)
        %dma_wait3A_144 = arith.constant 0 : i32
        %dma_wait3A_145 = tpu.memref_slice %arg6[%arg0, %mul3A_138, %dma_wait3A_144] : memref<2x10000x128xf32, #tpu.memory_space<hbm>> -> memref<1x80x128xf32, #tpu.memory_space<hbm>>
        %dma_wait3A_146 = tpu.memref_squeeze %dma_wait3A_145 : memref<1x80x128xf32, #tpu.memory_space<hbm>> -> memref<80x128xf32, #tpu.memory_space<hbm>>
        %dma_wait3A_147 = arith.constant 0 : i32
        %dma_wait3A_148 = tpu.memref_slice %arg7[%mul3A_138, %dma_wait3A_147] : memref<10000x128xf32, #tpu.memory_space<vmem_shared>> -> memref<80x128xf32, #tpu.memory_space<vmem_shared>>
        tpu.wait_dma2 semaphore(%run_scoped3A : memref<!tpu.dma_semaphore, #tpu.memory_space<semaphore_mem>>) src(%dma_wait3A_148 : memref<80x128xf32, #tpu.memory_space<vmem_shared>>) dst(%dma_wait3A_146 : memref<80x128xf32, #tpu.memory_space<hbm>>)
        tpu.yield
      }) : () -> ()
    } else {
    }
    %add3A_123 = arith.constant 96 : i32
    %add3A_124 = arith.addi %add3A_123, %arg1 : i32
    %lt3A_125 = arith.constant 125 : i32
    %lt3A_126 = arith.cmpi slt, %add3A_124, %lt3A_125 : i32
    %convert_element_type3A_127 = arith.extui %lt3A_126 : i1 to i32
    %cond3A_128 = arith.constant 0 : i32
    %cond3A_129 = arith.cmpi ne, %convert_element_type3A_127, %cond3A_128 : i32
    scf.if %cond3A_129 {
      %mul3A_137 = arith.constant 80 : i32
      %mul3A_138 = arith.muli %add3A_124, %mul3A_137 : i32
      "tpu.region"() ({
        %run_scoped3A = tpu.sem_alloc : memref<!tpu.dma_semaphore, #tpu.memory_space<semaphore_mem>>
        %dma_start3A_139 = arith.constant 0 : i32
        %dma_start3A_140 = tpu.memref_slice %arg6[%arg0, %mul3A_138, %dma_start3A_139] : memref<2x10000x128xf32, #tpu.memory_space<hbm>> -> memref<1x80x128xf32, #tpu.memory_space<hbm>>
        %dma_start3A_141 = tpu.memref_squeeze %dma_start3A_140 : memref<1x80x128xf32, #tpu.memory_space<hbm>> -> memref<80x128xf32, #tpu.memory_space<hbm>>
        %dma_start3A_142 = arith.constant 0 : i32
        %dma_start3A_143 = tpu.memref_slice %arg7[%mul3A_138, %dma_start3A_142] : memref<10000x128xf32, #tpu.memory_space<vmem_shared>> -> memref<80x128xf32, #tpu.memory_space<vmem_shared>>
        tpu.enqueue_dma source(%dma_start3A_143 : memref<80x128xf32, #tpu.memory_space<vmem_shared>>) target(%dma_start3A_141 : memref<80x128xf32, #tpu.memory_space<hbm>>) target_semaphore(%run_scoped3A : memref<!tpu.dma_semaphore, #tpu.memory_space<semaphore_mem>>)
        %dma_wait3A_144 = arith.constant 0 : i32
        %dma_wait3A_145 = tpu.memref_slice %arg6[%arg0, %mul3A_138, %dma_wait3A_144] : memref<2x10000x128xf32, #tpu.memory_space<hbm>> -> memref<1x80x128xf32, #tpu.memory_space<hbm>>
        %dma_wait3A_146 = tpu.memref_squeeze %dma_wait3A_145 : memref<1x80x128xf32, #tpu.memory_space<hbm>> -> memref<80x128xf32, #tpu.memory_space<hbm>>
        %dma_wait3A_147 = arith.constant 0 : i32
        %dma_wait3A_148 = tpu.memref_slice %arg7[%mul3A_138, %dma_wait3A_147] : memref<10000x128xf32, #tpu.memory_space<vmem_shared>> -> memref<80x128xf32, #tpu.memory_space<vmem_shared>>
        tpu.wait_dma2 semaphore(%run_scoped3A : memref<!tpu.dma_semaphore, #tpu.memory_space<semaphore_mem>>) src(%dma_wait3A_148 : memref<80x128xf32, #tpu.memory_space<vmem_shared>>) dst(%dma_wait3A_146 : memref<80x128xf32, #tpu.memory_space<hbm>>)
        tpu.yield
      }) : () -> ()
    } else {
    }
    %add3A_130 = arith.constant 112 : i32
    %add3A_131 = arith.addi %add3A_130, %arg1 : i32
    %lt3A_132 = arith.constant 125 : i32
    %lt3A_133 = arith.cmpi slt, %add3A_131, %lt3A_132 : i32
    %convert_element_type3A_134 = arith.extui %lt3A_133 : i1 to i32
    %cond3A_135 = arith.constant 0 : i32
    %cond3A_136 = arith.cmpi ne, %convert_element_type3A_134, %cond3A_135 : i32
    scf.if %cond3A_136 {
      %mul3A_137 = arith.constant 80 : i32
      %mul3A_138 = arith.muli %add3A_131, %mul3A_137 : i32
      "tpu.region"() ({
        %run_scoped3A = tpu.sem_alloc : memref<!tpu.dma_semaphore, #tpu.memory_space<semaphore_mem>>
        %dma_start3A_139 = arith.constant 0 : i32
        %dma_start3A_140 = tpu.memref_slice %arg6[%arg0, %mul3A_138, %dma_start3A_139] : memref<2x10000x128xf32, #tpu.memory_space<hbm>> -> memref<1x80x128xf32, #tpu.memory_space<hbm>>
        %dma_start3A_141 = tpu.memref_squeeze %dma_start3A_140 : memref<1x80x128xf32, #tpu.memory_space<hbm>> -> memref<80x128xf32, #tpu.memory_space<hbm>>
        %dma_start3A_142 = arith.constant 0 : i32
        %dma_start3A_143 = tpu.memref_slice %arg7[%mul3A_138, %dma_start3A_142] : memref<10000x128xf32, #tpu.memory_space<vmem_shared>> -> memref<80x128xf32, #tpu.memory_space<vmem_shared>>
        tpu.enqueue_dma source(%dma_start3A_143 : memref<80x128xf32, #tpu.memory_space<vmem_shared>>) target(%dma_start3A_141 : memref<80x128xf32, #tpu.memory_space<hbm>>) target_semaphore(%run_scoped3A : memref<!tpu.dma_semaphore, #tpu.memory_space<semaphore_mem>>)
        %dma_wait3A_144 = arith.constant 0 : i32
        %dma_wait3A_145 = tpu.memref_slice %arg6[%arg0, %mul3A_138, %dma_wait3A_144] : memref<2x10000x128xf32, #tpu.memory_space<hbm>> -> memref<1x80x128xf32, #tpu.memory_space<hbm>>
        %dma_wait3A_146 = tpu.memref_squeeze %dma_wait3A_145 : memref<1x80x128xf32, #tpu.memory_space<hbm>> -> memref<80x128xf32, #tpu.memory_space<hbm>>
        %dma_wait3A_147 = arith.constant 0 : i32
        %dma_wait3A_148 = tpu.memref_slice %arg7[%mul3A_138, %dma_wait3A_147] : memref<10000x128xf32, #tpu.memory_space<vmem_shared>> -> memref<80x128xf32, #tpu.memory_space<vmem_shared>>
        tpu.wait_dma2 semaphore(%run_scoped3A : memref<!tpu.dma_semaphore, #tpu.memory_space<semaphore_mem>>) src(%dma_wait3A_148 : memref<80x128xf32, #tpu.memory_space<vmem_shared>>) dst(%dma_wait3A_146 : memref<80x128xf32, #tpu.memory_space<hbm>>)
        tpu.yield
      }) : () -> ()
    } else {
    }
    return
  }
}

module attributes {stable_mosaic.version = 14 : i64} {
  func.func @_layer1_body(%arg0: i32, %arg1: memref<1000x128xf32, #tpu.memory_space<vmem>>, %arg2: memref<2x1000x128xf32, #tpu.memory_space<vmem>>, %arg3: memref<2x1000x128xf32, #tpu.memory_space<vmem>>, %arg4: memref<128x128xf32, #tpu.memory_space<vmem>>, %arg5: memref<1x128xf32, #tpu.memory_space<vmem>>, %arg6: memref<1000x128xf32, #tpu.memory_space<vmem>>) attributes {dimension_semantics = [#tpu.dimension_semantics<arbitrary>], iteration_bounds = array<i64: 10>, scalar_prefetch = 0 : i64, scratch_operands = 0 : i64, tpu.core_type = #tpu.core_type<tc>, window_params = [{transform_indices = @transform_0, window_bounds = array<i64: 1000, 128>}, {transform_indices = @transform_1, window_bounds = array<i64: 2, 1000, 128>}, {transform_indices = @transform_2, window_bounds = array<i64: 2, 1000, 128>}, {pipeline_mode = #tpu.pipeline_mode<synchronous>, transform_indices = @transform_3, window_bounds = array<i64: 128, 128>}, {pipeline_mode = #tpu.pipeline_mode<synchronous>, transform_indices = @transform_4, window_bounds = array<i64: 1, 128>}, {transform_indices = @transform_5, window_bounds = array<i64: 1000, 128>}]} {
    %get3A = arith.constant 0 : index
    %get3A_0 = arith.constant 0 : index
    %get3A_1 = arith.constant 0 : index
    %get3A_2 = vector.load %arg2[%get3A, %get3A_0, %get3A_1] : memref<2x1000x128xf32, #tpu.memory_space<vmem>>, vector<1x1000x128xf32>
    %get3A_3 = vector.shape_cast %get3A_2 : vector<1x1000x128xf32> to vector<1000x128xf32>
    %get3A_4 = arith.constant 1 : index
    %get3A_5 = arith.constant 0 : index
    %get3A_6 = arith.constant 0 : index
    %get3A_7 = vector.load %arg2[%get3A_4, %get3A_5, %get3A_6] : memref<2x1000x128xf32, #tpu.memory_space<vmem>>, vector<1x1000x128xf32>
    %get3A_8 = vector.shape_cast %get3A_7 : vector<1x1000x128xf32> to vector<1000x128xf32>
    %add3A = arith.addf %get3A_3, %get3A_8 : vector<1000x128xf32>
    %get3A_9 = arith.constant 0 : index
    %get3A_10 = arith.constant 0 : index
    %get3A_11 = arith.constant 0 : index
    %get3A_12 = vector.load %arg3[%get3A_9, %get3A_10, %get3A_11] : memref<2x1000x128xf32, #tpu.memory_space<vmem>>, vector<1x1000x1xf32>
    %get3A_13 = vector.shape_cast %get3A_12 : vector<1x1000x1xf32> to vector<1000x1xf32>
    %get3A_14 = arith.constant 1 : index
    %get3A_15 = arith.constant 0 : index
    %get3A_16 = arith.constant 0 : index
    %get3A_17 = vector.load %arg3[%get3A_14, %get3A_15, %get3A_16] : memref<2x1000x128xf32, #tpu.memory_space<vmem>>, vector<1x1000x1xf32>
    %get3A_18 = vector.shape_cast %get3A_17 : vector<1x1000x1xf32> to vector<1000x1xf32>
    %add3A_19 = arith.addf %get3A_13, %get3A_18 : vector<1000x1xf32>
    %get3A_20 = arith.constant 0 : index
    %get3A_21 = arith.constant 0 : index
    %get3A_22 = vector.load %arg1[%get3A_20, %get3A_21] : memref<1000x128xf32, #tpu.memory_space<vmem>>, vector<1000x128xf32>
    %max3A = arith.constant 1.000000e+00 : f32
    %max3A_23 = vector.broadcast %max3A : f32 to vector<1000x1xf32>
    %max3A_24 = arith.maximumf %add3A_19, %max3A_23 : vector<1000x1xf32>
    %div3A = vector.broadcast %max3A_24 : vector<1000x1xf32> to vector<1000x128xf32>
    %div3A_25 = arith.divf %add3A, %div3A : vector<1000x128xf32>
    %add3A_26 = arith.addf %get3A_22, %div3A_25 : vector<1000x128xf32>
    %get3A_27 = arith.constant 0 : index
    %get3A_28 = arith.constant 0 : index
    %get3A_29 = vector.load %arg4[%get3A_27, %get3A_28] : memref<128x128xf32, #tpu.memory_space<vmem>>, vector<128x128xf32>
    %dot_general3A = arith.constant dense<0.000000e+00> : vector<1000x128xf32>
    %dot_general3A_30 = tpu.matmul %add3A_26, %get3A_29, %dot_general3A {dimension_numbers = #tpu.dot_dimension_numbers<[1], [0], [0], [1], [0, 0, 1, 1], [], []>, transpose_lhs_hint = false} : vector<1000x128xf32>, vector<128x128xf32>, vector<1000x128xf32> -> vector<1000x128xf32>
    %get3A_31 = arith.constant 0 : index
    %get3A_32 = arith.constant 0 : index
    %get3A_33 = vector.load %arg5[%get3A_31, %get3A_32] : memref<1x128xf32, #tpu.memory_space<vmem>>, vector<1x128xf32>
    %add3A_34 = vector.broadcast %get3A_33 : vector<1x128xf32> to vector<1000x128xf32>
    %add3A_35 = arith.addf %dot_general3A_30, %add3A_34 : vector<1000x128xf32>
    %max3A_36 = arith.constant 0.000000e+00 : f32
    %max3A_37 = vector.broadcast %max3A_36 : f32 to vector<1000x128xf32>
    %max3A_38 = arith.maximumf %add3A_35, %max3A_37 : vector<1000x128xf32>
    %swap3A = arith.constant 0 : index
    %swap3A_39 = arith.constant 0 : index
    %swap3A_40 = vector.load %arg6[%swap3A, %swap3A_39] : memref<1000x128xf32, #tpu.memory_space<vmem>>, vector<1000x128xf32>
    tpu.vector_store %arg6[%swap3A, %swap3A_39], %max3A_38 {strides = array<i32>} : memref<1000x128xf32, #tpu.memory_space<vmem>>, vector<1000x128xf32>,
    return
  }
  func.func @transform_0(%arg0: i32) -> (i32, i32) {
    %c0_i32 = arith.constant 0 : i32
    %c0_i32_0 = arith.constant 0 : i32
    return %arg0, %c0_i32 : i32, i32
  }
  func.func @transform_1(%arg0: i32) -> (i32, i32, i32) {
    %c0_i32 = arith.constant 0 : i32
    %c0_i32_0 = arith.constant 0 : i32
    %c0_i32_1 = arith.constant 0 : i32
    return %c0_i32, %arg0, %c0_i32_0 : i32, i32, i32
  }
  func.func @transform_2(%arg0: i32) -> (i32, i32, i32) {
    %c0_i32 = arith.constant 0 : i32
    %c0_i32_0 = arith.constant 0 : i32
    %c0_i32_1 = arith.constant 0 : i32
    return %c0_i32, %arg0, %c0_i32_0 : i32, i32, i32
  }
  func.func @transform_3(%arg0: i32) -> (i32, i32) {
    %c0_i32 = arith.constant 0 : i32
    %c0_i32_0 = arith.constant 0 : i32
    %c0_i32_1 = arith.constant 0 : i32
    return %c0_i32, %c0_i32_0 : i32, i32
  }
  func.func @transform_4(%arg0: i32) -> (i32, i32) {
    %c0_i32 = arith.constant 0 : i32
    %c0_i32_0 = arith.constant 0 : i32
    %c0_i32_1 = arith.constant 0 : i32
    return %c0_i32, %c0_i32_0 : i32, i32
  }
  func.func @transform_5(%arg0: i32) -> (i32, i32) {
    %c0_i32 = arith.constant 0 : i32
    %c0_i32_0 = arith.constant 0 : i32
    return %arg0, %c0_i32 : i32, i32
  }
}

module attributes {stable_mosaic.version = 14 : i64} {
  func.func @_layer2_body(%arg0: i32, %arg1: memref<1000x128xf32, #tpu.memory_space<vmem>>, %arg2: memref<2x1000x128xf32, #tpu.memory_space<vmem>>, %arg3: memref<128x128xf32, #tpu.memory_space<vmem>>, %arg4: memref<1x128xf32, #tpu.memory_space<vmem>>, %arg5: memref<1000x128xf32, #tpu.memory_space<vmem>>) attributes {dimension_semantics = [#tpu.dimension_semantics<arbitrary>], iteration_bounds = array<i64: 10>, scalar_prefetch = 0 : i64, scratch_operands = 0 : i64, tpu.core_type = #tpu.core_type<tc>, window_params = [{transform_indices = @transform_0, window_bounds = array<i64: 1000, 128>}, {transform_indices = @transform_1, window_bounds = array<i64: 2, 1000, 128>}, {pipeline_mode = #tpu.pipeline_mode<synchronous>, transform_indices = @transform_2, window_bounds = array<i64: 128, 128>}, {pipeline_mode = #tpu.pipeline_mode<synchronous>, transform_indices = @transform_3, window_bounds = array<i64: 1, 128>}, {transform_indices = @transform_4, window_bounds = array<i64: 1000, 128>}]} {
    %get3A = arith.constant 0 : index
    %get3A_0 = arith.constant 0 : index
    %get3A_1 = vector.load %arg1[%get3A, %get3A_0] : memref<1000x128xf32, #tpu.memory_space<vmem>>, vector<1000x128xf32>
    %get3A_2 = arith.constant 0 : index
    %get3A_3 = arith.constant 0 : index
    %get3A_4 = arith.constant 0 : index
    %get3A_5 = vector.load %arg2[%get3A_2, %get3A_3, %get3A_4] : memref<2x1000x128xf32, #tpu.memory_space<vmem>>, vector<1x1000x128xf32>
    %get3A_6 = vector.shape_cast %get3A_5 : vector<1x1000x128xf32> to vector<1000x128xf32>
    %add3A = arith.addf %get3A_1, %get3A_6 : vector<1000x128xf32>
    %get3A_7 = arith.constant 1 : index
    %get3A_8 = arith.constant 0 : index
    %get3A_9 = arith.constant 0 : index
    %get3A_10 = vector.load %arg2[%get3A_7, %get3A_8, %get3A_9] : memref<2x1000x128xf32, #tpu.memory_space<vmem>>, vector<1x1000x128xf32>
    %get3A_11 = vector.shape_cast %get3A_10 : vector<1x1000x128xf32> to vector<1000x128xf32>
    %add3A_12 = arith.addf %add3A, %get3A_11 : vector<1000x128xf32>
    %get3A_13 = arith.constant 0 : index
    %get3A_14 = arith.constant 0 : index
    %get3A_15 = vector.load %arg3[%get3A_13, %get3A_14] : memref<128x128xf32, #tpu.memory_space<vmem>>, vector<128x128xf32>
    %dot_general3A = arith.constant dense<0.000000e+00> : vector<1000x128xf32>
    %dot_general3A_16 = tpu.matmul %add3A_12, %get3A_15, %dot_general3A {dimension_numbers = #tpu.dot_dimension_numbers<[1], [0], [0], [1], [0, 0, 1, 1], [], []>, transpose_lhs_hint = false} : vector<1000x128xf32>, vector<128x128xf32>, vector<1000x128xf32> -> vector<1000x128xf32>
    %get3A_17 = arith.constant 0 : index
    %get3A_18 = arith.constant 0 : index
    %get3A_19 = vector.load %arg4[%get3A_17, %get3A_18] : memref<1x128xf32, #tpu.memory_space<vmem>>, vector<1x128xf32>
    %add3A_20 = vector.broadcast %get3A_19 : vector<1x128xf32> to vector<1000x128xf32>
    %add3A_21 = arith.addf %dot_general3A_16, %add3A_20 : vector<1000x128xf32>
    %max3A = arith.constant 0.000000e+00 : f32
    %max3A_22 = vector.broadcast %max3A : f32 to vector<1000x128xf32>
    %max3A_23 = arith.maximumf %add3A_21, %max3A_22 : vector<1000x128xf32>
    %swap3A = arith.constant 0 : index
    %swap3A_24 = arith.constant 0 : index
    %swap3A_25 = vector.load %arg5[%swap3A, %swap3A_24] : memref<1000x128xf32, #tpu.memory_space<vmem>>, vector<1000x128xf32>
    tpu.vector_store %arg5[%swap3A, %swap3A_24], %max3A_23 {strides = array<i32>} : memref<1000x128xf32, #tpu.memory_space<vmem>>, vector<1000x128xf32>,
    return
  }
  func.func @transform_0(%arg0: i32) -> (i32, i32) {
    %c0_i32 = arith.constant 0 : i32
    %c0_i32_0 = arith.constant 0 : i32
    return %arg0, %c0_i32 : i32, i32
  }
  func.func @transform_1(%arg0: i32) -> (i32, i32, i32) {
    %c0_i32 = arith.constant 0 : i32
    %c0_i32_0 = arith.constant 0 : i32
    %c0_i32_1 = arith.constant 0 : i32
    return %c0_i32, %arg0, %c0_i32_0 : i32, i32, i32
  }
  func.func @transform_2(%arg0: i32) -> (i32, i32) {
    %c0_i32 = arith.constant 0 : i32
    %c0_i32_0 = arith.constant 0 : i32
    %c0_i32_1 = arith.constant 0 : i32
    return %c0_i32, %c0_i32_0 : i32, i32
  }
  func.func @transform_3(%arg0: i32) -> (i32, i32) {
    %c0_i32 = arith.constant 0 : i32
    %c0_i32_0 = arith.constant 0 : i32
    %c0_i32_1 = arith.constant 0 : i32
    return %c0_i32, %c0_i32_0 : i32, i32
  }
  func.func @transform_4(%arg0: i32) -> (i32, i32) {
    %c0_i32 = arith.constant 0 : i32
    %c0_i32_0 = arith.constant 0 : i32
    return %arg0, %c0_i32 : i32, i32
  }
}

module attributes {stable_mosaic.version = 14 : i64} {
  func.func @_decoder_body(%arg0: i32, %arg1: memref<400x128xf32, #tpu.memory_space<vmem>>, %arg2: memref<10000x128xf32, #tpu.memory_space<vmem>>, %arg3: memref<400x10000xf32, #tpu.memory_space<vmem>>) attributes {dimension_semantics = [#tpu.dimension_semantics<arbitrary>], iteration_bounds = array<i64: 25>, scalar_prefetch = 0 : i64, scratch_operands = 0 : i64, tpu.core_type = #tpu.core_type<tc>, window_params = [{transform_indices = @transform_0, window_bounds = array<i64: 400, 128>}, {pipeline_mode = #tpu.pipeline_mode<synchronous>, transform_indices = @transform_1, window_bounds = array<i64: 10000, 128>}, {transform_indices = @transform_2, window_bounds = array<i64: 400, 10000>}]} {
    %get3A = arith.constant 0 : index
    %get3A_0 = arith.constant 0 : index
    %get3A_1 = vector.load %arg1[%get3A, %get3A_0] : memref<400x128xf32, #tpu.memory_space<vmem>>, vector<400x128xf32>
    %get3A_2 = arith.constant 0 : index
    %get3A_3 = arith.constant 0 : index
    %get3A_4 = vector.load %arg2[%get3A_2, %get3A_3] : memref<10000x128xf32, #tpu.memory_space<vmem>>, vector<10000x128xf32>
    %dot_general3A = arith.constant dense<0.000000e+00> : vector<400x10000xf32>
    %dot_general3A_5 = tpu.matmul %get3A_1, %get3A_4, %dot_general3A {dimension_numbers = #tpu.dot_dimension_numbers<[1], [1], [0], [0], [0, 0, 1, 0], [], []>, transpose_lhs_hint = false} : vector<400x128xf32>, vector<10000x128xf32>, vector<400x10000xf32> -> vector<400x10000xf32>
    %neg3A = arith.constant 0.000000e+00 : f32
    %neg3A_6 = vector.broadcast %neg3A : f32 to vector<400x10000xf32>
    %neg3A_7 = arith.subf %neg3A_6, %dot_general3A_5 : vector<400x10000xf32>
    %exp3A = math.exp %neg3A_7 : vector<400x10000xf32>
    %add3A = arith.constant 1.000000e+00 : f32
    %add3A_8 = vector.broadcast %add3A : f32 to vector<400x10000xf32>
    %add3A_9 = arith.addf %add3A_8, %exp3A : vector<400x10000xf32>
    %div3A = arith.constant 1.000000e+00 : f32
    %div3A_10 = vector.broadcast %div3A : f32 to vector<400x10000xf32>
    %div3A_11 = arith.divf %div3A_10, %add3A_9 : vector<400x10000xf32>
    %swap3A = arith.constant 0 : index
    %swap3A_12 = arith.constant 0 : index
    %swap3A_13 = vector.load %arg3[%swap3A, %swap3A_12] : memref<400x10000xf32, #tpu.memory_space<vmem>>, vector<400x10000xf32>
    tpu.vector_store %arg3[%swap3A, %swap3A_12], %div3A_11 {strides = array<i32>} : memref<400x10000xf32, #tpu.memory_space<vmem>>, vector<400x10000xf32>,
    return
  }
  func.func @transform_0(%arg0: i32) -> (i32, i32) {
    %c0_i32 = arith.constant 0 : i32
    %c0_i32_0 = arith.constant 0 : i32
    return %arg0, %c0_i32 : i32, i32
  }
  func.func @transform_1(%arg0: i32) -> (i32, i32) {
    %c0_i32 = arith.constant 0 : i32
    %c0_i32_0 = arith.constant 0 : i32
    %c0_i32_1 = arith.constant 0 : i32
    return %c0_i32, %c0_i32_0 : i32, i32
  }
  func.func @transform_2(%arg0: i32) -> (i32, i32) {
    %c0_i32 = arith.constant 0 : i32
    %c0_i32_0 = arith.constant 0 : i32
    return %arg0, %c0_i32 : i32, i32
  }
}

</mosaic_0001>

<sc_bundles>
// kernel: kernel.11.cloned.1.call-start
scs
__scs_entry_jumppad:
0x0: {  	(pc) =	sbr.rel $0x88, $3  }
0x1: {  	(tag) =	ssettag $0x0;
	lr =	simm.s32 $0x1  }
0x2: {  	[smem:$0x3F9B] =	sst lr;
	_ =	strace $0xD0000000  }
0x3: {  	_ = 	snop  }
0x4: {  	_ = 	snop  }
0x5: {  	_ = 	snop  }
0x6: {  	_ = 	snop  }
0x7: {  	_ = 	snop  }
__scs_overlays_trampoline_lowered:
0x8: {  	[smem:$0x3FAA] =	sst s0  }
0x9: {  	[smem:$0x3FAB] =	sst s1  }
0xa: {  	[smem:$0x3FAC] =	sst s2  }
0xb: {  	[smem:$0x3FAD] =	sst s3  }
0xc: {  	[smem:$0x3FAE] =	sst s4  }
0xd: {  	[smem:$0x3FAF] =	sst s5  }
0xe: {  	[smem:$0x3FB0] =	sst s6  }
0xf: {  	[smem:$0x3FB1] =	sst s7  }
0x10: {  	[smem:$0x3FB2] =	sst s8  }
0x11: {  	[smem:$0x3FB3] =	sst s9;
	s0 =	simm.s32 @!p0 $0x0  }
0x12: {  	s1 =	sld [smem:$0x3F99];
	s0 =	simm.s32 @p0 $0x1  }
0x13: {  	[smem:$0x3FB4] =	sst s0;
	s0 =	simm.s32 @!p1 $0x0  }
0x14: {  	s2 =	sld [smem:$0x3F98];
	s0 =	simm.s32 @p1 $0x1  }
0x15: {  	[smem:$0x3FB5] =	sst s0;
	s0 =	simm.s32 @!p2 $0x0  }
0x16: {  	s3 =	sld [smem:$0x3FDB];
	s0 =	simm.s32 @p2 $0x1  }
0x17: {  	s4 =	simm.s32 $0x1BF5;
	[smem:$0x3FB7] =	sst s0  }
0x18: {  	s0 =	sld [smem:$0x3F9A];
	_ =	swait.ge [sflag:s4], $0x0  }
0x19: {  	s7 =	sld [smem:$0x3F9B]  }
0x1a: {  	s8 =	sadd.s32 $0xFFFFE003, lr  }
0x1b: {  	s9 =	sadd.s32 $0xFFFFFEF7, lr;
	s5 =	simm.s32 $0xFFFFFFFF;
	p2 =	slt.u32 s8, $0xFFFFF086  }
0x1c: {  	p1 =	slt.u32 s9, $0xF7A;
	s5 =	simm.s32 @!p2 $0x0  }
0x1d: {  	s5 =	simm.s32 @p1 $0x1;
	p0 =	seq.s32 s7, s2  }
0x1e: {  	s7 =	smul.u32 @!p0 $0xF7A, s2;
	p2 =	seq.s32 @!p0 s5, $0x0  }
0x1f: {  	s9 =	smul.u32 $0xF7A, s1;
	s8 =	simm.s32 @!p0 $0x1BF5;
	p2 =	por !p2, p0  }
0x20: {  	[sflag:s8] =	ssyncset.s32 @!p0 $0xFFFFF086;
	s6 =	sadd.s32 @!p0 s3, s7;
	s7 =	simm.s32 @!p0 $0x108  }
0x21: {  	s3 =	sadd.s32 s3, s9;
	s6 =	sadd.s32 @!p0 $0x88, s6;
	s7 =	simm.s32 @p2 $0x1082  }
0x22: {  	[simem:s7], [sflag:s8] =	dma.local @!p0 [hbm:s6], $0xF7A  }
0x23: {  	s9 =	sor.u32 $0xD0000000, s2;
	s6 =	simm.s32 $0x108;
	_ =	swait.ge @!p0 [sflag:s8], $0x0  }
0x24: {  	s3 =	sadd.s32 $0x88, s3;
	s6 =	simm.s32 @!p1 $0x1082;
	[sflag:s4] =	ssyncset.s32 $0xFFFFF086  }
0x25: {  	[simem:s6], [sflag:s4] =	dma.local [hbm:s3], $0xF7A  }
0x26: {  	[smem:$0x3F9B] =	sst s1;
	(tag) =	ssettag s2;
	_ =	strace s9  }
0x27: {  	s1 =	sld [smem:$0x3FAB]  }
0x28: {  	s2 =	sld [smem:$0x3FAC]  }
0x29: {  	s4 =	sld [smem:$0x3FAE]  }
0x2a: {  	p0 =	seq.s32 s5, $0x0;
	s5 =	sld [smem:$0x3FAF]  }
0x2b: {  	s6 =	sld [smem:$0x3FB0]  }
0x2c: {  	s7 =	sld [smem:$0x3FB1]  }
0x2d: {  	s3 =	simm.s32 $0x108;
	s8 =	sld [smem:$0x3FB2]  }
0x2e: {  	s3 =	simm.s32 @!p0 $0x1082;
	s9 =	sld [smem:$0x3FB3]  }
0x2f: {  	lr =	sadd.s32 s0, s3;
	s0 =	sld [smem:$0x3FAA]  }
0x30: {  	s3 =	sld [smem:$0x3FAD]  }
0x31: {  	[smem:$0x3FB6] =	sst s10  }
0x32: {  	s10 =	sld [smem:$0x3FB4];
	_ =	sdelay $0x3  }
0x33: {  	p0 =	seq.s32 s10, $0x1;
	s10 =	sld [smem:$0x3FB6];
	_ =	sdelay $0x3  }
0x34: {  	[smem:$0x3FB6] =	sst s10  }
0x35: {  	s10 =	sld [smem:$0x3FB5];
	_ =	sdelay $0x3  }
0x36: {  	p1 =	seq.s32 s10, $0x1;
	s10 =	sld [smem:$0x3FB6];
	_ =	sdelay $0x3  }
0x37: {  	[smem:$0x3FB6] =	sst s10  }
0x38: {  	s10 =	sld [smem:$0x3FB7]  }
0x39: {  	_ = 	snop;
	(pc) =	sbr.ind lr, $3  }
0x3a: {  	_ = 	snop  }
0x3b: {  	_ = 	snop  }
0x3c: {  	p2 =	seq.s32 s10, $0x1;
	s10 =	sld [smem:$0x3FB6]  }
0x3d: {  	_ =	shalt  }
0x3e: {  	_ =	shalt  }
0x3f: {  	_ =	shalt  }
0x40: {  	_ =	shalt  }
0x41: {  	_ =	shalt  }
0x42: {  	_ =	shalt  }
0x43: {  	_ =	shalt  }
0x44: {  	_ =	shalt  }
0x45: {  	_ =	shalt  }
0x46: {  	_ =	shalt  }
0x47: {  	_ =	shalt  }
0x48: {  	_ =	shalt  }
0x49: {  	_ =	shalt  }
0x4a: {  	_ =	shalt  }
0x4b: {  	_ =	shalt  }
0x4c: {  	_ =	shalt  }
0x4d: {  	_ =	shalt  }
0x4e: {  	_ =	shalt  }
0x4f: {  	_ =	shalt  }
0x50: {  	_ =	shalt  }
0x51: {  	_ =	shalt  }
0x52: {  	_ =	shalt  }
0x53: {  	_ =	shalt  }
0x54: {  	_ =	shalt  }
0x55: {  	_ =	shalt  }
0x56: {  	_ =	shalt  }
0x57: {  	_ =	shalt  }
0x58: {  	_ =	shalt  }
0x59: {  	_ =	shalt  }
0x5a: {  	_ =	shalt  }
0x5b: {  	_ =	shalt  }
0x5c: {  	_ =	shalt  }
0x5d: {  	_ =	shalt  }
0x5e: {  	_ =	shalt  }
0x5f: {  	_ =	shalt  }
0x60: {  	_ =	shalt  }
0x61: {  	_ =	shalt  }
0x62: {  	_ =	shalt  }
0x63: {  	_ =	shalt  }
0x64: {  	_ =	shalt  }
0x65: {  	_ =	shalt  }
0x66: {  	_ =	shalt  }
0x67: {  	_ =	shalt  }
0x68: {  	_ =	shalt  }
0x69: {  	_ =	shalt  }
0x6a: {  	_ =	shalt  }
0x6b: {  	_ =	shalt  }
0x6c: {  	_ =	shalt  }
0x6d: {  	_ =	shalt  }
0x6e: {  	_ =	shalt  }
0x6f: {  	_ =	shalt  }
0x70: {  	_ =	shalt  }
0x71: {  	_ =	shalt  }
0x72: {  	_ =	shalt  }
0x73: {  	_ =	shalt  }
0x74: {  	_ =	shalt  }
0x75: {  	_ =	shalt  }
0x76: {  	_ =	shalt  }
0x77: {  	_ =	shalt  }
0x78: {  	_ =	shalt  }
0x79: {  	_ =	shalt  }
0x7a: {  	_ =	shalt  }
0x7b: {  	_ =	shalt  }
0x7c: {  	_ =	shalt  }
0x7d: {  	_ =	shalt  }
0x7e: {  	_ =	shalt  }
0x7f: {  	_ =	shalt  }
0x80: {  	_ =	shalt  }
0x81: {  	_ =	shalt  }
0x82: {  	_ =	shalt  }
0x83: {  	_ =	shalt  }
0x84: {  	_ =	shalt  }
0x85: {  	_ =	shalt  }
0x86: {  	_ =	shalt  }
0x87: {  	_ =	shalt  }
.Lfunc_end0:
.L_simem_size_0:
called_computation.1_lowered:
.L_overlay_start_0:
0x88: {  	s2 =	sld [smem:$0x3FD9]  }
0x89: {  	s3 =	sld [smem:$0x3FFE];
	_ =	sdelay $0x1  }
0x8a: {  	s1 =	srdreg.scid  }
0x8b: {  	s0 =	sand.u32 $0x1, s1  }
0x8c: {  	s16 =	sshll.u32 s0, $0xA;
	s2 =	sadd.s32 s3, s2  }
0x8d: {  	s2 =	sadd.s32 s2, s16  }
0x8e: {  	[smem:$0x3FC2] =	sst s2  }
0x8f: {  	_ = 	snop  }
0x90: {  	(tm) =	ssettm $0x1  }
0x91: {  	s17 =	sld [smem:$0x3FFB];
	_ =	sdelay $0x3  }
0x92: {  	_ =	strace s17  }
0x93: {  	s2 =	sld [smem:$0x3FFC];
	_ =	sdelay $0x3  }
0x94: {  	_ =	strace s2  }
0x95: {  	s2 =	sld [smem:$0x3FFD];
	_ =	sdelay $0x3  }
0x96: {  	_ =	strace s2  }
0x97: {  	_ =	strace $0x8FFFFFFF  }
0x98: {  	s18 =	sld [smem:$0x3FDB];
	_ =	sdelay $0x1  }
0x99: {  	s19 =	simm.s32 $_scs_section_size  }
0x9a: {  	s4 =	simm.s32 $_size__tile_overlayer_lowered;
	s5 =	simm.s32 $_tile_overlayer_lowered  }
0x9b: {  	s22 =	simm.s32 $0x1BFF;
	s21 =	sshll.u32 s5, $0x1;
	s2 =	sadd.s32 s19, s18  }
0x9c: {  	s6 =	simm.s32 $0x0;
	s20 =	sshll.u32 s4, $0x1;
	s4 =	sadd.s32 s21, s2  }
0x9d: {  	[timem:s6], [sflag:s22] =	dma.local [hbm:s4], s20  }
0x9e: {  	_ =	swait.ge [sflag:s22], s20  }
0x9f: {  	s3 =	ssub.s32 $0x0, s20;
	[sflag:s22] =	ssyncset.done $0x0  }
0xa0: {  	[sflag:s22] =	ssyncadd.s32 s3;
	_ =	sdelay $0x1  }
0xa1: {  	s23 =	simm.s32 $0x1B8B  }
0xa2: {  	_ =	swait.ge [sflag:s23], $0x1  }
0xa3: {  	[sflag:s23] =	ssyncset.done $0x0  }
0xa4: {  	s25 =	simm.s32 $0x1B8E;
	s24 =	sld [smem:$0x3FFE];
	[sflag:s23] =	ssyncadd.s32 $0xFFFFFFFF  }
0xa5: {  	s26 =	simm.s32 $execute0_lowered;
	[smem:$0x3FD2] =	sst s25  }
0xa6: {  	s4 =	sshll.u32 s26, $0x1;
	_ =	strace $0x80000046;
	[dreg:$0x1] =	wrdreg $0xFFFFFFFF  }
0xa7: {  	s28 =	simm.s32 $_size_execute0_lowered;
	s2 =	sadd.s32 s2, s4;
	[dreg:$0x0] =	wrdreg $0x0  }
0xa8: {  	s4 =	sshll.u32 s28, $0x1;
	[dreg:$0x2] =	wrdreg s2  }
0xa9: {  	[dreg:$0x3] =	wrdreg s4  }
0xaa: {  	[dreg:$0x4] =	wrdreg $0xC0  }
0xab: {  	_ =	task [dreg:s6], $0x5FFFF  }
0xac: {  	[dreg:$0x1] =	wrdreg $0xFFFFFFFF  }
0xad: {  	[dreg:$0x0] =	wrdreg $0x60  }
0xae: {  	[dreg:$0x2] =	wrdreg s24  }
0xaf: {  	[dreg:$0x3] =	wrdreg $0x0  }
0xb0: {  	[dreg:$0x4] =	wrdreg $0xA  }
0xb1: {  	_ =	task.clear_ibuf [dreg:s6], $0x5FFFF;
	_ =	strace $0x90000046  }
0xb2: {  	s29 =	simm.s32 $0xA;
	_ =	strace $0x80000048  }
0xb3: {  	_ =	swait.ge [sflag:s29], $0x1  }
0xb4: {  	[sflag:s29] =	ssyncadd.s32 $0xFFFFFFFF  }
0xb5: {  	_ =	strace $0x90000048  }
0xb6: {  	_ =	sfence  }
0xb7: {  	s30 =	sld [smem:$0x0];
	_ =	sdelay $0x2  }
0xb8: {  	s31 =	sshll.u32 s1, $0xD;
	s1 =	sshrl.u32 s1, $0x2  }
0xb9: {  	s3 =	sand.u32 $0x4000, s31;
	s1 =	sadd.s32 s1, s30  }
0xba: {  	s0 =	sor.u32 s3, s0;
	s1 =	sshll.u32 s1, $0x11  }
0xbb: {  	s0 =	sor.u32 s1, s0  }
0xbc: {  	s0 =	sadd.s32 $0x8F2B, s0  }
0xbd: {  	[sflag:s0] =	ssyncadd.remote.s32 $0x1  }
0xbe: {  	_ =	sfence.sel $0xFFFF  }
0xbf: {  	[dreg:$0x0] =	wrdreg $0xFFFFFFFF;
	(pc) =	sbr.abs _section_cstart, $3  }
0xc0: {  	[dreg:$0x1] =	wrdreg $0xFFFFFFFF  }
0xc1: {  	_ =	task.clear_ibuf [dreg:s6], $0x2FFFF;
	_ =	strace $0x9FFFFFFF  }
0xc2: {  	(tm) =	ssettm $0x7FFFFFFF  }
0xc3: {  	_ =	shalt  }
tec
execute0_lowered:
.L_overlay_start_1:
0x0: {  	(tag) =	ssettag $0x1  }
0x1: {  	s22 =	stileid.u32  }
0x2: {  	s8 =	smul.u32 $0x500, s22  }
0x3: {  	s7 =	sor.u32 $0x10, s22;
	s20 =	smul.u32 $0x2800, s22  }
0x4: {  	s6 =	sor.u32 $0x20, s22;
	s9 =	smul.u32 $0x500, s7  }
0x5: {  	s5 =	sor.u32 $0x30, s22;
	s10 =	smul.u32 $0x500, s6  }
0x6: {  	s4 =	sor.u32 $0x40, s22;
	s11 =	smul.u32 $0x500, s5  }
0x7: {  	s3 =	sor.u32 $0x50, s22;
	s12 =	smul.u32 $0x500, s4  }
0x8: {  	s1 =	sor.u32 $0x60, s22;
	s13 =	smul.u32 $0x500, s3  }
0x9: {  	s0 =	srdreg.scid;
	s2 =	sor.u32 $0x70, s22;
	s14 =	smul.u32 $0x500, s1  }
0xa: {  	s15 =	sand.u32 $0x1, s0;
	s16 =	smul.u32 $0x500, s2  }
0xb: {  	s17 =	smul.u32 $0x138800, s15  }
0xc: {  	s18 =	rddreg [dreg:$0x0];
	s0 =	ssub.s32 $0x2, s15;
	s25 =	smul.u32 $0x2800, s5  }
0xd: {  	s21 =	sadd.s32 $0x15800, s18;
	s5 =	smul.u32 $0xA000, s5;
	s19 =	sshrl.u32 s0, $0x1  }
0xe: {  	s8 =	sadd.s32 s21, s8;
	s0 =	ssub.s32 s0, s19;
	s19 =	smul.u32 $0x2800, s7  }
0xf: {  	[dreg:$0x3] =	wrdreg s8;
	s8 =	smul.u32 $0x2800, s6;
	s24 =	sadd.s32 s21, s11  }
0x10: {  	s26 =	sadd.s32 s21, s12;
	s11 =	sadd.s32 s21, s13;
	s12 =	smul.u32 $0x2800, s4  }
0x11: {  	s13 =	sadd.s32 s21, s14;
	s14 =	sadd.s32 s21, s16;
	s16 =	smul.u32 $0x2800, s3  }
0x12: {  	s9 =	sadd.s32 s21, s9;
	s7 =	smul.u32 $0xA000, s7  }
0x13: {  	s23 =	sadd.s32 s21, s10;
	s6 =	smul.u32 $0xA000, s6;
	[dreg:$0x4] =	wrdreg s9  }
0x14: {  	s4 =	smul.u32 $0xA000, s4;
	[dreg:$0x5] =	wrdreg s23  }
0x15: {  	p0 =	sgt.u32 s22, $0xC;
	s3 =	smul.u32 $0xA000, s3;
	[dreg:$0x6] =	wrdreg s24  }
0x16: {  	s21 =	sadd.s32 s20, s17;
	[dreg:$0x7] =	wrdreg s26;
	s24 =	smul.u32 $0x2800, s1  }
0x17: {  	s25 =	sadd.s32 s17, s25;
	[dreg:$0x8] =	wrdreg s11;
	s26 =	smul.u32 $0x2800, s2  }
0x18: {  	s5 =	sshrl.u32 s5, $0x2;
	[dreg:$0x9] =	wrdreg s13;
	s1 =	smul.u32 $0xA000, s1  }
0x19: {  	[dreg:$0xa] =	wrdreg s14;
	s9 =	simm.s32 $0x0;
	s2 =	smul.u32 $0xA000, s2  }
0x1a: {  	s23 =	sadd.s32 s17, s19;
	s8 =	sadd.s32 s17, s8;
	s10 =	sadd.s32 s17, s12  }
0x1b: {  	s11 =	sadd.s32 s17, s16;
	[smem:$0x7FF] =	sst s9;
	s12 =	sshrl.u32 s21, $0x3  }
0x1c: {  	s19 =	sadd.s32 $0x3CA00, s18;
	s16 =	sshrl.u32 s25, $0x3;
	s7 =	sshrl.u32 s7, $0x2  }
0x1d: {  	s6 =	sshrl.u32 s6, $0x2;
	s4 =	sshrl.u32 s4, $0x2;
	s3 =	sshrl.u32 s3, $0x2  }
0x1e: {  	s14 =	sadd.s32 s17, s24;
	s17 =	sadd.s32 s17, s26;
	s13 =	sshrl.u32 s23, $0x3  }
0x1f: {  	s12 =	sadd.s32 s19, s12;
	s8 =	sshrl.u32 s8, $0x3;
	s10 =	sshrl.u32 s10, $0x3  }
0x20: {  	s21 =	sshrl.u32 s11, $0x3;
	s24 =	smul.u32 $0x27100, s15;
	[dreg:$0xb] =	wrdreg s12  }
0x21: {  	s13 =	sadd.s32 s19, s13;
	s25 =	sshrl.u32 s17, $0x3;
	s17 =	rddreg [dreg:$0x1]  }
0x22: {  	s26 =	smul.u32 $0x2710, s22;
	s8 =	sadd.s32 s19, s8;
	[dreg:$0xc] =	wrdreg s13  }
0x23: {  	s1 =	sshrl.u32 s1, $0x2;
	s20 =	sadd.s32 s19, s10;
	[dreg:$0xd] =	wrdreg s8  }
0x24: {  	s23 =	sshrl.u32 s14, $0x3;
	s8 =	sadd.s32 s19, s16;
	[dreg:$0xf] =	wrdreg s20  }
0x25: {  	s13 =	sadd.s32 s19, s25;
	s14 =	sadd.s32 s26, s24;
	s16 =	smul.u32 $0xA000, s22  }
0x26: {  	s20 =	sadd.s32 $0x1600, s18;
	s18 =	sadd.s32 $0x15200, s18;
	s7 =	sadd.s32 s7, s17  }
0x27: {  	s6 =	sadd.s32 s6, s17;
	s5 =	sadd.s32 s5, s17;
	s4 =	sadd.s32 s4, s17  }
0x28: {  	s28 =	sadd.s32 s3, s17;
	s29 =	sadd.s32 s1, s17;
	[dreg:$0xe] =	wrdreg s8  }
0x29: {  	s3 =	simm.s32 $0x13980;
	s8 =	sadd.s32 s19, s21;
	[dreg:$0x12] =	wrdreg s13  }
0x2a: {  	s25 =	sadd.s32 $0xF0, s14;
	[dreg:$0x10] =	wrdreg s8;
	s8 =	sadd.s32 s19, s23  }
0x2b: {  	s19 =	sshll.u32 s15, $0x4;
	s10 =	sshrl.u32 s16, $0x2;
	[dreg:$0x11] =	wrdreg s8  }
0x2c: {  	s10 =	sadd.s32 s10, s17;
	_ =	strace $0x80000047;
	[dreg:$0x13] =	wrdreg s18  }
0x2d: {  	s23 =	sshrl.u32 s2, $0x2;
	s16 =	smax.u32 s0, $0x1;
	[dreg:$0x14] =	wrdreg s10  }
0x2e: {  	s26 =	sshrl.u32 s25, $0x3;
	s11 =	sor.u32 s22, s19;
	[dreg:$0x15] =	wrdreg s7  }
0x2f: {  	s30 =	sadd.s32 s23, s17;
	[dreg:$0x16] =	wrdreg s6;
	s21 =	smul.u32 $0x2710, s11  }
.Ltmp0:
0x30: {  	s0 =	sadd.s32 s26, s20;
	[dreg:$0x17] =	wrdreg s5;
	(pc) =	sbr.rel .LBB2_1-.Ltmp0, $4  }
0x31: {  	s8 =	simm.s32 $0x50;
	[dreg:$0x18] =	wrdreg s4;
	s4 =	simm.s32 $0x3  }
0x32: {  	s5 =	simm.s32 $0x13880;
	s6 =	simm.s32 $0x13900;
	s24 =	sshrl.u32 s21, $0x3  }
0x33: {  	s7 =	simm.s32 $0x1;
	s10 =	simm.s32 $0x2;
	s31 =	sadd.s32 s20, s24  }
0x34: {  	s11 =	simm.s32 $0x0;
	s24 =	sadd.s32 $0xA0, s14;
	s2 =	sadd.s32 $0xA, s31  }
.LBB2_4:
0x35: {  	_ =	swait.ge [sflag:s7], $0x50  }
0x36: {  	[sflag:s7] =	ssyncset.done $0x0  }
0x37: {  	[sflag:s7] =	ssyncadd.s32 $0xFFFFFFB0  }
0x38: {  	[spmem:s17] =	stream.indirect.scatter.add.f32 [tilespmem:s3], [sflag:$0x3], $0x80, s5, s8, $0xb8;
	[tilespmem:$0x16180] =	vst v63  }
0x39: {  	_ =	swait.ge [sflag:s4], $0x2800  }
0x3a: {  	[sflag:s4] =	ssyncset.done $0x0  }
0x3b: {  	[sflag:s4] =	ssyncadd.s32 $0xFFFFD800  }
0x3c: {  	[bflag:$0x0] =	sbarrier.arrive $0xFFFF  }
0x3d: {  	s1 =	rddreg [dreg:$0xb]  }
0x3e: {  	[hbm:s1], [sflag:s12] =	dma.local [spmem:s13], $0x500  }
0x3f: {  	_ =	swait.ge [sflag:s4], $0x500  }
0x40: {  	[sflag:s4] =	ssyncset.done $0x0  }
0x41: {  	s13 =	rddreg [dreg:$0xc];
	[sflag:s4] =	ssyncadd.s32 $0xFFFFFB00  }
0x42: {  	[hbm:s13], [sflag:s12] =	dma.local [spmem:s14], $0x500  }
0x43: {  	_ =	swait.ge [sflag:s4], $0x500  }
0x44: {  	[sflag:s4] =	ssyncset.done $0x0  }
0x45: {  	s14 =	rddreg [dreg:$0xd];
	[sflag:s4] =	ssyncadd.s32 $0xFFFFFB00  }
0x46: {  	[hbm:s14], [sflag:s12] =	dma.local [spmem:s15], $0x500  }
0x47: {  	_ =	swait.ge [sflag:s4], $0x500  }
0x48: {  	[sflag:s4] =	ssyncset.done $0x0  }
0x49: {  	s15 =	rddreg [dreg:$0xe];
	[sflag:s4] =	ssyncadd.s32 $0xFFFFFB00  }
0x4a: {  	[hbm:s15], [sflag:s12] =	dma.local [spmem:s18], $0x500  }
0x4b: {  	_ =	swait.ge [sflag:s4], $0x500  }
0x4c: {  	[sflag:s4] =	ssyncset.done $0x0  }
0x4d: {  	s18 =	rddreg [dreg:$0xf];
	[sflag:s4] =	ssyncadd.s32 $0xFFFFFB00  }
0x4e: {  	[hbm:s18], [sflag:s12] =	dma.local [spmem:s19], $0x500  }
0x4f: {  	_ =	swait.ge [sflag:s4], $0x500  }
0x50: {  	[sflag:s4] =	ssyncset.done $0x0  }
0x51: {  	s25 =	rddreg [dreg:$0x10];
	[sflag:s4] =	ssyncadd.s32 $0xFFFFFB00  }
0x52: {  	[hbm:s25], [sflag:s12] =	dma.local [spmem:s21], $0x500  }
0x53: {  	_ =	swait.ge [sflag:s4], $0x500  }
0x54: {  	[sflag:s4] =	ssyncset.done $0x0  }
0x55: {  	s26 =	rddreg [dreg:$0x11];
	[sflag:s4] =	ssyncadd.s32 $0xFFFFFB00  }
0x56: {  	[hbm:s26], [sflag:s12] =	dma.local [spmem:s22], $0x500  }
0x57: {  	_ =	swait.ge [sflag:s4], $0x500  }
0x58: {  	s11 =	sadd.s32 $0x1, s11;
	[sflag:s4] =	ssyncset.done $0x0  }
0x59: {  	p1 =	sne.s32 s11, s16;
	s1 =	rddreg [dreg:$0x12];
	[sflag:s4] =	ssyncadd.s32 $0xFFFFFB00  }
0x5a: {  	[hbm:s1], [sflag:s12] =	dma.local @!p0 [spmem:s23], $0x500  }
.Ltmp1:
0x5b: {  	_ = 	snop;
	(pc) =	sbr.rel @!p1 .LBB2_5-.Ltmp1, $4  }
0x5c: {  	s1 =	simm.s32 @!p0 $0x3  }
0x5d: {  	_ =	swait.ge @!p0 [sflag:s1], $0x500  }
0x5e: {  	[sflag:s1] =	ssyncset.done @!p0 $0x0  }
0x5f: {  	[sflag:s1] =	ssyncadd.s32 @!p0 $0xFFFFFB00  }
.LBB2_1:
0x60: {  	s1 =	rddreg [dreg:$0x13];
	s21 =	stileid.u32  }
0x61: {  	[tilespmem:s3], [sflag:$0x3] =	stream.linear.gather [hbm4b:s1+s9], $0x2800, $0x38;
	[tilespmem:$0x16180] =	vst v63  }
0x62: {  	s1 =	sshll.u32 s21, $0x6;
	_ =	swait.ge [sflag:s4], $0x2800  }
0x63: {  	s12 =	sor.u32 $0x1C03, s1;
	[sflag:s4] =	ssyncset.done $0x0;
	s22 =	rddreg [dreg:$0x14]  }
0x64: {  	s23 =	rddreg [dreg:$0x3];
	[sflag:s4] =	ssyncadd.s32 $0xFFFFD800;
	s13 =	sshrl.u32 s22, $0x3  }
0x65: {  	[spmem:s13], [sflag:s12] =	dma.local [hbm:s23], $0x500  }
0x66: {  	_ =	swait.ge [sflag:s4], $0x500  }
0x67: {  	[sflag:s4] =	ssyncset.done $0x0;
	s25 =	rddreg [dreg:$0x15]  }
0x68: {  	s26 =	rddreg [dreg:$0x4];
	[sflag:s4] =	ssyncadd.s32 $0xFFFFFB00;
	s14 =	sshrl.u32 s25, $0x3  }
0x69: {  	[spmem:s14], [sflag:s12] =	dma.local [hbm:s26], $0x500  }
0x6a: {  	_ =	swait.ge [sflag:s4], $0x500  }
0x6b: {  	[sflag:s4] =	ssyncset.done $0x0;
	s15 =	rddreg [dreg:$0x16]  }
0x6c: {  	s18 =	rddreg [dreg:$0x5];
	[sflag:s4] =	ssyncadd.s32 $0xFFFFFB00;
	s15 =	sshrl.u32 s15, $0x3  }
0x6d: {  	[spmem:s15], [sflag:s12] =	dma.local [hbm:s18], $0x500  }
0x6e: {  	_ =	swait.ge [sflag:s4], $0x500  }
0x6f: {  	[sflag:s4] =	ssyncset.done $0x0;
	s19 =	rddreg [dreg:$0x17]  }
0x70: {  	s21 =	rddreg [dreg:$0x6];
	[sflag:s4] =	ssyncadd.s32 $0xFFFFFB00;
	s18 =	sshrl.u32 s19, $0x3  }
0x71: {  	[spmem:s18], [sflag:s12] =	dma.local [hbm:s21], $0x500  }
0x72: {  	_ =	swait.ge [sflag:s4], $0x500  }
0x73: {  	[sflag:s4] =	ssyncset.done $0x0;
	s22 =	rddreg [dreg:$0x18]  }
0x74: {  	s23 =	rddreg [dreg:$0x7];
	[sflag:s4] =	ssyncadd.s32 $0xFFFFFB00;
	s19 =	sshrl.u32 s22, $0x3  }
0x75: {  	[spmem:s19], [sflag:s12] =	dma.local [hbm:s23], $0x500  }
0x76: {  	_ =	swait.ge [sflag:s4], $0x500  }
0x77: {  	[sflag:s4] =	ssyncset.done $0x0  }
0x78: {  	s21 =	sshrl.u32 s28, $0x3;
	s25 =	rddreg [dreg:$0x8];
	[sflag:s4] =	ssyncadd.s32 $0xFFFFFB00  }
0x79: {  	[spmem:s21], [sflag:s12] =	dma.local [hbm:s25], $0x500  }
0x7a: {  	_ =	swait.ge [sflag:s4], $0x500  }
0x7b: {  	[sflag:s4] =	ssyncset.done $0x0  }
0x7c: {  	s22 =	sshrl.u32 s29, $0x3;
	s26 =	rddreg [dreg:$0x9];
	[sflag:s4] =	ssyncadd.s32 $0xFFFFFB00  }
0x7d: {  	[spmem:s22], [sflag:s12] =	dma.local [hbm:s26], $0x500  }
0x7e: {  	_ =	swait.ge [sflag:s4], $0x500  }
0x7f: {  	[sflag:s4] =	ssyncset.done $0x0  }
0x80: {  	s23 =	sshrl.u32 @!p0 s30, $0x3;
	s1 =	rddreg [dreg:$0xa];
	[sflag:s4] =	ssyncadd.s32 $0xFFFFFB00  }
0x81: {  	[spmem:s23], [sflag:s12] =	dma.local @!p0 [hbm:s1], $0x500  }
0x82: {  	s1 =	simm.s32 @!p0 $0x3  }
0x83: {  	_ =	swait.ge @!p0 [sflag:s1], $0x500  }
0x84: {  	[sflag:s1] =	ssyncset.done @!p0 $0x0  }
0x85: {  	[sflag:s1] =	ssyncadd.s32 @!p0 $0xFFFFFB00  }
0x86: {  	[bflag:$0x0] =	sbarrier.arrive $0xFFFF  }
0x87: {  	[tilespmem:s5], [sflag:$0x1] =	stream.linear.gather [hbm4b:s31+s9], $0x50, $0x38;
	[tilespmem:$0x16180] =	vst v63  }
0x88: {  	s25 =	simm.s32 $0x0;
	s1 =	smov.u32 s24  }
0x89: {  	[tilespmem:s6], [sflag:$0x2] =	stream.linear.gather [hbm4b:s2+s9], $0x50, $0x38;
	[tilespmem:$0x16180] =	vst v63  }
.LBB2_2:
0x8a: {  	_ =	swait.ge [sflag:s7], $0x50  }
0x8b: {  	[sflag:s7] =	ssyncset.done $0x0  }
0x8c: {  	[sflag:s7] =	ssyncadd.s32 $0xFFFFFFB0  }
0x8d: {  	[spmem:s17] =	stream.indirect.scatter.add.f32 [tilespmem:s3], [sflag:$0x3], $0x80, s5, s8, $0xb8;
	[tilespmem:$0x16180] =	vst v63  }
0x8e: {  	_ =	swait.ge [sflag:s4], $0x2800  }
0x8f: {  	s26 =	sshrl.u32 s1, $0x3;
	[sflag:s4] =	ssyncset.done $0x0  }
0x90: {  	s26 =	sadd.s32 s20, s26;
	[sflag:s4] =	ssyncadd.s32 $0xFFFFD800  }
0x91: {  	[tilespmem:s5], [sflag:$0x1] =	stream.linear.gather [hbm4b:s26+s9], $0x50, $0x38;
	[tilespmem:$0x16180] =	vst v63  }
0x92: {  	_ =	swait.ge [sflag:s10], $0x50  }
0x93: {  	p1 =	seq.s32 s25, $0x4C4;
	[sflag:s10] =	ssyncset.done $0x0  }
.Ltmp2:
0x94: {  	[sflag:s10] =	ssyncadd.s32 $0xFFFFFFB0;
	(pc) =	sbr.rel @p1 .LBB2_4-.Ltmp2, $4  }
0x95: {  	[spmem:s17] =	stream.indirect.scatter.add.f32 [tilespmem:s3], [sflag:$0x3], $0x80, s6, s8, $0xb8;
	[tilespmem:$0x16180] =	vst v63  }
0x96: {  	_ =	swait.ge [sflag:s4], $0x2800  }
0x97: {  	[sflag:s4] =	ssyncset.done $0x0  }
0x98: {  	[sflag:s4] =	ssyncadd.s32 $0xFFFFD800  }
.Ltmp3:
0x99: {  	(pc) =	sbr.rel .LBB2_2-.Ltmp3, $3  }
0x9a: {  	_ =	sdelay $0x1  }
0x9b: {  	s26 =	sadd.s32 s25, s0;
	s25 =	sadd.s32 $0x14, s25;
	s1 =	sadd.s32 $0xA0, s1  }
0x9c: {  	[tilespmem:s6], [sflag:$0x2] =	stream.linear.gather [hbm4b:s26+s9], $0x50, $0x38;
	[tilespmem:$0x16180] =	vst v63  }
.LBB2_5:
0x9d: {  	_ =	sfence.sel $0x180000  }
0x9e: {  	[bflag:$0x0] =	sbarrier.arrive $0xFFFF  }
0x9f: {  	_ =	strace $0x90000047  }
0xa0: {  	s0 =	stileid.u32;
	[bflag:$0x2] =	sbarrier.arrive $0xFFFF  }
0xa1: {  	p0 =	sne.s32 s0, $0x0;
	s0 =	rddreg [dreg:$0x2]  }
0xa2: {  	s0 =	sadd.s32 @!p0 $0x100000, s0  }
0xa3: {  	[sflag:s0] =	ssyncadd.tile.s32 @!p0 $0x1;
	_ =	shalt  }
.Lfunc_end2:
_tile_overlayer_lowered:
.L_overlay_start_2:
0xa4: {  	(tag) =	ssettag $0x2  }
0xa5: {  	s0 =	rddreg [dreg:$0x0];
	s2 =	stileid.u32  }
0xa6: {  	s1 =	rddreg [dreg:$0x1];
	p0 =	sne.s32 s2, $0x0  }
0xa7: {  	s3 =	rddreg [dreg:$0x2];
	[bflag:$0x3] =	sbarrier.arrive $0xFFFF;
	s2 =	simm.s32 @!p0 $0x1C03  }
0xa8: {  	[timem:s3], [sflag:s2] =	dma.local @!p0 [hbm:s0], s1  }
0xa9: {  	s0 =	simm.s32 @!p0 $0x3  }
0xaa: {  	_ =	swait.ge @!p0 [sflag:s0], s1  }
0xab: {  	s1 =	ssub.s32 @!p0 $0x0, s1;
	[sflag:s0] =	ssyncset.done @!p0 $0x0  }
0xac: {  	[sflag:s0] =	ssyncadd.s32 @!p0 s1  }
0xad: {  	[bflag:$0x3] =	sbarrier.arrive $0xFFFF  }
0xae: {  	_ =	shalt  }

// kernel: kernel.14.cloned.1.call-start
scs
__scs_entry_jumppad:
0x0: {  	(pc) =	sbr.rel $0x88, $3  }
0x1: {  	(tag) =	ssettag $0x0;
	lr =	simm.s32 $0x1  }
0x2: {  	[smem:$0x3F9B] =	sst lr;
	_ =	strace $0xD0000000  }
0x3: {  	_ = 	snop  }
0x4: {  	_ = 	snop  }
0x5: {  	_ = 	snop  }
0x6: {  	_ = 	snop  }
0x7: {  	_ = 	snop  }
__scs_overlays_trampoline_lowered:
0x8: {  	[smem:$0x3FAA] =	sst s0  }
0x9: {  	[smem:$0x3FAB] =	sst s1  }
0xa: {  	[smem:$0x3FAC] =	sst s2  }
0xb: {  	[smem:$0x3FAD] =	sst s3  }
0xc: {  	[smem:$0x3FAE] =	sst s4  }
0xd: {  	[smem:$0x3FAF] =	sst s5  }
0xe: {  	[smem:$0x3FB0] =	sst s6  }
0xf: {  	[smem:$0x3FB1] =	sst s7  }
0x10: {  	[smem:$0x3FB2] =	sst s8  }
0x11: {  	[smem:$0x3FB3] =	sst s9;
	s0 =	simm.s32 @!p0 $0x0  }
0x12: {  	s1 =	sld [smem:$0x3F99];
	s0 =	simm.s32 @p0 $0x1  }
0x13: {  	[smem:$0x3FB4] =	sst s0;
	s0 =	simm.s32 @!p1 $0x0  }
0x14: {  	s2 =	sld [smem:$0x3F98];
	s0 =	simm.s32 @p1 $0x1  }
0x15: {  	[smem:$0x3FB5] =	sst s0;
	s0 =	simm.s32 @!p2 $0x0  }
0x16: {  	s3 =	sld [smem:$0x3FDB];
	s0 =	simm.s32 @p2 $0x1  }
0x17: {  	s4 =	simm.s32 $0x1BF5;
	[smem:$0x3FB7] =	sst s0  }
0x18: {  	s0 =	sld [smem:$0x3F9A];
	_ =	swait.ge [sflag:s4], $0x0  }
0x19: {  	s7 =	sld [smem:$0x3F9B]  }
0x1a: {  	s8 =	sadd.s32 $0xFFFFE003, lr  }
0x1b: {  	s9 =	sadd.s32 $0xFFFFFEF7, lr;
	s5 =	simm.s32 $0xFFFFFFFF;
	p2 =	slt.u32 s8, $0xFFFFF086  }
0x1c: {  	p1 =	slt.u32 s9, $0xF7A;
	s5 =	simm.s32 @!p2 $0x0  }
0x1d: {  	s5 =	simm.s32 @p1 $0x1;
	p0 =	seq.s32 s7, s2  }
0x1e: {  	s7 =	smul.u32 @!p0 $0xF7A, s2;
	p2 =	seq.s32 @!p0 s5, $0x0  }
0x1f: {  	s9 =	smul.u32 $0xF7A, s1;
	s8 =	simm.s32 @!p0 $0x1BF5;
	p2 =	por !p2, p0  }
0x20: {  	[sflag:s8] =	ssyncset.s32 @!p0 $0xFFFFF086;
	s6 =	sadd.s32 @!p0 s3, s7;
	s7 =	simm.s32 @!p0 $0x108  }
0x21: {  	s3 =	sadd.s32 s3, s9;
	s6 =	sadd.s32 @!p0 $0x88, s6;
	s7 =	simm.s32 @p2 $0x1082  }
0x22: {  	[simem:s7], [sflag:s8] =	dma.local @!p0 [hbm:s6], $0xF7A  }
0x23: {  	s9 =	sor.u32 $0xD0000000, s2;
	s6 =	simm.s32 $0x108;
	_ =	swait.ge @!p0 [sflag:s8], $0x0  }
0x24: {  	s3 =	sadd.s32 $0x88, s3;
	s6 =	simm.s32 @!p1 $0x1082;
	[sflag:s4] =	ssyncset.s32 $0xFFFFF086  }
0x25: {  	[simem:s6], [sflag:s4] =	dma.local [hbm:s3], $0xF7A  }
0x26: {  	[smem:$0x3F9B] =	sst s1;
	(tag) =	ssettag s2;
	_ =	strace s9  }
0x27: {  	s1 =	sld [smem:$0x3FAB]  }
0x28: {  	s2 =	sld [smem:$0x3FAC]  }
0x29: {  	s4 =	sld [smem:$0x3FAE]  }
0x2a: {  	p0 =	seq.s32 s5, $0x0;
	s5 =	sld [smem:$0x3FAF]  }
0x2b: {  	s6 =	sld [smem:$0x3FB0]  }
0x2c: {  	s7 =	sld [smem:$0x3FB1]  }
0x2d: {  	s3 =	simm.s32 $0x108;
	s8 =	sld [smem:$0x3FB2]  }
0x2e: {  	s3 =	simm.s32 @!p0 $0x1082;
	s9 =	sld [smem:$0x3FB3]  }
0x2f: {  	lr =	sadd.s32 s0, s3;
	s0 =	sld [smem:$0x3FAA]  }
0x30: {  	s3 =	sld [smem:$0x3FAD]  }
0x31: {  	[smem:$0x3FB6] =	sst s10  }
0x32: {  	s10 =	sld [smem:$0x3FB4];
	_ =	sdelay $0x3  }
0x33: {  	p0 =	seq.s32 s10, $0x1;
	s10 =	sld [smem:$0x3FB6];
	_ =	sdelay $0x3  }
0x34: {  	[smem:$0x3FB6] =	sst s10  }
0x35: {  	s10 =	sld [smem:$0x3FB5];
	_ =	sdelay $0x3  }
0x36: {  	p1 =	seq.s32 s10, $0x1;
	s10 =	sld [smem:$0x3FB6];
	_ =	sdelay $0x3  }
0x37: {  	[smem:$0x3FB6] =	sst s10  }
0x38: {  	s10 =	sld [smem:$0x3FB7]  }
0x39: {  	_ = 	snop;
	(pc) =	sbr.ind lr, $3  }
0x3a: {  	_ = 	snop  }
0x3b: {  	_ = 	snop  }
0x3c: {  	p2 =	seq.s32 s10, $0x1;
	s10 =	sld [smem:$0x3FB6]  }
0x3d: {  	_ =	shalt  }
0x3e: {  	_ =	shalt  }
0x3f: {  	_ =	shalt  }
0x40: {  	_ =	shalt  }
0x41: {  	_ =	shalt  }
0x42: {  	_ =	shalt  }
0x43: {  	_ =	shalt  }
0x44: {  	_ =	shalt  }
0x45: {  	_ =	shalt  }
0x46: {  	_ =	shalt  }
0x47: {  	_ =	shalt  }
0x48: {  	_ =	shalt  }
0x49: {  	_ =	shalt  }
0x4a: {  	_ =	shalt  }
0x4b: {  	_ =	shalt  }
0x4c: {  	_ =	shalt  }
0x4d: {  	_ =	shalt  }
0x4e: {  	_ =	shalt  }
0x4f: {  	_ =	shalt  }
0x50: {  	_ =	shalt  }
0x51: {  	_ =	shalt  }
0x52: {  	_ =	shalt  }
0x53: {  	_ =	shalt  }
0x54: {  	_ =	shalt  }
0x55: {  	_ =	shalt  }
0x56: {  	_ =	shalt  }
0x57: {  	_ =	shalt  }
0x58: {  	_ =	shalt  }
0x59: {  	_ =	shalt  }
0x5a: {  	_ =	shalt  }
0x5b: {  	_ =	shalt  }
0x5c: {  	_ =	shalt  }
0x5d: {  	_ =	shalt  }
0x5e: {  	_ =	shalt  }
0x5f: {  	_ =	shalt  }
0x60: {  	_ =	shalt  }
0x61: {  	_ =	shalt  }
0x62: {  	_ =	shalt  }
0x63: {  	_ =	shalt  }
0x64: {  	_ =	shalt  }
0x65: {  	_ =	shalt  }
0x66: {  	_ =	shalt  }
0x67: {  	_ =	shalt  }
0x68: {  	_ =	shalt  }
0x69: {  	_ =	shalt  }
0x6a: {  	_ =	shalt  }
0x6b: {  	_ =	shalt  }
0x6c: {  	_ =	shalt  }
0x6d: {  	_ =	shalt  }
0x6e: {  	_ =	shalt  }
0x6f: {  	_ =	shalt  }
0x70: {  	_ =	shalt  }
0x71: {  	_ =	shalt  }
0x72: {  	_ =	shalt  }
0x73: {  	_ =	shalt  }
0x74: {  	_ =	shalt  }
0x75: {  	_ =	shalt  }
0x76: {  	_ =	shalt  }
0x77: {  	_ =	shalt  }
0x78: {  	_ =	shalt  }
0x79: {  	_ =	shalt  }
0x7a: {  	_ =	shalt  }
0x7b: {  	_ =	shalt  }
0x7c: {  	_ =	shalt  }
0x7d: {  	_ =	shalt  }
0x7e: {  	_ =	shalt  }
0x7f: {  	_ =	shalt  }
0x80: {  	_ =	shalt  }
0x81: {  	_ =	shalt  }
0x82: {  	_ =	shalt  }
0x83: {  	_ =	shalt  }
0x84: {  	_ =	shalt  }
0x85: {  	_ =	shalt  }
0x86: {  	_ =	shalt  }
0x87: {  	_ =	shalt  }
.Lfunc_end0:
.L_simem_size_0:
called_computation.2_lowered:
.L_overlay_start_0:
0x88: {  	s2 =	sld [smem:$0x3FD9]  }
0x89: {  	s3 =	sld [smem:$0x3FFE];
	_ =	sdelay $0x1  }
0x8a: {  	s1 =	srdreg.scid  }
0x8b: {  	s0 =	sand.u32 $0x1, s1  }
0x8c: {  	s17 =	sshll.u32 s0, $0xA;
	s2 =	sadd.s32 s3, s2  }
0x8d: {  	s2 =	sadd.s32 s2, s17  }
0x8e: {  	[smem:$0x3FC2] =	sst s2  }
0x8f: {  	_ = 	snop  }
0x90: {  	s2 =	sld [smem:$0x3FD0];
	(tm) =	ssettm $0x1  }
0x91: {  	s18 =	sld [smem:$0x3FFB];
	_ =	sdelay $0x3  }
0x92: {  	_ =	strace s18  }
0x93: {  	s3 =	sld [smem:$0x3FFC];
	_ =	sdelay $0x3  }
0x94: {  	_ =	strace s3  }
0x95: {  	s3 =	sld [smem:$0x3FFD];
	_ =	sdelay $0x3  }
0x96: {  	_ =	strace s3  }
0x97: {  	_ =	strace $0x8FFFFFFF  }
0x98: {  	s19 =	sld [smem:$0x3FDB];
	_ =	sdelay $0x1  }
0x99: {  	s4 =	simm.s32 $_scs_section_size  }
0x9a: {  	s5 =	simm.s32 $_size__tile_overlayer_lowered;
	s6 =	simm.s32 $_tile_overlayer_lowered  }
0x9b: {  	s22 =	simm.s32 $0x1BFF;
	s21 =	sshll.u32 s6, $0x1;
	s3 =	sadd.s32 s4, s19  }
0x9c: {  	s7 =	simm.s32 $0x0;
	s20 =	sshll.u32 s5, $0x1;
	s5 =	sadd.s32 s21, s3  }
0x9d: {  	[timem:s7], [sflag:s22] =	dma.local [hbm:s5], s20  }
0x9e: {  	_ =	swait.ge [sflag:s22], s20  }
0x9f: {  	s4 =	ssub.s32 $0x0, s20;
	[sflag:s22] =	ssyncset.done $0x0  }
0xa0: {  	[sflag:s22] =	ssyncadd.s32 s4;
	_ =	sdelay $0x1  }
0xa1: {  	s23 =	simm.s32 $0x1B8B  }
0xa2: {  	_ =	swait.ge [sflag:s23], $0x1  }
0xa3: {  	[sflag:s23] =	ssyncset.done $0x0  }
0xa4: {  	s25 =	simm.s32 $0x1B8E;
	s24 =	sld [smem:$0x3FFE];
	[sflag:s23] =	ssyncadd.s32 $0xFFFFFFFF  }
0xa5: {  	s26 =	simm.s32 $execute0_lowered;
	[smem:$0x3FD2] =	sst s25  }
0xa6: {  	s5 =	sshll.u32 s26, $0x1;
	_ =	strace $0x8000004C;
	[dreg:$0x1] =	wrdreg $0xFFFFFFFF  }
0xa7: {  	s28 =	simm.s32 $_size_execute0_lowered;
	s3 =	sadd.s32 s3, s5;
	[dreg:$0x0] =	wrdreg $0x0  }
0xa8: {  	s5 =	sshll.u32 s28, $0x1;
	[dreg:$0x2] =	wrdreg s3  }
0xa9: {  	[dreg:$0x3] =	wrdreg s5  }
0xaa: {  	[dreg:$0x4] =	wrdreg $0xC0  }
0xab: {  	_ =	task [dreg:s7], $0x5FFFF  }
0xac: {  	[dreg:$0x1] =	wrdreg $0xFFFFFFFF  }
0xad: {  	[dreg:$0x0] =	wrdreg $0x60  }
0xae: {  	[dreg:$0x2] =	wrdreg s24  }
0xaf: {  	[dreg:$0x3] =	wrdreg s2  }
0xb0: {  	[dreg:$0x4] =	wrdreg $0x0  }
0xb1: {  	[dreg:$0x5] =	wrdreg $0x9  }
0xb2: {  	_ =	task.clear_ibuf [dreg:s7], $0x6FFFF;
	_ =	strace $0x9000004C  }
0xb3: {  	s29 =	simm.s32 $0x9;
	_ =	strace $0x8000004E  }
0xb4: {  	_ =	swait.ge [sflag:s29], $0x1  }
0xb5: {  	[sflag:s29] =	ssyncadd.s32 $0xFFFFFFFF  }
0xb6: {  	_ =	strace $0x9000004E  }
0xb7: {  	_ =	sfence  }
0xb8: {  	s30 =	sld [smem:$0x0];
	_ =	sdelay $0x2  }
0xb9: {  	s31 =	sshll.u32 s1, $0xD;
	s1 =	sshrl.u32 s1, $0x2  }
0xba: {  	s3 =	sand.u32 $0x4000, s31;
	s1 =	sadd.s32 s1, s30  }
0xbb: {  	s0 =	sor.u32 s3, s0;
	s1 =	sshll.u32 s1, $0x11  }
0xbc: {  	s0 =	sor.u32 s1, s0  }
0xbd: {  	s0 =	sadd.s32 $0x8F2B, s0  }
0xbe: {  	[sflag:s0] =	ssyncadd.remote.s32 $0x1  }
0xbf: {  	_ =	sfence.sel $0xFFFF  }
0xc0: {  	[dreg:$0x0] =	wrdreg $0xFFFFFFFF;
	(pc) =	sbr.abs _section_cstart, $3  }
0xc1: {  	[dreg:$0x1] =	wrdreg $0xFFFFFFFF  }
0xc2: {  	_ =	task.clear_ibuf [dreg:s7], $0x2FFFF;
	_ =	strace $0x9FFFFFFF  }
0xc3: {  	(tm) =	ssettm $0x7FFFFFFF  }
tec
execute0_lowered:
.L_overlay_start_1:
0x0: {  	(tag) =	ssettag $0x1  }
0x1: {  	s23 =	stileid.u32  }
0x2: {  	s8 =	smul.u32 $0x500, s23  }
0x3: {  	s7 =	sor.u32 $0x10, s23;
	s20 =	smul.u32 $0x2800, s23  }
0x4: {  	s6 =	sor.u32 $0x20, s23;
	s9 =	smul.u32 $0x500, s7  }
0x5: {  	s4 =	sor.u32 $0x30, s23;
	s10 =	smul.u32 $0x500, s6  }
0x6: {  	s5 =	sor.u32 $0x40, s23;
	s11 =	smul.u32 $0x500, s4  }
0x7: {  	s3 =	sor.u32 $0x50, s23;
	s12 =	smul.u32 $0x500, s5  }
0x8: {  	s1 =	sor.u32 $0x60, s23;
	s13 =	smul.u32 $0x500, s3  }
0x9: {  	s0 =	srdreg.scid;
	s2 =	sor.u32 $0x70, s23;
	s14 =	smul.u32 $0x500, s1  }
0xa: {  	s15 =	sand.u32 $0x1, s0;
	s16 =	smul.u32 $0x500, s2  }
0xb: {  	s17 =	smul.u32 $0x138800, s15  }
0xc: {  	s25 =	smul.u32 $0x2800, s7  }
0xd: {  	s18 =	rddreg [dreg:$0x0];
	s31 =	smul.u32 $0x2800, s4  }
0xe: {  	s28 =	simm.s32 $0x0;
	s21 =	sadd.s32 $0x15800, s18;
	s22 =	smul.u32 $0x2800, s3  }
0xf: {  	p0 =	sgt.u32 s23, $0xC;
	s0 =	ssub.s32 $0x2, s15;
	s7 =	smul.u32 $0xA000, s7  }
0x10: {  	s4 =	smul.u32 $0xA000, s4;
	s19 =	sshrl.u32 s0, $0x1;
	s8 =	sadd.s32 s21, s8  }
0x11: {  	s3 =	smul.u32 $0xA000, s3;
	s0 =	ssub.s32 s0, s19;
	[dreg:$0x4] =	wrdreg s8  }
0x12: {  	s26 =	sadd.s32 s21, s9;
	s8 =	smul.u32 $0x2800, s6;
	s29 =	sadd.s32 s21, s10  }
0x13: {  	s30 =	sadd.s32 s21, s11;
	s11 =	sadd.s32 s21, s12;
	s12 =	sadd.s32 s21, s13  }
0x14: {  	s13 =	smul.u32 $0x2800, s5;
	s14 =	sadd.s32 s21, s14;
	[dreg:$0x5] =	wrdreg s26  }
0x15: {  	s21 =	sadd.s32 s21, s16;
	s24 =	sadd.s32 s20, s17;
	[dreg:$0x6] =	wrdreg s29  }
0x16: {  	s25 =	sadd.s32 s17, s25;
	s6 =	smul.u32 $0xA000, s6;
	[dreg:$0x7] =	wrdreg s30  }
0x17: {  	s9 =	simm.s32 $0x0;
	s5 =	smul.u32 $0xA000, s5;
	[dreg:$0x8] =	wrdreg s11  }
0x18: {  	s7 =	sshrl.u32 s7, $0x2;
	s4 =	sshrl.u32 s4, $0x2;
	[dreg:$0x9] =	wrdreg s12  }
0x19: {  	s3 =	sshrl.u32 s3, $0x2;
	[dreg:$0xa] =	wrdreg s14;
	s26 =	smul.u32 $0x2800, s1  }
0x1a: {  	[dreg:$0xb] =	wrdreg s21;
	s29 =	sadd.s32 s17, s31;
	s30 =	smul.u32 $0x2800, s2  }
0x1b: {  	s11 =	sadd.s32 s17, s22;
	[smem:$0x7FF] =	sst s9;
	s1 =	smul.u32 $0xA000, s1  }
0x1c: {  	s12 =	sshrl.u32 s24, $0x3;
	s31 =	rddreg [dreg:$0x1];
	s2 =	smul.u32 $0xA000, s2  }
0x1d: {  	s0 =	smax.u32 s0, $0x1;
	s8 =	sadd.s32 s17, s8;
	s10 =	sadd.s32 s17, s13  }
0x1e: {  	s13 =	sshrl.u32 s25, $0x3;
	s12 =	sadd.s32 s31, s12;
	s25 =	smul.u32 $0x27100, s15  }
0x1f: {  	s20 =	sshrl.u32 s29, $0x3;
	s22 =	sshrl.u32 s11, $0x3;
	s29 =	smul.u32 $0x2710, s23  }
0x20: {  	s6 =	sshrl.u32 s6, $0x2;
	s5 =	sshrl.u32 s5, $0x2;
	s14 =	sadd.s32 s17, s26  }
0x21: {  	s17 =	sadd.s32 s17, s30;
	[dreg:$0xc] =	wrdreg s12;
	s13 =	sadd.s32 s31, s13  }
0x22: {  	s8 =	sshrl.u32 s8, $0x3;
	s10 =	sshrl.u32 s10, $0x3;
	s12 =	sshll.u32 s15, $0x4  }
0x23: {  	s1 =	sshrl.u32 s1, $0x2;
	s2 =	sshrl.u32 s2, $0x2;
	[dreg:$0xd] =	wrdreg s13  }
0x24: {  	s8 =	sadd.s32 s31, s8;
	s21 =	sadd.s32 s31, s10;
	s24 =	sshrl.u32 s14, $0x3  }
0x25: {  	s26 =	sshrl.u32 s17, $0x3;
	s17 =	rddreg [dreg:$0x2];
	s11 =	sor.u32 s23, s12  }
0x26: {  	s13 =	sshll.u32 s23, $0x6;
	s12 =	simm.s32 $0x1;
	[dreg:$0xe] =	wrdreg s8  }
0x27: {  	s8 =	sadd.s32 s31, s20;
	[dreg:$0x10] =	wrdreg s21;
	s30 =	sadd.s32 s31, s26  }
0x28: {  	s20 =	sadd.s32 $0x3CA00, s18;
	s21 =	sadd.s32 $0xB400, s18;
	[dreg:$0xf] =	wrdreg s8  }
0x29: {  	s7 =	sadd.s32 s7, s17;
	s8 =	sadd.s32 s31, s22;
	[dreg:$0x13] =	wrdreg s30  }
0x2a: {  	s6 =	sadd.s32 s6, s17;
	[dreg:$0x11] =	wrdreg s8;
	s8 =	sadd.s32 s31, s24  }
0x2b: {  	s14 =	smul.u32 $0x2710, s11;
	s4 =	sadd.s32 s4, s17;
	[dreg:$0x12] =	wrdreg s8  }
0x2c: {  	s15 =	sadd.s32 s5, s17;
	_ =	strace $0x8000004D;
	[dreg:$0x15] =	wrdreg s7  }
0x2d: {  	s3 =	sadd.s32 s3, s17;
	s1 =	sadd.s32 s1, s17;
	[dreg:$0x16] =	wrdreg s6  }
0x2e: {  	s11 =	simm.s32 $0x13980;
	s22 =	sadd.s32 $0x1600, s18;
	[dreg:$0x17] =	wrdreg s4  }
0x2f: {  	s18 =	sadd.s32 s2, s17;
	s31 =	smul.u32 $0xA000, s23;
	[dreg:$0x18] =	wrdreg s15  }
0x30: {  	s24 =	sor.u32 $0x1C05, s13;
	s16 =	sshrl.u32 s14, $0x3;
	[dreg:$0x19] =	wrdreg s3  }
0x31: {  	s13 =	simm.s32 $0x50;
	s14 =	simm.s32 $0x13A80;
	[dreg:$0x1a] =	wrdreg s1  }
0x32: {  	s23 =	simm.s32 $0x16280;
	s19 =	sadd.s32 s21, s16;
	[dreg:$0x1b] =	wrdreg s18  }
0x33: {  	s8 =	sadd.s32 s29, s25;
	s25 =	sadd.s32 s22, s16;
	[dreg:$0x1c] =	wrdreg s19  }
0x34: {  	s26 =	sadd.s32 $0xA, s16;
	s10 =	sshrl.u32 s31, $0x2;
	[dreg:$0x1d] =	wrdreg s25  }
0x35: {  	s29 =	sadd.s32 $0xF0, s8;
	s3 =	sadd.s32 s21, s26;
	s1 =	sadd.s32 s22, s26  }
0x36: {  	[smem:$0x7FC] =	sst s0;
	s31 =	sadd.s32 $0xA0, s8;
	s8 =	simm.s32 $0x5  }
.Ltmp0:
0x37: {  	s15 =	simm.s32 $0x13900;
	[dreg:$0x1e] =	wrdreg s3;
	(pc) =	sbr.rel .LBB2_1-.Ltmp0, $4  }
0x38: {  	s18 =	simm.s32 $0x13A00;
	s19 =	simm.s32 $0x2;
	[dreg:$0x1f] =	wrdreg s1  }
0x39: {  	s25 =	simm.s32 $0x3;
	s10 =	sadd.s32 s10, s17;
	[smem:$0x7FD] =	sst s31  }
0x3a: {  	s26 =	simm.s32 $0x4;
	s30 =	sshrl.u32 s29, $0x3;
	[dreg:$0x14] =	wrdreg s10  }
0x3b: {  	s5 =	sadd.s32 s30, s22;
	s6 =	sadd.s32 s30, s21;
	s10 =	simm.s32 $0x13880  }
.LBB2_4:
0x3c: {  	_ =	swait.ge [sflag:s25], $0x2800  }
0x3d: {  	[sflag:s25] =	ssyncset.done $0x0  }
0x3e: {  	[sflag:s25] =	ssyncadd.s32 $0xFFFFD800  }
0x3f: {  	[spmem:s17] =	stream.indirect.scatter.add.f32 [tilespmem:s14], [sflag:$0x5], $0x80, s11, s13, $0xb8;
	[tilespmem:$0x18A80] =	vst v63  }
0x40: {  	_ =	swait.ge [sflag:s8], $0x2800  }
0x41: {  	[sflag:s8] =	ssyncset.done $0x0  }
0x42: {  	[sflag:s8] =	ssyncadd.s32 $0xFFFFD800  }
0x43: {  	[bflag:$0x0] =	sbarrier.arrive $0xFFFF  }
0x44: {  	s7 =	sld [smem:$0x7FA];
	_ =	sdelay $0x1  }
0x45: {  	s4 =	rddreg [dreg:$0xc]  }
0x46: {  	[hbm:s4], [sflag:s24] =	dma.local [spmem:s7], $0x500  }
0x47: {  	_ =	swait.ge [sflag:s8], $0x500  }
0x48: {  	s29 =	sld [smem:$0x7FB]  }
0x49: {  	[sflag:s8] =	ssyncset.done $0x0  }
0x4a: {  	s7 =	rddreg [dreg:$0xd];
	[sflag:s8] =	ssyncadd.s32 $0xFFFFFB00  }
0x4b: {  	[hbm:s7], [sflag:s24] =	dma.local [spmem:s29], $0x500  }
0x4c: {  	_ =	swait.ge [sflag:s8], $0x500  }
0x4d: {  	[sflag:s8] =	ssyncset.done $0x0  }
0x4e: {  	s30 =	rddreg [dreg:$0xe];
	[sflag:s8] =	ssyncadd.s32 $0xFFFFFB00  }
0x4f: {  	[hbm:s30], [sflag:s24] =	dma.local [spmem:s31], $0x500  }
0x50: {  	_ =	swait.ge [sflag:s8], $0x500  }
0x51: {  	[sflag:s8] =	ssyncset.done $0x0  }
0x52: {  	s7 =	rddreg [dreg:$0xf];
	[sflag:s8] =	ssyncadd.s32 $0xFFFFFB00  }
0x53: {  	[hbm:s7], [sflag:s24] =	dma.local [spmem:s16], $0x500  }
0x54: {  	_ =	swait.ge [sflag:s8], $0x500  }
0x55: {  	[sflag:s8] =	ssyncset.done $0x0  }
0x56: {  	s16 =	rddreg [dreg:$0x10];
	[sflag:s8] =	ssyncadd.s32 $0xFFFFFB00  }
0x57: {  	[hbm:s16], [sflag:s24] =	dma.local [spmem:s0], $0x500  }
0x58: {  	_ =	swait.ge [sflag:s8], $0x500  }
0x59: {  	[sflag:s8] =	ssyncset.done $0x0  }
0x5a: {  	s29 =	rddreg [dreg:$0x11];
	[sflag:s8] =	ssyncadd.s32 $0xFFFFFB00  }
0x5b: {  	[hbm:s29], [sflag:s24] =	dma.local [spmem:s1], $0x500  }
0x5c: {  	_ =	swait.ge [sflag:s8], $0x500  }
0x5d: {  	[sflag:s8] =	ssyncset.done $0x0  }
0x5e: {  	s30 =	rddreg [dreg:$0x12];
	[sflag:s8] =	ssyncadd.s32 $0xFFFFFB00  }
0x5f: {  	[hbm:s30], [sflag:s24] =	dma.local [spmem:s2], $0x500  }
0x60: {  	_ =	swait.ge [sflag:s8], $0x500  }
0x61: {  	[sflag:s8] =	ssyncset.done $0x0  }
0x62: {  	s0 =	rddreg [dreg:$0x13];
	[sflag:s8] =	ssyncadd.s32 $0xFFFFFB00  }
0x63: {  	[hbm:s0], [sflag:s24] =	dma.local @!p0 [spmem:s3], $0x500  }
0x64: {  	s0 =	simm.s32 @!p0 $0x5  }
0x65: {  	_ =	swait.ge @!p0 [sflag:s0], $0x500  }
0x66: {  	s31 =	sld [smem:$0x7FC];
	_ =	sdelay $0x1  }
0x67: {  	s28 =	sadd.s32 $0x1, s28  }
0x68: {  	p1 =	sne.s32 s28, s31  }
.Ltmp1:
0x69: {  	_ = 	snop;
	(pc) =	sbr.rel @!p1 .LBB2_5-.Ltmp1, $3  }
0x6a: {  	_ =	sdelay $0x1  }
0x6b: {  	[sflag:s0] =	ssyncset.done @!p0 $0x0  }
0x6c: {  	[sflag:s0] =	ssyncadd.s32 @!p0 $0xFFFFFB00  }
.LBB2_1:
0x6d: {  	s0 =	rddreg [dreg:$0x14]  }
0x6e: {  	s3 =	rddreg [dreg:$0x4];
	s1 =	sshrl.u32 s0, $0x3  }
0x6f: {  	[smem:$0x7FA] =	sst s1  }
0x70: {  	[spmem:s1], [sflag:s24] =	dma.local [hbm:s3], $0x500  }
0x71: {  	_ =	swait.ge [sflag:s8], $0x500  }
0x72: {  	s4 =	rddreg [dreg:$0x15]  }
0x73: {  	[sflag:s8] =	ssyncset.done $0x0;
	s16 =	rddreg [dreg:$0x5];
	s7 =	sshrl.u32 s4, $0x3  }
0x74: {  	[sflag:s8] =	ssyncadd.s32 $0xFFFFFB00;
	[smem:$0x7FB] =	sst s7  }
0x75: {  	[spmem:s7], [sflag:s24] =	dma.local [hbm:s16], $0x500  }
0x76: {  	_ =	swait.ge [sflag:s8], $0x500  }
0x77: {  	[sflag:s8] =	ssyncset.done $0x0;
	s29 =	rddreg [dreg:$0x16]  }
0x78: {  	s30 =	rddreg [dreg:$0x6];
	[sflag:s8] =	ssyncadd.s32 $0xFFFFFB00;
	s31 =	sshrl.u32 s29, $0x3  }
0x79: {  	[spmem:s31], [sflag:s24] =	dma.local [hbm:s30], $0x500  }
0x7a: {  	_ =	swait.ge [sflag:s8], $0x500  }
0x7b: {  	[sflag:s8] =	ssyncset.done $0x0;
	s1 =	rddreg [dreg:$0x17]  }
0x7c: {  	s2 =	rddreg [dreg:$0x7];
	[sflag:s8] =	ssyncadd.s32 $0xFFFFFB00;
	s16 =	sshrl.u32 s1, $0x3  }
0x7d: {  	[spmem:s16], [sflag:s24] =	dma.local [hbm:s2], $0x500  }
0x7e: {  	_ =	swait.ge [sflag:s8], $0x500  }
0x7f: {  	[sflag:s8] =	ssyncset.done $0x0;
	s3 =	rddreg [dreg:$0x18]  }
0x80: {  	s4 =	rddreg [dreg:$0x8];
	[sflag:s8] =	ssyncadd.s32 $0xFFFFFB00;
	s0 =	sshrl.u32 s3, $0x3  }
0x81: {  	[spmem:s0], [sflag:s24] =	dma.local [hbm:s4], $0x500  }
0x82: {  	_ =	swait.ge [sflag:s8], $0x500  }
0x83: {  	[sflag:s8] =	ssyncset.done $0x0;
	s7 =	rddreg [dreg:$0x19]  }
0x84: {  	s2 =	rddreg [dreg:$0x9];
	[sflag:s8] =	ssyncadd.s32 $0xFFFFFB00;
	s1 =	sshrl.u32 s7, $0x3  }
0x85: {  	[spmem:s1], [sflag:s24] =	dma.local [hbm:s2], $0x500  }
0x86: {  	_ =	swait.ge [sflag:s8], $0x500  }
0x87: {  	[sflag:s8] =	ssyncset.done $0x0;
	s29 =	rddreg [dreg:$0x1a]  }
0x88: {  	s3 =	rddreg [dreg:$0xa];
	[sflag:s8] =	ssyncadd.s32 $0xFFFFFB00;
	s2 =	sshrl.u32 s29, $0x3  }
0x89: {  	[spmem:s2], [sflag:s24] =	dma.local [hbm:s3], $0x500  }
0x8a: {  	_ =	swait.ge [sflag:s8], $0x500  }
0x8b: {  	[sflag:s8] =	ssyncset.done $0x0;
	s3 =	rddreg [dreg:$0x1b]  }
0x8c: {  	s4 =	rddreg [dreg:$0xb];
	[sflag:s8] =	ssyncadd.s32 $0xFFFFFB00;
	s3 =	sshrl.u32 @!p0 s3, $0x3  }
0x8d: {  	[spmem:s3], [sflag:s24] =	dma.local @!p0 [hbm:s4], $0x500  }
0x8e: {  	s4 =	simm.s32 @!p0 $0x5  }
0x8f: {  	_ =	swait.ge @!p0 [sflag:s4], $0x500  }
0x90: {  	[sflag:s4] =	ssyncset.done @!p0 $0x0  }
0x91: {  	[sflag:s4] =	ssyncadd.s32 @!p0 $0xFFFFFB00  }
0x92: {  	[bflag:$0x0] =	sbarrier.arrive $0xFFFF  }
0x93: {  	s30 =	rddreg [dreg:$0x1c]  }
0x94: {  	[tilespmem:s10], [sflag:$0x1] =	stream.linear.gather [hbm4b:s30+s9], $0x50, $0x38;
	[tilespmem:$0x18A80] =	vst v63  }
0x95: {  	s7 =	rddreg [dreg:$0x1d]  }
0x96: {  	[tilespmem:s11], [sflag:$0x1] =	stream.linear.gather [hbm4b:s7+s9], $0x50, $0x38;
	[tilespmem:$0x18A80] =	vst v63  }
0x97: {  	_ =	swait.ge [sflag:s12], $0x50  }
0x98: {  	[sflag:s12] =	ssyncset.done $0x0  }
0x99: {  	[sflag:s12] =	ssyncadd.s32 $0xFFFFFFB0  }
0x9a: {  	_ =	swait.ge [sflag:s12], $0x50  }
0x9b: {  	[sflag:s12] =	ssyncset.done $0x0  }
0x9c: {  	s29 =	rddreg [dreg:$0x1e];
	[sflag:s12] =	ssyncadd.s32 $0xFFFFFFB0  }
0x9d: {  	[tilespmem:s14], [sflag:$0x3] =	stream.indirect.gather [hbm4b:s20+s13], $0x80, s10, s13, $0xb8;
	[tilespmem:$0x18A80] =	vst v63  }
0x9e: {  	s30 =	rddreg [dreg:$0x1f]  }
0x9f: {  	[tilespmem:s15], [sflag:$0x2] =	stream.linear.gather [hbm4b:s29+s9], $0x50, $0x38;
	[tilespmem:$0x18A80] =	vst v63  }
0xa0: {  	s4 =	simm.s32 $0x0;
	s7 =	sld [smem:$0x7FD]  }
0xa1: {  	[tilespmem:s18], [sflag:$0x2] =	stream.linear.gather [hbm4b:s30+s9], $0x50, $0x38;
	[tilespmem:$0x18A80] =	vst v63  }
.LBB2_2:
0xa2: {  	_ =	swait.ge [sflag:s19], $0x50  }
0xa3: {  	[sflag:s19] =	ssyncset.done $0x0  }
0xa4: {  	[sflag:s19] =	ssyncadd.s32 $0xFFFFFFB0  }
0xa5: {  	_ =	swait.ge [sflag:s19], $0x50  }
0xa6: {  	[sflag:s19] =	ssyncset.done $0x0  }
0xa7: {  	[sflag:s19] =	ssyncadd.s32 $0xFFFFFFB0  }
0xa8: {  	[tilespmem:s23], [sflag:$0x4] =	stream.indirect.gather [hbm4b:s20+s13], $0x80, s15, s13, $0xb8;
	[tilespmem:$0x18A80] =	vst v63  }
0xa9: {  	_ =	swait.ge [sflag:s25], $0x2800  }
0xaa: {  	[sflag:s25] =	ssyncset.done $0x0  }
0xab: {  	[sflag:s25] =	ssyncadd.s32 $0xFFFFD800  }
0xac: {  	[spmem:s17] =	stream.indirect.scatter.add.f32 [tilespmem:s14], [sflag:$0x5], $0x80, s11, s13, $0xb8;
	[tilespmem:$0x18A80] =	vst v63  }
0xad: {  	_ =	swait.ge [sflag:s8], $0x2800  }
0xae: {  	s29 =	sshrl.u32 s7, $0x3;
	[sflag:s8] =	ssyncset.done $0x0  }
0xaf: {  	s30 =	sadd.s32 s21, s29;
	[sflag:s8] =	ssyncadd.s32 $0xFFFFD800  }
0xb0: {  	[tilespmem:s10], [sflag:$0x1] =	stream.linear.gather [hbm4b:s30+s9], $0x50, $0x38;
	[tilespmem:$0x18A80] =	vst v63  }
0xb1: {  	s29 =	sadd.s32 s22, s29  }
0xb2: {  	[tilespmem:s11], [sflag:$0x1] =	stream.linear.gather [hbm4b:s29+s9], $0x50, $0x38;
	[tilespmem:$0x18A80] =	vst v63  }
0xb3: {  	_ =	swait.ge [sflag:s12], $0x50  }
0xb4: {  	[sflag:s12] =	ssyncset.done $0x0  }
0xb5: {  	[sflag:s12] =	ssyncadd.s32 $0xFFFFFFB0  }
0xb6: {  	_ =	swait.ge [sflag:s12], $0x50  }
0xb7: {  	[sflag:s12] =	ssyncset.done $0x0  }
0xb8: {  	[sflag:s12] =	ssyncadd.s32 $0xFFFFFFB0  }
0xb9: {  	[tilespmem:s14], [sflag:$0x3] =	stream.indirect.gather [hbm4b:s20+s13], $0x80, s10, s13, $0xb8;
	[tilespmem:$0x18A80] =	vst v63  }
0xba: {  	_ =	swait.ge [sflag:s26], $0x2800  }
0xbb: {  	p1 =	seq.s32 s4, $0x4C4;
	[sflag:s26] =	ssyncset.done $0x0  }
.Ltmp2:
0xbc: {  	[sflag:s26] =	ssyncadd.s32 $0xFFFFD800;
	(pc) =	sbr.rel @p1 .LBB2_4-.Ltmp2, $4  }
0xbd: {  	[spmem:s17] =	stream.indirect.scatter.add.f32 [tilespmem:s23], [sflag:$0x5], $0x80, s18, s13, $0xb8;
	[tilespmem:$0x18A80] =	vst v63  }
0xbe: {  	_ =	swait.ge [sflag:s8], $0x2800  }
0xbf: {  	[sflag:s8] =	ssyncset.done $0x0  }
0xc0: {  	[sflag:s8] =	ssyncadd.s32 $0xFFFFD800  }
.Ltmp3:
0xc1: {  	(pc) =	sbr.rel .LBB2_2-.Ltmp3, $4  }
0xc2: {  	s29 =	sadd.s32 s4, s6  }
0xc3: {  	[tilespmem:s15], [sflag:$0x2] =	stream.linear.gather [hbm4b:s29+s9], $0x50, $0x38;
	[tilespmem:$0x18A80] =	vst v63  }
0xc4: {  	s30 =	sadd.s32 s4, s5;
	s4 =	sadd.s32 $0x14, s4;
	s7 =	sadd.s32 $0xA0, s7  }
0xc5: {  	[tilespmem:s18], [sflag:$0x2] =	stream.linear.gather [hbm4b:s30+s9], $0x50, $0x38;
	[tilespmem:$0x18A80] =	vst v63  }
.LBB2_5:
0xc6: {  	_ =	sfence.sel $0x180000  }
0xc7: {  	[bflag:$0x0] =	sbarrier.arrive $0xFFFF  }
0xc8: {  	_ =	strace $0x9000004D  }
0xc9: {  	s0 =	stileid.u32;
	[bflag:$0x2] =	sbarrier.arrive $0xFFFF  }
0xca: {  	p0 =	sne.s32 s0, $0x0;
	s0 =	rddreg [dreg:$0x3]  }
0xcb: {  	s0 =	sadd.s32 @!p0 $0x100000, s0  }
0xcc: {  	[sflag:s0] =	ssyncadd.tile.s32 @!p0 $0x1;
	_ =	shalt  }
.Lfunc_end2:
_tile_overlayer_lowered:
.L_overlay_start_2:
0xcd: {  	(tag) =	ssettag $0x2  }
0xce: {  	s0 =	rddreg [dreg:$0x0];
	s2 =	stileid.u32  }
0xcf: {  	s1 =	rddreg [dreg:$0x1];
	p0 =	sne.s32 s2, $0x0  }
0xd0: {  	s3 =	rddreg [dreg:$0x2];
	[bflag:$0x3] =	sbarrier.arrive $0xFFFF;
	s2 =	simm.s32 @!p0 $0x1C05  }
0xd1: {  	[timem:s3], [sflag:s2] =	dma.local @!p0 [hbm:s0], s1  }
0xd2: {  	s0 =	simm.s32 @!p0 $0x5  }
0xd3: {  	_ =	swait.ge @!p0 [sflag:s0], s1  }
0xd4: {  	s1 =	ssub.s32 @!p0 $0x0, s1;
	[sflag:s0] =	ssyncset.done @!p0 $0x0  }
0xd5: {  	[sflag:s0] =	ssyncadd.s32 @!p0 s1  }
0xd6: {  	[bflag:$0x3] =	sbarrier.arrive $0xFFFF  }
0xd7: {  	_ =	shalt  }

// kernel: kernel.8.cloned.1.call-start
scs
__scs_entry_jumppad:
0x0: {  	(pc) =	sbr.rel $0x88, $3  }
0x1: {  	(tag) =	ssettag $0x0;
	lr =	simm.s32 $0x1  }
0x2: {  	[smem:$0x3F9B] =	sst lr;
	_ =	strace $0xD0000000  }
0x3: {  	_ = 	snop  }
0x4: {  	_ = 	snop  }
0x5: {  	_ = 	snop  }
0x6: {  	_ = 	snop  }
0x7: {  	_ = 	snop  }
__scs_overlays_trampoline_lowered:
0x8: {  	[smem:$0x3FAA] =	sst s0  }
0x9: {  	[smem:$0x3FAB] =	sst s1  }
0xa: {  	[smem:$0x3FAC] =	sst s2  }
0xb: {  	[smem:$0x3FAD] =	sst s3  }
0xc: {  	[smem:$0x3FAE] =	sst s4  }
0xd: {  	[smem:$0x3FAF] =	sst s5  }
0xe: {  	[smem:$0x3FB0] =	sst s6  }
0xf: {  	[smem:$0x3FB1] =	sst s7  }
0x10: {  	[smem:$0x3FB2] =	sst s8  }
0x11: {  	[smem:$0x3FB3] =	sst s9;
	s0 =	simm.s32 @!p0 $0x0  }
0x12: {  	s1 =	sld [smem:$0x3F99];
	s0 =	simm.s32 @p0 $0x1  }
0x13: {  	[smem:$0x3FB4] =	sst s0;
	s0 =	simm.s32 @!p1 $0x0  }
0x14: {  	s2 =	sld [smem:$0x3F98];
	s0 =	simm.s32 @p1 $0x1  }
0x15: {  	[smem:$0x3FB5] =	sst s0;
	s0 =	simm.s32 @!p2 $0x0  }
0x16: {  	s3 =	sld [smem:$0x3FDB];
	s0 =	simm.s32 @p2 $0x1  }
0x17: {  	s4 =	simm.s32 $0x1BF5;
	[smem:$0x3FB7] =	sst s0  }
0x18: {  	s0 =	sld [smem:$0x3F9A];
	_ =	swait.ge [sflag:s4], $0x0  }
0x19: {  	s7 =	sld [smem:$0x3F9B]  }
0x1a: {  	s8 =	sadd.s32 $0xFFFFE003, lr  }
0x1b: {  	s9 =	sadd.s32 $0xFFFFFEF7, lr;
	s5 =	simm.s32 $0xFFFFFFFF;
	p2 =	slt.u32 s8, $0xFFFFF086  }
0x1c: {  	p1 =	slt.u32 s9, $0xF7A;
	s5 =	simm.s32 @!p2 $0x0  }
0x1d: {  	s5 =	simm.s32 @p1 $0x1;
	p0 =	seq.s32 s7, s2  }
0x1e: {  	s7 =	smul.u32 @!p0 $0xF7A, s2;
	p2 =	seq.s32 @!p0 s5, $0x0  }
0x1f: {  	s9 =	smul.u32 $0xF7A, s1;
	s8 =	simm.s32 @!p0 $0x1BF5;
	p2 =	por !p2, p0  }
0x20: {  	[sflag:s8] =	ssyncset.s32 @!p0 $0xFFFFF086;
	s6 =	sadd.s32 @!p0 s3, s7;
	s7 =	simm.s32 @!p0 $0x108  }
0x21: {  	s3 =	sadd.s32 s3, s9;
	s6 =	sadd.s32 @!p0 $0x88, s6;
	s7 =	simm.s32 @p2 $0x1082  }
0x22: {  	[simem:s7], [sflag:s8] =	dma.local @!p0 [hbm:s6], $0xF7A  }
0x23: {  	s9 =	sor.u32 $0xD0000000, s2;
	s6 =	simm.s32 $0x108;
	_ =	swait.ge @!p0 [sflag:s8], $0x0  }
0x24: {  	s3 =	sadd.s32 $0x88, s3;
	s6 =	simm.s32 @!p1 $0x1082;
	[sflag:s4] =	ssyncset.s32 $0xFFFFF086  }
0x25: {  	[simem:s6], [sflag:s4] =	dma.local [hbm:s3], $0xF7A  }
0x26: {  	[smem:$0x3F9B] =	sst s1;
	(tag) =	ssettag s2;
	_ =	strace s9  }
0x27: {  	s1 =	sld [smem:$0x3FAB]  }
0x28: {  	s2 =	sld [smem:$0x3FAC]  }
0x29: {  	s4 =	sld [smem:$0x3FAE]  }
0x2a: {  	p0 =	seq.s32 s5, $0x0;
	s5 =	sld [smem:$0x3FAF]  }
0x2b: {  	s6 =	sld [smem:$0x3FB0]  }
0x2c: {  	s7 =	sld [smem:$0x3FB1]  }
0x2d: {  	s3 =	simm.s32 $0x108;
	s8 =	sld [smem:$0x3FB2]  }
0x2e: {  	s3 =	simm.s32 @!p0 $0x1082;
	s9 =	sld [smem:$0x3FB3]  }
0x2f: {  	lr =	sadd.s32 s0, s3;
	s0 =	sld [smem:$0x3FAA]  }
0x30: {  	s3 =	sld [smem:$0x3FAD]  }
0x31: {  	[smem:$0x3FB6] =	sst s10  }
0x32: {  	s10 =	sld [smem:$0x3FB4];
	_ =	sdelay $0x3  }
0x33: {  	p0 =	seq.s32 s10, $0x1;
	s10 =	sld [smem:$0x3FB6];
	_ =	sdelay $0x3  }
0x34: {  	[smem:$0x3FB6] =	sst s10  }
0x35: {  	s10 =	sld [smem:$0x3FB5];
	_ =	sdelay $0x3  }
0x36: {  	p1 =	seq.s32 s10, $0x1;
	s10 =	sld [smem:$0x3FB6];
	_ =	sdelay $0x3  }
0x37: {  	[smem:$0x3FB6] =	sst s10  }
0x38: {  	s10 =	sld [smem:$0x3FB7]  }
0x39: {  	_ = 	snop;
	(pc) =	sbr.ind lr, $3  }
0x3a: {  	_ = 	snop  }
0x3b: {  	_ = 	snop  }
0x3c: {  	p2 =	seq.s32 s10, $0x1;
	s10 =	sld [smem:$0x3FB6]  }
0x3d: {  	_ =	shalt  }
0x3e: {  	_ =	shalt  }
0x3f: {  	_ =	shalt  }
0x40: {  	_ =	shalt  }
0x41: {  	_ =	shalt  }
0x42: {  	_ =	shalt  }
0x43: {  	_ =	shalt  }
0x44: {  	_ =	shalt  }
0x45: {  	_ =	shalt  }
0x46: {  	_ =	shalt  }
0x47: {  	_ =	shalt  }
0x48: {  	_ =	shalt  }
0x49: {  	_ =	shalt  }
0x4a: {  	_ =	shalt  }
0x4b: {  	_ =	shalt  }
0x4c: {  	_ =	shalt  }
0x4d: {  	_ =	shalt  }
0x4e: {  	_ =	shalt  }
0x4f: {  	_ =	shalt  }
0x50: {  	_ =	shalt  }
0x51: {  	_ =	shalt  }
0x52: {  	_ =	shalt  }
0x53: {  	_ =	shalt  }
0x54: {  	_ =	shalt  }
0x55: {  	_ =	shalt  }
0x56: {  	_ =	shalt  }
0x57: {  	_ =	shalt  }
0x58: {  	_ =	shalt  }
0x59: {  	_ =	shalt  }
0x5a: {  	_ =	shalt  }
0x5b: {  	_ =	shalt  }
0x5c: {  	_ =	shalt  }
0x5d: {  	_ =	shalt  }
0x5e: {  	_ =	shalt  }
0x5f: {  	_ =	shalt  }
0x60: {  	_ =	shalt  }
0x61: {  	_ =	shalt  }
0x62: {  	_ =	shalt  }
0x63: {  	_ =	shalt  }
0x64: {  	_ =	shalt  }
0x65: {  	_ =	shalt  }
0x66: {  	_ =	shalt  }
0x67: {  	_ =	shalt  }
0x68: {  	_ =	shalt  }
0x69: {  	_ =	shalt  }
0x6a: {  	_ =	shalt  }
0x6b: {  	_ =	shalt  }
0x6c: {  	_ =	shalt  }
0x6d: {  	_ =	shalt  }
0x6e: {  	_ =	shalt  }
0x6f: {  	_ =	shalt  }
0x70: {  	_ =	shalt  }
0x71: {  	_ =	shalt  }
0x72: {  	_ =	shalt  }
0x73: {  	_ =	shalt  }
0x74: {  	_ =	shalt  }
0x75: {  	_ =	shalt  }
0x76: {  	_ =	shalt  }
0x77: {  	_ =	shalt  }
0x78: {  	_ =	shalt  }
0x79: {  	_ =	shalt  }
0x7a: {  	_ =	shalt  }
0x7b: {  	_ =	shalt  }
0x7c: {  	_ =	shalt  }
0x7d: {  	_ =	shalt  }
0x7e: {  	_ =	shalt  }
0x7f: {  	_ =	shalt  }
0x80: {  	_ =	shalt  }
0x81: {  	_ =	shalt  }
0x82: {  	_ =	shalt  }
0x83: {  	_ =	shalt  }
0x84: {  	_ =	shalt  }
0x85: {  	_ =	shalt  }
0x86: {  	_ =	shalt  }
0x87: {  	_ =	shalt  }
.Lfunc_end0:
.L_simem_size_0:
called_computation_lowered:
.L_overlay_start_0:
0x88: {  	s2 =	sld [smem:$0x3FD9]  }
0x89: {  	s3 =	sld [smem:$0x3FFE];
	_ =	sdelay $0x1  }
0x8a: {  	s1 =	srdreg.scid  }
0x8b: {  	s0 =	sand.u32 $0x1, s1  }
0x8c: {  	s17 =	sshll.u32 s0, $0xA;
	s2 =	sadd.s32 s3, s2  }
0x8d: {  	s2 =	sadd.s32 s2, s17  }
0x8e: {  	[smem:$0x3FC2] =	sst s2  }
0x8f: {  	_ = 	snop  }
0x90: {  	s4 =	sld [smem:$0x3FC9]  }
0x91: {  	s18 =	sld [smem:$0x3FD0];
	(tm) =	ssettm $0x1  }
0x92: {  	s19 =	sld [smem:$0x3FFB];
	_ =	sdelay $0x3  }
0x93: {  	_ =	strace s19  }
0x94: {  	s2 =	sld [smem:$0x3FFC];
	_ =	sdelay $0x3  }
0x95: {  	_ =	strace s2  }
0x96: {  	s2 =	sld [smem:$0x3FFD];
	_ =	sdelay $0x3  }
0x97: {  	_ =	strace s2  }
0x98: {  	_ =	strace $0x8FFFFFFF  }
0x99: {  	s20 =	sld [smem:$0x3FDB];
	_ =	sdelay $0x1  }
0x9a: {  	s5 =	simm.s32 $_scs_section_size  }
0x9b: {  	s6 =	simm.s32 $_size__tile_overlayer_lowered;
	s7 =	simm.s32 $_tile_overlayer_lowered  }
0x9c: {  	s8 =	simm.s32 $0x1BFF;
	s21 =	sshll.u32 s7, $0x1;
	s5 =	sadd.s32 s5, s20  }
0x9d: {  	s22 =	simm.s32 $0x0;
	s6 =	sshll.u32 s6, $0x1;
	s7 =	sadd.s32 s21, s5  }
0x9e: {  	[timem:s22], [sflag:s8] =	dma.local [hbm:s7], s6  }
0x9f: {  	_ =	swait.ge [sflag:s8], s6  }
0xa0: {  	s6 =	ssub.s32 $0x0, s6;
	[sflag:s8] =	ssyncset.done $0x0  }
0xa1: {  	[sflag:s8] =	ssyncadd.s32 s6;
	_ =	sdelay $0x1  }
0xa2: {  	s23 =	simm.s32 $0x1B8B  }
0xa3: {  	_ =	swait.ge [sflag:s23], $0x1  }
0xa4: {  	[sflag:s23] =	ssyncset.done $0x0  }
0xa5: {  	[sflag:s23] =	ssyncadd.s32 $0xFFFFFFFF  }
0xa6: {  	s6 =	sld [smem:$0x0]  }
0xa7: {  	s7 =	sand.u32 $0xFFFFFFFE, s1  }
0xa8: {  	p0 =	sne.s32 s1, s7  }
0xa9: {  	s7 =	sshll.u32 @p0 s7, $0xE  }
0xaa: {  	s7 =	sadd.s32 @p0 $0x11B8D, s7;
	s8 =	sshll.u32 @p0 s6, $0x11  }
0xab: {  	s7 =	sor.u32 @p0 s8, s7  }
0xac: {  	[sflag:s7] =	ssyncadd.remote.s32 @p0 $0x1;
	_ =	sdelay $0x1  }
0xad: {  	s7 =	simm.s32 @p0 $0x1B8D  }
0xae: {  	_ =	swait.eq @p0 [sflag:s7], $0x1  }
0xaf: {  	[sflag:s7] =	ssyncadd.s32 @p0 $0xFFFFFFFF  }
0xb0: {  	s8 =	sshll.u32 @!p0 s1, $0xE  }
0xb1: {  	s8 =	sor.u32 @!p0 $0x4000, s8;
	s7 =	simm.s32 @!p0 $0x1B8D  }
0xb2: {  	s6 =	sshll.u32 @!p0 s6, $0x11;
	s8 =	sadd.s32 @!p0 $0x11B8D, s8;
	_ =	swait.eq @!p0 [sflag:s7], $0x1  }
0xb3: {  	s6 =	sor.u32 @!p0 s6, s8;
	[sflag:s7] =	ssyncadd.s32 @!p0 $0xFFFFFFFF  }
0xb4: {  	s25 =	simm.s32 $0x1B8E;
	s24 =	sld [smem:$0x3FFE];
	[sflag:s6] =	ssyncadd.remote.s32 @!p0 $0x1  }
0xb5: {  	s26 =	simm.s32 $execute0_lowered;
	[smem:$0x3FD2] =	sst s25  }
0xb6: {  	s7 =	sshll.u32 s26, $0x1;
	_ =	strace $0x80000049;
	[dreg:$0x1] =	wrdreg $0xFFFFFFFF  }
0xb7: {  	s28 =	simm.s32 $_size_execute0_lowered;
	s5 =	sadd.s32 s5, s7;
	[dreg:$0x0] =	wrdreg $0x0  }
0xb8: {  	s7 =	sshll.u32 s28, $0x1;
	[dreg:$0x2] =	wrdreg s5  }
0xb9: {  	[dreg:$0x3] =	wrdreg s7  }
0xba: {  	[dreg:$0x4] =	wrdreg $0xC0  }
0xbb: {  	_ =	task [dreg:s22], $0x5FFFF  }
0xbc: {  	[dreg:$0x1] =	wrdreg $0xFFFFFFFF  }
0xbd: {  	[dreg:$0x0] =	wrdreg $0x60  }
0xbe: {  	[dreg:$0x2] =	wrdreg s4  }
0xbf: {  	[dreg:$0x3] =	wrdreg s24  }
0xc0: {  	[dreg:$0x4] =	wrdreg s18  }
0xc1: {  	[dreg:$0x5] =	wrdreg $0x0  }
0xc2: {  	[dreg:$0x6] =	wrdreg $0x9  }
0xc3: {  	_ =	task.clear_ibuf [dreg:s22], $0x7FFFF;
	_ =	strace $0x90000049  }
0xc4: {  	s29 =	simm.s32 $0x9;
	_ =	strace $0x8000004B  }
0xc5: {  	_ =	swait.ge [sflag:s29], $0x1  }
0xc6: {  	[sflag:s29] =	ssyncadd.s32 $0xFFFFFFFF  }
0xc7: {  	_ =	strace $0x9000004B  }
0xc8: {  	_ =	sfence  }
0xc9: {  	s30 =	sld [smem:$0x0];
	_ =	sdelay $0x2  }
0xca: {  	s31 =	sshll.u32 s1, $0xD;
	s1 =	sshrl.u32 s1, $0x2  }
0xcb: {  	s4 =	sand.u32 $0x4000, s31;
	s1 =	sadd.s32 s1, s30  }
0xcc: {  	s0 =	sor.u32 s4, s0;
	s1 =	sshll.u32 s1, $0x11  }
0xcd: {  	s0 =	sor.u32 s1, s0  }
0xce: {  	s0 =	sadd.s32 $0x8F2B, s0  }
0xcf: {  	[sflag:s0] =	ssyncadd.remote.s32 $0x1  }
0xd0: {  	_ =	sfence.sel $0xFFFF  }
0xd1: {  	[dreg:$0x0] =	wrdreg $0xFFFFFFFF;
	(pc) =	sbr.abs _section_cstart, $3  }
0xd2: {  	[dreg:$0x1] =	wrdreg $0xFFFFFFFF  }
0xd3: {  	_ =	task.clear_ibuf [dreg:s22], $0x2FFFF;
	_ =	strace $0x9FFFFFFF  }
0xd4: {  	(tm) =	ssettm $0x7FFFFFFF  }
0xd5: {  	_ =	shalt  }
tec
execute0_lowered:
.L_overlay_start_1:
0x0: {  	(tag) =	ssettag $0x1  }
0x1: {  	s23 =	stileid.u32  }
0x2: {  	s8 =	smul.u32 $0x500, s23  }
0x3: {  	s7 =	sor.u32 $0x10, s23;
	s20 =	smul.u32 $0x2800, s23  }
0x4: {  	s6 =	sor.u32 $0x20, s23;
	s9 =	smul.u32 $0x500, s7  }
0x5: {  	s4 =	sor.u32 $0x30, s23;
	s10 =	smul.u32 $0x500, s6  }
0x6: {  	s5 =	sor.u32 $0x40, s23;
	s11 =	smul.u32 $0x500, s4  }
0x7: {  	s3 =	sor.u32 $0x50, s23;
	s12 =	smul.u32 $0x500, s5  }
0x8: {  	s1 =	sor.u32 $0x60, s23;
	s13 =	smul.u32 $0x500, s3  }
0x9: {  	s0 =	srdreg.scid;
	s2 =	sor.u32 $0x70, s23;
	s14 =	smul.u32 $0x500, s1  }
0xa: {  	s15 =	sand.u32 $0x1, s0;
	s16 =	smul.u32 $0x500, s2  }
0xb: {  	s17 =	smul.u32 $0x138800, s15  }
0xc: {  	s25 =	smul.u32 $0x2800, s7  }
0xd: {  	s31 =	smul.u32 $0x2800, s4  }
0xe: {  	s22 =	smul.u32 $0x2800, s3  }
0xf: {  	s18 =	rddreg [dreg:$0x1];
	s28 =	simm.s32 $0x0;
	s7 =	smul.u32 $0xA000, s7  }
0x10: {  	s21 =	sadd.s32 $0x15800, s18;
	p0 =	sgt.u32 s23, $0xC;
	s4 =	smul.u32 $0xA000, s4  }
0x11: {  	s0 =	ssub.s32 $0x2, s15;
	s3 =	smul.u32 $0xA000, s3;
	s8 =	sadd.s32 s21, s8  }
0x12: {  	[dreg:$0x5] =	wrdreg s8;
	s26 =	sadd.s32 s21, s9;
	s29 =	sadd.s32 s21, s10  }
0x13: {  	s30 =	sadd.s32 s21, s11;
	s11 =	sadd.s32 s21, s12;
	s12 =	sadd.s32 s21, s13  }
0x14: {  	s14 =	sadd.s32 s21, s14;
	s21 =	sadd.s32 s21, s16;
	s16 =	rddreg [dreg:$0x0]  }
0x15: {  	s19 =	sshrl.u32 s0, $0x1;
	s8 =	smul.u32 $0x2800, s6;
	[dreg:$0x6] =	wrdreg s26  }
0x16: {  	s0 =	ssub.s32 s0, s19;
	s13 =	smul.u32 $0x2800, s5;
	[dreg:$0x7] =	wrdreg s29  }
0x17: {  	s24 =	sadd.s32 s20, s17;
	s25 =	sadd.s32 s17, s25;
	[dreg:$0x8] =	wrdreg s30  }
0x18: {  	s9 =	simm.s32 $0x0;
	s6 =	smul.u32 $0xA000, s6;
	[dreg:$0x9] =	wrdreg s11  }
0x19: {  	s5 =	smul.u32 $0xA000, s5;
	s7 =	sshrl.u32 s7, $0x2;
	[dreg:$0xa] =	wrdreg s12  }
0x1a: {  	s4 =	sshrl.u32 s4, $0x2;
	s3 =	sshrl.u32 s3, $0x2;
	[dreg:$0xb] =	wrdreg s14  }
0x1b: {  	[dreg:$0xc] =	wrdreg s21;
	s26 =	smul.u32 $0x2800, s1;
	s29 =	sadd.s32 s17, s31  }
0x1c: {  	s30 =	smul.u32 $0x2800, s2;
	s11 =	sadd.s32 s17, s22;
	[smem:$0x7FF] =	sst s9  }
0x1d: {  	s12 =	sshrl.u32 s24, $0x3;
	s31 =	rddreg [dreg:$0x2];
	s1 =	smul.u32 $0xA000, s1  }
0x1e: {  	s2 =	smul.u32 $0xA000, s2;
	s0 =	smax.u32 s0, $0x1;
	s8 =	sadd.s32 s17, s8  }
0x1f: {  	s10 =	sadd.s32 s17, s13;
	s13 =	sshrl.u32 s25, $0x3;
	s12 =	sadd.s32 s31, s12  }
0x20: {  	s20 =	sshrl.u32 s29, $0x3;
	s22 =	sshrl.u32 s11, $0x3;
	s25 =	smul.u32 $0x27100, s15  }
0x21: {  	s29 =	smul.u32 $0x2710, s23;
	s6 =	sshrl.u32 s6, $0x2;
	s5 =	sshrl.u32 s5, $0x2  }
0x22: {  	s14 =	sadd.s32 s17, s26;
	s17 =	sadd.s32 s17, s30;
	[dreg:$0xd] =	wrdreg s12  }
0x23: {  	s13 =	sadd.s32 s31, s13;
	s8 =	sshrl.u32 s8, $0x3;
	s10 =	sshrl.u32 s10, $0x3  }
0x24: {  	s12 =	sshll.u32 s15, $0x4;
	s1 =	sshrl.u32 s1, $0x2;
	s2 =	sshrl.u32 s2, $0x2  }
0x25: {  	[dreg:$0xe] =	wrdreg s13;
	s8 =	sadd.s32 s31, s8;
	s21 =	sadd.s32 s31, s10  }
0x26: {  	s24 =	sshrl.u32 s14, $0x3;
	s26 =	sshrl.u32 s17, $0x3;
	[dreg:$0xf] =	wrdreg s8  }
0x27: {  	s11 =	sor.u32 s23, s12;
	s13 =	sshll.u32 s23, $0x6;
	[dreg:$0x11] =	wrdreg s21  }
0x28: {  	s12 =	simm.s32 $0x1;
	s8 =	sadd.s32 s31, s20;
	s20 =	rddreg [dreg:$0x3]  }
0x29: {  	s30 =	sadd.s32 s31, s26;
	s21 =	sadd.s32 $0xB400, s18;
	[dreg:$0x10] =	wrdreg s8  }
0x2a: {  	s14 =	smul.u32 $0x2710, s11;
	s8 =	sadd.s32 s31, s22;
	[dreg:$0x14] =	wrdreg s30  }
0x2b: {  	s11 =	simm.s32 $0x13980;
	[dreg:$0x12] =	wrdreg s8;
	s8 =	sadd.s32 s31, s24  }
0x2c: {  	s22 =	sadd.s32 $0x1600, s18;
	s7 =	sadd.s32 s7, s20;
	[dreg:$0x13] =	wrdreg s8  }
0x2d: {  	s6 =	sadd.s32 s6, s20;
	_ =	strace $0x8000004A;
	[dreg:$0x16] =	wrdreg s7  }
0x2e: {  	s4 =	sadd.s32 s4, s20;
	s15 =	sadd.s32 s5, s20;
	[dreg:$0x17] =	wrdreg s6  }
0x2f: {  	s3 =	sadd.s32 s3, s20;
	s1 =	sadd.s32 s1, s20;
	[dreg:$0x18] =	wrdreg s4  }
0x30: {  	s18 =	sadd.s32 s2, s20;
	s31 =	smul.u32 $0xA000, s23;
	[dreg:$0x19] =	wrdreg s15  }
0x31: {  	s24 =	sor.u32 $0x1C05, s13;
	s17 =	sshrl.u32 s14, $0x3;
	[dreg:$0x1a] =	wrdreg s3  }
0x32: {  	s13 =	simm.s32 $0x50;
	s14 =	simm.s32 $0x13A80;
	[dreg:$0x1b] =	wrdreg s1  }
0x33: {  	s23 =	simm.s32 $0x16280;
	s19 =	sadd.s32 s21, s17;
	[dreg:$0x1c] =	wrdreg s18  }
0x34: {  	s8 =	sadd.s32 s29, s25;
	s25 =	sadd.s32 s22, s17;
	[dreg:$0x1d] =	wrdreg s19  }
0x35: {  	s26 =	sadd.s32 $0xA, s17;
	s10 =	sshrl.u32 s31, $0x2;
	[dreg:$0x1e] =	wrdreg s25  }
0x36: {  	s29 =	sadd.s32 $0xF0, s8;
	s3 =	sadd.s32 s21, s26;
	s1 =	sadd.s32 s22, s26  }
0x37: {  	[smem:$0x7FC] =	sst s0;
	s31 =	sadd.s32 $0xA0, s8;
	s8 =	simm.s32 $0x5  }
.Ltmp0:
0x38: {  	s15 =	simm.s32 $0x13900;
	[dreg:$0x1f] =	wrdreg s3;
	(pc) =	sbr.rel .LBB2_1-.Ltmp0, $4  }
0x39: {  	s18 =	simm.s32 $0x13A00;
	s19 =	simm.s32 $0x2;
	[smem:$0x7FB] =	sst s1  }
0x3a: {  	s25 =	simm.s32 $0x3;
	s10 =	sadd.s32 s10, s20;
	[smem:$0x7FD] =	sst s31  }
0x3b: {  	s26 =	simm.s32 $0x4;
	s30 =	sshrl.u32 s29, $0x3;
	[dreg:$0x15] =	wrdreg s10  }
0x3c: {  	s5 =	sadd.s32 s30, s22;
	s6 =	sadd.s32 s30, s21;
	s10 =	simm.s32 $0x13880  }
.LBB2_4:
0x3d: {  	_ =	swait.ge [sflag:s25], $0x2800  }
0x3e: {  	[sflag:s25] =	ssyncset.done $0x0  }
0x3f: {  	[sflag:s25] =	ssyncadd.s32 $0xFFFFD800  }
0x40: {  	[spmem:s20] =	stream.indirect.scatter.add.f32 [tilespmem:s14], [sflag:$0x5], $0x80, s11, s13, $0xb8;
	[tilespmem:$0x18A80] =	vst v63  }
0x41: {  	_ =	swait.ge [sflag:s8], $0x2800  }
0x42: {  	[sflag:s8] =	ssyncset.done $0x0  }
0x43: {  	[sflag:s8] =	ssyncadd.s32 $0xFFFFD800  }
0x44: {  	[bflag:$0x0] =	sbarrier.arrive $0xFFFF  }
0x45: {  	s7 =	sld [smem:$0x7F9];
	_ =	sdelay $0x1  }
0x46: {  	s4 =	rddreg [dreg:$0xd]  }
0x47: {  	[hbm:s4], [sflag:s24] =	dma.local [spmem:s7], $0x500  }
0x48: {  	_ =	swait.ge [sflag:s8], $0x500  }
0x49: {  	s29 =	sld [smem:$0x7FA]  }
0x4a: {  	[sflag:s8] =	ssyncset.done $0x0  }
0x4b: {  	s7 =	rddreg [dreg:$0xe];
	[sflag:s8] =	ssyncadd.s32 $0xFFFFFB00  }
0x4c: {  	[hbm:s7], [sflag:s24] =	dma.local [spmem:s29], $0x500  }
0x4d: {  	_ =	swait.ge [sflag:s8], $0x500  }
0x4e: {  	[sflag:s8] =	ssyncset.done $0x0  }
0x4f: {  	s30 =	rddreg [dreg:$0xf];
	[sflag:s8] =	ssyncadd.s32 $0xFFFFFB00  }
0x50: {  	[hbm:s30], [sflag:s24] =	dma.local [spmem:s31], $0x500  }
0x51: {  	_ =	swait.ge [sflag:s8], $0x500  }
0x52: {  	[sflag:s8] =	ssyncset.done $0x0  }
0x53: {  	s7 =	rddreg [dreg:$0x10];
	[sflag:s8] =	ssyncadd.s32 $0xFFFFFB00  }
0x54: {  	[hbm:s7], [sflag:s24] =	dma.local [spmem:s17], $0x500  }
0x55: {  	_ =	swait.ge [sflag:s8], $0x500  }
0x56: {  	[sflag:s8] =	ssyncset.done $0x0  }
0x57: {  	s17 =	rddreg [dreg:$0x11];
	[sflag:s8] =	ssyncadd.s32 $0xFFFFFB00  }
0x58: {  	[hbm:s17], [sflag:s24] =	dma.local [spmem:s0], $0x500  }
0x59: {  	_ =	swait.ge [sflag:s8], $0x500  }
0x5a: {  	[sflag:s8] =	ssyncset.done $0x0  }
0x5b: {  	s29 =	rddreg [dreg:$0x12];
	[sflag:s8] =	ssyncadd.s32 $0xFFFFFB00  }
0x5c: {  	[hbm:s29], [sflag:s24] =	dma.local [spmem:s1], $0x500  }
0x5d: {  	_ =	swait.ge [sflag:s8], $0x500  }
0x5e: {  	[sflag:s8] =	ssyncset.done $0x0  }
0x5f: {  	s30 =	rddreg [dreg:$0x13];
	[sflag:s8] =	ssyncadd.s32 $0xFFFFFB00  }
0x60: {  	[hbm:s30], [sflag:s24] =	dma.local [spmem:s2], $0x500  }
0x61: {  	_ =	swait.ge [sflag:s8], $0x500  }
0x62: {  	[sflag:s8] =	ssyncset.done $0x0  }
0x63: {  	s0 =	rddreg [dreg:$0x14];
	[sflag:s8] =	ssyncadd.s32 $0xFFFFFB00  }
0x64: {  	[hbm:s0], [sflag:s24] =	dma.local @!p0 [spmem:s3], $0x500  }
0x65: {  	s0 =	simm.s32 @!p0 $0x5  }
0x66: {  	_ =	swait.ge @!p0 [sflag:s0], $0x500  }
0x67: {  	s31 =	sld [smem:$0x7FC];
	_ =	sdelay $0x1  }
0x68: {  	s28 =	sadd.s32 $0x1, s28  }
0x69: {  	p1 =	sne.s32 s28, s31  }
.Ltmp1:
0x6a: {  	_ = 	snop;
	(pc) =	sbr.rel @!p1 .LBB2_5-.Ltmp1, $3  }
0x6b: {  	_ =	sdelay $0x1  }
0x6c: {  	[sflag:s0] =	ssyncset.done @!p0 $0x0  }
0x6d: {  	[sflag:s0] =	ssyncadd.s32 @!p0 $0xFFFFFB00  }
.LBB2_1:
0x6e: {  	s0 =	rddreg [dreg:$0x15]  }
0x6f: {  	s3 =	rddreg [dreg:$0x5];
	s1 =	sshrl.u32 s0, $0x3  }
0x70: {  	[smem:$0x7F9] =	sst s1  }
0x71: {  	[spmem:s1], [sflag:s24] =	dma.local [hbm:s3], $0x500  }
0x72: {  	_ =	swait.ge [sflag:s8], $0x500  }
0x73: {  	s4 =	rddreg [dreg:$0x16]  }
0x74: {  	[sflag:s8] =	ssyncset.done $0x0;
	s17 =	rddreg [dreg:$0x6];
	s7 =	sshrl.u32 s4, $0x3  }
0x75: {  	[sflag:s8] =	ssyncadd.s32 $0xFFFFFB00;
	[smem:$0x7FA] =	sst s7  }
0x76: {  	[spmem:s7], [sflag:s24] =	dma.local [hbm:s17], $0x500  }
0x77: {  	_ =	swait.ge [sflag:s8], $0x500  }
0x78: {  	[sflag:s8] =	ssyncset.done $0x0;
	s29 =	rddreg [dreg:$0x17]  }
0x79: {  	s30 =	rddreg [dreg:$0x7];
	[sflag:s8] =	ssyncadd.s32 $0xFFFFFB00;
	s31 =	sshrl.u32 s29, $0x3  }
0x7a: {  	[spmem:s31], [sflag:s24] =	dma.local [hbm:s30], $0x500  }
0x7b: {  	_ =	swait.ge [sflag:s8], $0x500  }
0x7c: {  	[sflag:s8] =	ssyncset.done $0x0;
	s1 =	rddreg [dreg:$0x18]  }
0x7d: {  	s2 =	rddreg [dreg:$0x8];
	[sflag:s8] =	ssyncadd.s32 $0xFFFFFB00;
	s17 =	sshrl.u32 s1, $0x3  }
0x7e: {  	[spmem:s17], [sflag:s24] =	dma.local [hbm:s2], $0x500  }
0x7f: {  	_ =	swait.ge [sflag:s8], $0x500  }
0x80: {  	[sflag:s8] =	ssyncset.done $0x0;
	s3 =	rddreg [dreg:$0x19]  }
0x81: {  	s4 =	rddreg [dreg:$0x9];
	[sflag:s8] =	ssyncadd.s32 $0xFFFFFB00;
	s0 =	sshrl.u32 s3, $0x3  }
0x82: {  	[spmem:s0], [sflag:s24] =	dma.local [hbm:s4], $0x500  }
0x83: {  	_ =	swait.ge [sflag:s8], $0x500  }
0x84: {  	[sflag:s8] =	ssyncset.done $0x0;
	s7 =	rddreg [dreg:$0x1a]  }
0x85: {  	s2 =	rddreg [dreg:$0xa];
	[sflag:s8] =	ssyncadd.s32 $0xFFFFFB00;
	s1 =	sshrl.u32 s7, $0x3  }
0x86: {  	[spmem:s1], [sflag:s24] =	dma.local [hbm:s2], $0x500  }
0x87: {  	_ =	swait.ge [sflag:s8], $0x500  }
0x88: {  	[sflag:s8] =	ssyncset.done $0x0;
	s29 =	rddreg [dreg:$0x1b]  }
0x89: {  	s3 =	rddreg [dreg:$0xb];
	[sflag:s8] =	ssyncadd.s32 $0xFFFFFB00;
	s2 =	sshrl.u32 s29, $0x3  }
0x8a: {  	[spmem:s2], [sflag:s24] =	dma.local [hbm:s3], $0x500  }
0x8b: {  	_ =	swait.ge [sflag:s8], $0x500  }
0x8c: {  	[sflag:s8] =	ssyncset.done $0x0;
	s3 =	rddreg [dreg:$0x1c]  }
0x8d: {  	s4 =	rddreg [dreg:$0xc];
	[sflag:s8] =	ssyncadd.s32 $0xFFFFFB00;
	s3 =	sshrl.u32 @!p0 s3, $0x3  }
0x8e: {  	[spmem:s3], [sflag:s24] =	dma.local @!p0 [hbm:s4], $0x500  }
0x8f: {  	s4 =	simm.s32 @!p0 $0x5  }
0x90: {  	_ =	swait.ge @!p0 [sflag:s4], $0x500  }
0x91: {  	[sflag:s4] =	ssyncset.done @!p0 $0x0  }
0x92: {  	[sflag:s4] =	ssyncadd.s32 @!p0 $0xFFFFFB00  }
0x93: {  	[bflag:$0x0] =	sbarrier.arrive $0xFFFF  }
0x94: {  	s30 =	rddreg [dreg:$0x1d]  }
0x95: {  	[tilespmem:s10], [sflag:$0x1] =	stream.linear.gather [hbm4b:s30+s9], $0x50, $0x38;
	[tilespmem:$0x18A80] =	vst v63  }
0x96: {  	s7 =	rddreg [dreg:$0x1e]  }
0x97: {  	[tilespmem:s11], [sflag:$0x1] =	stream.linear.gather [hbm4b:s7+s9], $0x50, $0x38;
	[tilespmem:$0x18A80] =	vst v63  }
0x98: {  	_ =	swait.ge [sflag:s12], $0x50  }
0x99: {  	[sflag:s12] =	ssyncset.done $0x0  }
0x9a: {  	[sflag:s12] =	ssyncadd.s32 $0xFFFFFFB0  }
0x9b: {  	_ =	swait.ge [sflag:s12], $0x50  }
0x9c: {  	[sflag:s12] =	ssyncset.done $0x0  }
0x9d: {  	s29 =	rddreg [dreg:$0x1f];
	[sflag:s12] =	ssyncadd.s32 $0xFFFFFFB0  }
0x9e: {  	[tilespmem:s14], [sflag:$0x3] =	stream.indirect.gather [hbm4b:s16+s13], $0x80, s10, s13, $0xb8;
	[tilespmem:$0x18A80] =	vst v63  }
0x9f: {  	s30 =	sld [smem:$0x7FB]  }
0xa0: {  	[tilespmem:s15], [sflag:$0x2] =	stream.linear.gather [hbm4b:s29+s9], $0x50, $0x38;
	[tilespmem:$0x18A80] =	vst v63  }
0xa1: {  	s4 =	simm.s32 $0x0;
	s7 =	sld [smem:$0x7FD]  }
0xa2: {  	[tilespmem:s18], [sflag:$0x2] =	stream.linear.gather [hbm4b:s30+s9], $0x50, $0x38;
	[tilespmem:$0x18A80] =	vst v63  }
.LBB2_2:
0xa3: {  	_ =	swait.ge [sflag:s19], $0x50  }
0xa4: {  	[sflag:s19] =	ssyncset.done $0x0  }
0xa5: {  	[sflag:s19] =	ssyncadd.s32 $0xFFFFFFB0  }
0xa6: {  	_ =	swait.ge [sflag:s19], $0x50  }
0xa7: {  	[sflag:s19] =	ssyncset.done $0x0  }
0xa8: {  	[sflag:s19] =	ssyncadd.s32 $0xFFFFFFB0  }
0xa9: {  	[tilespmem:s23], [sflag:$0x4] =	stream.indirect.gather [hbm4b:s16+s13], $0x80, s15, s13, $0xb8;
	[tilespmem:$0x18A80] =	vst v63  }
0xaa: {  	_ =	swait.ge [sflag:s25], $0x2800  }
0xab: {  	[sflag:s25] =	ssyncset.done $0x0  }
0xac: {  	[sflag:s25] =	ssyncadd.s32 $0xFFFFD800  }
0xad: {  	[spmem:s20] =	stream.indirect.scatter.add.f32 [tilespmem:s14], [sflag:$0x5], $0x80, s11, s13, $0xb8;
	[tilespmem:$0x18A80] =	vst v63  }
0xae: {  	_ =	swait.ge [sflag:s8], $0x2800  }
0xaf: {  	s29 =	sshrl.u32 s7, $0x3;
	[sflag:s8] =	ssyncset.done $0x0  }
0xb0: {  	s30 =	sadd.s32 s21, s29;
	[sflag:s8] =	ssyncadd.s32 $0xFFFFD800  }
0xb1: {  	[tilespmem:s10], [sflag:$0x1] =	stream.linear.gather [hbm4b:s30+s9], $0x50, $0x38;
	[tilespmem:$0x18A80] =	vst v63  }
0xb2: {  	s29 =	sadd.s32 s22, s29  }
0xb3: {  	[tilespmem:s11], [sflag:$0x1] =	stream.linear.gather [hbm4b:s29+s9], $0x50, $0x38;
	[tilespmem:$0x18A80] =	vst v63  }
0xb4: {  	_ =	swait.ge [sflag:s12], $0x50  }
0xb5: {  	[sflag:s12] =	ssyncset.done $0x0  }
0xb6: {  	[sflag:s12] =	ssyncadd.s32 $0xFFFFFFB0  }
0xb7: {  	_ =	swait.ge [sflag:s12], $0x50  }
0xb8: {  	[sflag:s12] =	ssyncset.done $0x0  }
0xb9: {  	[sflag:s12] =	ssyncadd.s32 $0xFFFFFFB0  }
0xba: {  	[tilespmem:s14], [sflag:$0x3] =	stream.indirect.gather [hbm4b:s16+s13], $0x80, s10, s13, $0xb8;
	[tilespmem:$0x18A80] =	vst v63  }
0xbb: {  	_ =	swait.ge [sflag:s26], $0x2800  }
0xbc: {  	p1 =	seq.s32 s4, $0x4C4;
	[sflag:s26] =	ssyncset.done $0x0  }
.Ltmp2:
0xbd: {  	[sflag:s26] =	ssyncadd.s32 $0xFFFFD800;
	(pc) =	sbr.rel @p1 .LBB2_4-.Ltmp2, $4  }
0xbe: {  	[spmem:s20] =	stream.indirect.scatter.add.f32 [tilespmem:s23], [sflag:$0x5], $0x80, s18, s13, $0xb8;
	[tilespmem:$0x18A80] =	vst v63  }
0xbf: {  	_ =	swait.ge [sflag:s8], $0x2800  }
0xc0: {  	[sflag:s8] =	ssyncset.done $0x0  }
0xc1: {  	[sflag:s8] =	ssyncadd.s32 $0xFFFFD800  }
.Ltmp3:
0xc2: {  	(pc) =	sbr.rel .LBB2_2-.Ltmp3, $4  }
0xc3: {  	s29 =	sadd.s32 s4, s6  }
0xc4: {  	[tilespmem:s15], [sflag:$0x2] =	stream.linear.gather [hbm4b:s29+s9], $0x50, $0x38;
	[tilespmem:$0x18A80] =	vst v63  }
0xc5: {  	s30 =	sadd.s32 s4, s5;
	s4 =	sadd.s32 $0x14, s4;
	s7 =	sadd.s32 $0xA0, s7  }
0xc6: {  	[tilespmem:s18], [sflag:$0x2] =	stream.linear.gather [hbm4b:s30+s9], $0x50, $0x38;
	[tilespmem:$0x18A80] =	vst v63  }
.LBB2_5:
0xc7: {  	_ =	sfence.sel $0x180000  }
0xc8: {  	[bflag:$0x0] =	sbarrier.arrive $0xFFFF  }
0xc9: {  	_ =	strace $0x9000004A  }
0xca: {  	s0 =	stileid.u32;
	[bflag:$0x2] =	sbarrier.arrive $0xFFFF  }
0xcb: {  	p0 =	sne.s32 s0, $0x0;
	s0 =	rddreg [dreg:$0x4]  }
0xcc: {  	s0 =	sadd.s32 @!p0 $0x100000, s0  }
0xcd: {  	[sflag:s0] =	ssyncadd.tile.s32 @!p0 $0x1;
	_ =	shalt  }
.Lfunc_end2:
_tile_overlayer_lowered:
.L_overlay_start_2:
0xce: {  	(tag) =	ssettag $0x2  }
0xcf: {  	s0 =	rddreg [dreg:$0x0];
	s2 =	stileid.u32  }
0xd0: {  	s1 =	rddreg [dreg:$0x1];
	p0 =	sne.s32 s2, $0x0  }
0xd1: {  	s3 =	rddreg [dreg:$0x2];
	[bflag:$0x3] =	sbarrier.arrive $0xFFFF;
	s2 =	simm.s32 @!p0 $0x1C05  }
0xd2: {  	[timem:s3], [sflag:s2] =	dma.local @!p0 [hbm:s0], s1  }
0xd3: {  	s0 =	simm.s32 @!p0 $0x5  }
0xd4: {  	_ =	swait.ge @!p0 [sflag:s0], s1  }
0xd5: {  	s1 =	ssub.s32 @!p0 $0x0, s1;
	[sflag:s0] =	ssyncset.done @!p0 $0x0  }
0xd6: {  	[sflag:s0] =	ssyncadd.s32 @!p0 s1  }
0xd7: {  	[bflag:$0x3] =	sbarrier.arrive $0xFFFF  }
0xd8: {  	_ =	shalt  }

</sc_bundles>
